<compile_context>
chip_gen: v7x
topology: tpu7x:2x2x1
jax: 0.10.2.dev20260603
libtpu: 0.0.44.dev20260713+nightly
codegen_flags: <defaults>
</compile_context>

<pallas_src>
import functools

import jax
import jax.numpy as jnp
from jax import lax
from jax.experimental import pallas as pl
from jax.experimental.pallas import tpu as pltpu
from jax.experimental.pallas import tpu_sc as plsc

N = 10000
E = 160000
D = 128
HID = 1024
C = 128
B = 8192
EPS = 1e-10

NC, NS = 2, 16
NW = NC * NS
EW = E // NW
K = 128
STEPS = (EW + K - 1) // K
EWP = STEPS * K
TAIL = EW - (STEPS - 1) * K
NACC = 10240
DUMMY = 10016
RPS = NACC // NS
HW = 128
RB = 1000
GRID = N // RB
QB = 512
BF = jnp.bfloat16
F32 = jnp.float32



def _sc_histogram(dst3, vals_full_h, zrows_h):
    mesh = plsc.VectorSubcoreMesh(core_axis_name="c", subcore_axis_name="s")

    @functools.partial(
        pl.kernel,
        out_type=jax.ShapeDtypeStruct((NC, NACC, HW), F32),
        mesh=mesh,
        scratch_types=[
            pltpu.VMEM((STEPS, K), jnp.int32),
            pltpu.VMEM((K, HW), F32),
            pltpu.VMEM_SHARED((NACC, HW), F32),
            pltpu.SemaphoreType.DMA,
        ],
    )
    def run(dst3_h, vf_h, zr_h, out_h, dstv, vfull, acc, sem):
        c = lax.axis_index("c")
        s = lax.axis_index("s")
        w = c * NS + s
        pltpu.sync_copy(dst3_h.at[w], dstv)
        pltpu.sync_copy(vf_h, vfull)
        r0 = s * RPS
        pltpu.sync_copy(zr_h, acc.at[pl.ds(r0, RPS)])
        plsc.subcore_barrier()

        @pl.loop(0, STEPS)
        def _(j):
            pltpu.async_copy(vfull, acc.at[dstv.at[j]], sem, add=True)

        @pl.loop(0, STEPS)
        def _(j):
            pltpu.make_async_copy(vfull, acc.at[dstv.at[0]], sem).wait()

        plsc.subcore_barrier()
        pltpu.sync_copy(acc.at[pl.ds(r0, RPS)], out_h.at[c, pl.ds(r0, RPS)])

    return run(dst3, vals_full_h, zrows_h)


def _make_propagate(T):
    mesh = plsc.VectorSubcoreMesh(core_axis_name="c", subcore_axis_name="s")

    NB = 2

    @functools.partial(
        pl.kernel,
        out_type=jax.ShapeDtypeStruct((NC, T, NACC, D), F32),
        mesh=mesh,
        scratch_types=[
            pltpu.VMEM((STEPS, K), jnp.int32),
            pltpu.VMEM((STEPS, K), jnp.int32),
            [pltpu.VMEM((K, D), F32)] * NB,
            pltpu.VMEM_SHARED((NACC, D), F32),
            [pltpu.SemaphoreType.DMA] * NB,
            [pltpu.SemaphoreType.DMA] * NB,
        ],
    )
    def run(*refs):
        tabs = refs[:T]
        src3_h, dst3_h, zr_h, out_h = refs[T:T + 4]
        srcv, dstv, rows, acc, gsem, ssem = refs[T + 4:]
        c = lax.axis_index("c")
        s = lax.axis_index("s")
        w = c * NS + s
        pltpu.sync_copy(src3_h.at[w], srcv)
        pltpu.sync_copy(dst3_h.at[w], dstv)
        r0 = s * RPS
        for t in range(T):
            tab = tabs[t]

            def fire_g(j, r):
                pltpu.async_copy(tab.at[srcv.at[j]], rows[r], gsem[r])

            def wait_g(r):
                pltpu.make_async_copy(tab.at[srcv.at[0]], rows[r],
                                      gsem[r]).wait()

            def fire_s(j, r):
                pltpu.async_copy(rows[r], acc.at[dstv.at[j]], ssem[r],
                                 add=True)

            def wait_s(r):
                pltpu.make_async_copy(rows[r], acc.at[dstv.at[0]],
                                      ssem[r]).wait()

            def step(j, r, refill):
                wait_g(r)
                fire_s(j, r)
                if refill:
                    r2 = (r + 1) % NB
                    wait_s(r2)
                    fire_g(j + 1, r2)

            pltpu.sync_copy(zr_h, acc.at[pl.ds(r0, RPS)])
            plsc.subcore_barrier()
            fire_g(0, 0)
            fire_g(1, 1)
            step(0, 0, False)
            step(1, 1, True)

            @pl.loop(1, STEPS // NB - 1)
            def _(i):
                j0 = i * NB
                step(j0, 0, True)
                step(j0 + 1, 1, True)

            step(STEPS - 2, 0, True)
            step(STEPS - 1, 1, False)
            for r in range(NB):
                wait_s(r)
            plsc.subcore_barrier()
            pltpu.sync_copy(acc.at[pl.ds(r0, RPS)],
                            out_h.at[c, t, pl.ds(r0, RPS)])
            plsc.subcore_barrier()

    return run


@functools.lru_cache(maxsize=None)
def _propagate(T):
    return _make_propagate(T)


def _sc_gather_pairs(tp, u3, v3):
    mesh = plsc.VectorSubcoreMesh(core_axis_name="c", subcore_axis_name="s")
    PW = B // NW // K

    @functools.partial(
        pl.kernel,
        out_type=(jax.ShapeDtypeStruct((B, 2 * C), F32),
                  jax.ShapeDtypeStruct((B, 2 * C), F32)),
        mesh=mesh,
        scratch_types=[
            pltpu.VMEM((PW, K), jnp.int32),
            pltpu.VMEM((K, 2 * C), F32),
            pltpu.SemaphoreType.DMA,
        ],
    )
    def run(tp_h, u3_h, v3_h, ru_h, rv_h, idxv, rows, sem):
        c = lax.axis_index("c")
        s = lax.axis_index("s")
        w = c * NS + s
        for idx_h, out_h in ((u3_h, ru_h), (v3_h, rv_h)):
            pltpu.sync_copy(idx_h.at[w], idxv)
            for j in range(PW):
                pltpu.async_copy(tp_h.at[idxv.at[j]], rows, sem).wait()
                pltpu.sync_copy(rows, out_h.at[pl.ds(w * PW * K + j * K, K)])

    return run(tp, u3, v3)



def _tc_scale(degp, x):
    def body(degp_ref, x_ref, xs_ref, dinv_ref):
        deg = degp_ref[0][:, 0:1] + degp_ref[1][:, 0:1] + 1.0
        dinv = lax.rsqrt(deg)
        xs_ref[...] = x_ref[...] * dinv
        dinv_ref[...] = jnp.broadcast_to(dinv, (RB, D))

    return pl.pallas_call(
        body,
        grid=(GRID,),
        in_specs=[
            pl.BlockSpec((NC, RB, HW), lambda i: (0, i, 0)),
            pl.BlockSpec((RB, D), lambda i: (i, 0)),
        ],
        out_specs=[
            pl.BlockSpec((RB, D), lambda i: (i, 0)),
            pl.BlockSpec((RB, D), lambda i: (i, 0)),
        ],
        out_shape=[jax.ShapeDtypeStruct((N, D), F32),
                   jax.ShapeDtypeStruct((N, D), F32)],
    )(degp, x)


def _tc_dense(xs, pp, dinv, w1t, b1t, w2t, w1p, b1p, w2p):
    def body(xs_ref, pp_ref, dinv_ref, w1t_ref, b1t_ref, w2t_ref,
             w1p_ref, b1p_ref, w2p_ref, gts_ref, gps_ref):
        dinv = dinv_ref[...]
        z = (dinv * (pp_ref[0, 0] + pp_ref[1, 0] + xs_ref[...])).astype(BF)
        ht = jnp.maximum(
            jnp.dot(z, w1t_ref[...], preferred_element_type=F32)
            + b1t_ref[...], 0.0).astype(BF)
        gts_ref[...] = jnp.dot(ht, w2t_ref[...],
                               preferred_element_type=F32) * dinv
        hp = jnp.maximum(
            jnp.dot(z, w1p_ref[...], preferred_element_type=F32)
            + b1p_ref[...], 0.0).astype(BF)
        gps_ref[...] = jnp.dot(hp, w2p_ref[...],
                               preferred_element_type=F32) * dinv

    return pl.pallas_call(
        body,
        grid=(GRID,),
        in_specs=[
            pl.BlockSpec((RB, D), lambda i: (i, 0)),
            pl.BlockSpec((NC, 1, RB, D), lambda i: (0, 0, i, 0)),
            pl.BlockSpec((RB, D), lambda i: (i, 0)),
            pl.BlockSpec((D, HID), lambda i: (0, 0)),
            pl.BlockSpec((1, HID), lambda i: (0, 0)),
            pl.BlockSpec((HID, C), lambda i: (0, 0)),
            pl.BlockSpec((D, HID), lambda i: (0, 0)),
            pl.BlockSpec((1, HID), lambda i: (0, 0)),
            pl.BlockSpec((HID, C), lambda i: (0, 0)),
        ],
        out_specs=[
            pl.BlockSpec((RB, C), lambda i: (i, 0)),
            pl.BlockSpec((RB, C), lambda i: (i, 0)),
        ],
        out_shape=[jax.ShapeDtypeStruct((N, C), F32),
                   jax.ShapeDtypeStruct((N, C), F32)],
    )(xs, pp, dinv, w1t, b1t, w2t, w1p, b1p, w2p)


def _tc_heads(qp, gts, gps, dinv, b2t, b2p):
    def body(qp_ref, gts_ref, gps_ref, dinv_ref, b2t_ref, b2p_ref, tp_ref):
        dinv = dinv_ref[...]
        st = dinv * (qp_ref[0, 0] + qp_ref[1, 0] + gts_ref[...]) + b2t_ref[...]
        st = st - jnp.max(st, axis=1, keepdims=True)
        et = jnp.exp(st)
        theta = et / jnp.sum(et, axis=1, keepdims=True)
        sp = dinv * (qp_ref[0, 1] + qp_ref[1, 1] + gps_ref[...]) + b2p_ref[...]
        phi = 1.0 / (1.0 + jnp.exp(-sp))
        tp_ref[...] = jnp.concatenate([theta, phi], axis=1)

    return pl.pallas_call(
        body,
        grid=(GRID,),
        in_specs=[
            pl.BlockSpec((NC, 2, RB, C), lambda i: (0, 0, i, 0)),
            pl.BlockSpec((RB, C), lambda i: (i, 0)),
            pl.BlockSpec((RB, C), lambda i: (i, 0)),
            pl.BlockSpec((RB, D), lambda i: (i, 0)),
            pl.BlockSpec((1, C), lambda i: (0, 0)),
            pl.BlockSpec((1, C), lambda i: (0, 0)),
        ],
        out_specs=pl.BlockSpec((RB, 2 * C), lambda i: (i, 0)),
        out_shape=jax.ShapeDtypeStruct((N, 2 * C), F32),
    )(qp, gts, gps, dinv, b2t, b2p)


def _tc_posterior(ru, rv, etap):
    def body(ru_ref, rv_ref, etap_ref, q_ref, p_ref, eta_ref):
        ex = jnp.exp(2.0 * etap_ref[...])
        eta = (ex - 1.0) / (ex + 1.0)
        ae = jnp.abs(eta)
        tu, pu = ru_ref[:, :C], ru_ref[:, C:]
        tv, pv = rv_ref[:, :C], rv_ref[:, C:]
        p = ae * tu * tv + (1.0 - ae) * pu * pv + EPS
        alpha = 1.0 + ae
        prior = alpha / jnp.sum(alpha)
        q = p * prior
        q_ref[...] = q / jnp.sum(q, axis=1, keepdims=True)
        p_ref[...] = p
        eta_ref[...] = eta

    return pl.pallas_call(
        body,
        grid=(B // QB,),
        in_specs=[
            pl.BlockSpec((QB, 2 * C), lambda i: (i, 0)),
            pl.BlockSpec((QB, 2 * C), lambda i: (i, 0)),
            pl.BlockSpec((1, C), lambda i: (0, 0)),
        ],
        out_specs=[
            pl.BlockSpec((QB, C), lambda i: (i, 0)),
            pl.BlockSpec((QB, C), lambda i: (i, 0)),
            pl.BlockSpec((1, C), lambda i: (0, 0)),
        ],
        out_shape=[jax.ShapeDtypeStruct((B, C), F32),
                   jax.ShapeDtypeStruct((B, C), F32),
                   jax.ShapeDtypeStruct((1, C), F32)],
    )(ru, rv, etap)



def kernel(x, edge_index, u, v, W1t, b1t, W2t, b2t, W1p, b1p, W2p, b2p,
           eta_param):
    src = edge_index[0]
    dst = edge_index[1]
    src3 = jnp.pad(src.reshape(NW, EW), ((0, 0), (0, EWP - EW)),
                   constant_values=0).reshape(NW, STEPS, K)
    dst3 = jnp.pad(dst.reshape(NW, EW), ((0, 0), (0, EWP - EW)),
                   constant_values=DUMMY).reshape(NW, STEPS, K)
    u3 = u.reshape(NW, B // NW // K, K)
    v3 = v.reshape(NW, B // NW // K, K)

    vals_full = jnp.ones((K, HW), F32)
    zrows_hw = jnp.zeros((RPS, HW), F32)
    zrows_d = jnp.zeros((RPS, D), F32)

    degp = _sc_histogram(dst3, vals_full, zrows_hw)
    xs, dinv = _tc_scale(degp, x)
    pp = _propagate(1)(xs, src3, dst3, zrows_d)
    gts, gps = _tc_dense(xs, pp, dinv,
                         W1t.astype(BF), b1t.reshape(1, HID), W2t.astype(BF),
                         W1p.astype(BF), b1p.reshape(1, HID), W2p.astype(BF))
    qp = _propagate(2)(gts, gps, src3, dst3, zrows_d)
    tp = _tc_heads(qp, gts, gps, dinv, b2t.reshape(1, C), b2p.reshape(1, C))
    ru, rv = _sc_gather_pairs(tp, u3, v3)
    q_probs, p_probs, eta = _tc_posterior(ru, rv, eta_param.reshape(1, C))
    return (q_probs, p_probs, eta.reshape(C))

# --- scband reference (transcript-rebuilt; emitter-appended) ---
"""Pipeline reference for scband-exact-posterior-ecd-67594195304515 (READ-ONLY COPY).

The authoritative reference and input builder live on the scoring server;
editing this copy changes nothing except your own understanding.
"""

import jax, jax.numpy as jnp
import numpy as np

N = 10000        # n_nodes
E = 160000       # n_edges
D_IN = 128       # num_users (node feature dim)
HID = 1024       # GCN hidden
C = 128          # num_communities
B = 8192         # queried (u,v) edge pairs
EPS = 1e-10
S_HP, H_HP, B_HP = 1.0, 2.0, 3.0


def setup_inputs(seed: int = 0) -> dict:
    key = jax.random.key(seed)
    ks = jax.random.split(key, 14)
    x = jax.random.normal(ks[0], (N, D_IN), dtype=jnp.float32)
    edge_index = jax.random.randint(ks[1], (2, E), 0, N, dtype=jnp.int32)
    u = jax.random.randint(ks[2], (B,), 0, N, dtype=jnp.int32)
    v = jax.random.randint(ks[3], (B,), 0, N, dtype=jnp.int32)
    W1t = jax.random.normal(ks[4], (D_IN, HID), dtype=jnp.float32) * (1.0 / np.sqrt(D_IN))
    b1t = jnp.zeros((HID,), dtype=jnp.float32)
    W2t = jax.random.normal(ks[5], (HID, C), dtype=jnp.float32) * (1.0 / np.sqrt(HID))
    b2t = jnp.zeros((C,), dtype=jnp.float32)
    W1p = jax.random.normal(ks[6], (D_IN, HID), dtype=jnp.float32) * (1.0 / np.sqrt(D_IN))
    b1p = jnp.zeros((HID,), dtype=jnp.float32)
    W2p = jax.random.normal(ks[7], (HID, C), dtype=jnp.float32) * (1.0 / np.sqrt(HID))
    b2p = jnp.zeros((C,), dtype=jnp.float32)
    eta_param = jax.random.uniform(ks[8], (C,), dtype=jnp.float32, minval=-1.0, maxval=1.0)
    return {"x": x, "edge_index": edge_index, "u": u, "v": v,
            "W1t": W1t, "b1t": b1t, "W2t": W2t, "b2t": b2t,
            "W1p": W1p, "b1p": b1p, "W2p": W2p, "b2p": b2p,
            "eta_param": eta_param}


def gcn_conv(x, edge_index, W, b):
    # GCNConv: D^{-1/2} (A + I) D^{-1/2} X W + b
    n = x.shape[0]
    loop = jnp.arange(n, dtype=edge_index.dtype)
    src = jnp.concatenate([edge_index[0], loop])
    dst = jnp.concatenate([edge_index[1], loop])
    deg = jax.ops.segment_sum(jnp.ones(src.shape[0], dtype=x.dtype), dst, num_segments=n)
    dinv = jnp.where(deg > 0, jax.lax.rsqrt(jnp.maximum(deg, 1e-12)), 0.0)
    norm = dinv[src] * dinv[dst]
    h = x @ W
    msg = h[src] * norm[:, None]
    return jax.ops.segment_sum(msg, dst, num_segments=n) + b


def reference(x, edge_index, u, v, W1t, b1t, W2t, b2t, W1p, b1p, W2p, b2p, eta_param):
    # theta = GCN(...) with softmax head (dropout is identity in eval)
    h_t = jax.nn.relu(gcn_conv(x, edge_index, W1t, b1t))
    theta = jax.nn.softmax(gcn_conv(h_t, edge_index, W2t, b2t), axis=1)
    # phi = PhiGCN(...) with sigmoid head
    h_p = jax.nn.relu(gcn_conv(x, edge_index, W1p, b1p))
    phi = jax.nn.sigmoid(gcn_conv(h_p, edge_index, W2p, b2p))
    # eta = tanh(coef * eta_tensor)
    eta = jnp.tanh(1.0 * eta_param)
    ae = jnp.abs(eta)
    # forward_link, use_softmax=False branch
    p_probs = ae * theta[u] * theta[v] + (1.0 - ae) * phi[u] * phi[v]
    p_probs = p_probs + EPS
    alpha = H_HP * ae + S_HP * (1.0 - ae)
    prior = alpha / alpha.sum(axis=-1)
    q_probs = jnp.einsum('bc,c->bc', p_probs, prior)
    q_probs = jnp.einsum('bc,b->bc', q_probs, 1.0 / q_probs.sum(axis=-1))
    q_probs = jax.lax.stop_gradient(q_probs)
    return (q_probs, p_probs, eta)

if __name__ == "__main__":
    import jax
    _d = setup_inputs()
    print(jax.jit(kernel)(*tuple(_d.values())))

</pallas_src>

<mosaic_0001>
#map = affine_map<(d0, d1) -> (0, 0)>
#map1 = affine_map<(d0, d1) -> (0, 0, 0)>
#map2 = affine_map<(d0, d1) -> (0, 0, 0, 0)>
module attributes {stable_mosaic.version = 14 : i64} {
  func.func @run(%arg0: i32, %arg1: i32, %arg2: memref<10000x128xf32, #tpu.memory_space<hbm>>, %arg3: memref<10000x128xf32, #tpu.memory_space<hbm>>, %arg4: memref<32x40x128xi32, #tpu.memory_space<hbm>>, %arg5: memref<32x40x128xi32, #tpu.memory_space<hbm>>, %arg6: memref<640x128xf32, #tpu.memory_space<hbm>>, %arg7: memref<2x2x10240x128xf32, #tpu.memory_space<hbm>>, %arg8: memref<40x128xi32, #tpu.memory_space<vmem>>, %arg9: memref<40x128xi32, #tpu.memory_space<vmem>>, %arg10: memref<128x128xf32, #tpu.memory_space<vmem>>, %arg11: memref<128x128xf32, #tpu.memory_space<vmem>>, %arg12: memref<10240x128xf32, #tpu.memory_space<vmem_shared>>, %arg13: memref<!tpu.dma_semaphore, #tpu.memory_space<semaphore_mem>>, %arg14: memref<!tpu.dma_semaphore, #tpu.memory_space<semaphore_mem>>, %arg15: memref<!tpu.dma_semaphore, #tpu.memory_space<semaphore_mem>>, %arg16: memref<!tpu.dma_semaphore, #tpu.memory_space<semaphore_mem>>) attributes {dimension_semantics = [#tpu.dimension_semantics<core_parallel>, #tpu.dimension_semantics<subcore_parallel>], iteration_bounds = array<i64: 2, 16>, scalar_prefetch = 0 : i64, scratch_operands = 9 : i64, tpu.core_type = #tpu.core_type<sc_vector_subcore>, window_params = [{transform_indices = #map}, {transform_indices = #map}, {transform_indices = #map1}, {transform_indices = #map1}, {transform_indices = #map}, {transform_indices = #map2}]} {
    %mul3A = arith.constant 16 : i32
    %mul3A_0 = arith.muli %arg0, %mul3A : i32
    %add3A = arith.addi %mul3A_0, %arg1 : i32
    "tpu.region"() ({
      %run_scoped3A_240 = tpu.sem_alloc : memref<!tpu.dma_semaphore, #tpu.memory_space<semaphore_mem>>
      %dma_start3A_241 = arith.constant 0 : i32
      %dma_start3A_242 = arith.constant 0 : i32
      %dma_start3A_243 = tpu.memref_slice %arg4[%add3A, %dma_start3A_241, %dma_start3A_242] : memref<32x40x128xi32, #tpu.memory_space<hbm>> -> memref<1x40x128xi32, #tpu.memory_space<hbm>>
      %dma_start3A_244 = tpu.memref_squeeze %dma_start3A_243 : memref<1x40x128xi32, #tpu.memory_space<hbm>> -> memref<40x128xi32, #tpu.memory_space<hbm>>
      %dma_start3A_245 = arith.constant 0 : i32
      %dma_start3A_246 = arith.constant 0 : i32
      %dma_start3A_247 = tpu.memref_slice %arg4[%add3A, %dma_start3A_245, %dma_start3A_246] : memref<32x40x128xi32, #tpu.memory_space<hbm>> -> memref<1x40x128xi32, #tpu.memory_space<hbm>>
      %dma_start3A_248 = tpu.memref_squeeze %dma_start3A_247 : memref<1x40x128xi32, #tpu.memory_space<hbm>> -> memref<40x128xi32, #tpu.memory_space<hbm>>
      tpu.enqueue_dma source(%dma_start3A_248 : memref<40x128xi32, #tpu.memory_space<hbm>>) target(%arg8 : memref<40x128xi32, #tpu.memory_space<vmem>>) target_semaphore(%run_scoped3A_240 : memref<!tpu.dma_semaphore, #tpu.memory_space<semaphore_mem>>)
      %dma_wait3A_249 = arith.constant 0 : i32
      %dma_wait3A_250 = arith.constant 0 : i32
      %dma_wait3A_251 = tpu.memref_slice %arg4[%add3A, %dma_wait3A_249, %dma_wait3A_250] : memref<32x40x128xi32, #tpu.memory_space<hbm>> -> memref<1x40x128xi32, #tpu.memory_space<hbm>>
      %dma_wait3A_252 = tpu.memref_squeeze %dma_wait3A_251 : memref<1x40x128xi32, #tpu.memory_space<hbm>> -> memref<40x128xi32, #tpu.memory_space<hbm>>
      %dma_wait3A_253 = arith.constant 0 : i32
      %dma_wait3A_254 = arith.constant 0 : i32
      %dma_wait3A_255 = tpu.memref_slice %arg4[%add3A, %dma_wait3A_253, %dma_wait3A_254] : memref<32x40x128xi32, #tpu.memory_space<hbm>> -> memref<1x40x128xi32, #tpu.memory_space<hbm>>
      %dma_wait3A_256 = tpu.memref_squeeze %dma_wait3A_255 : memref<1x40x128xi32, #tpu.memory_space<hbm>> -> memref<40x128xi32, #tpu.memory_space<hbm>>
      tpu.wait_dma2 semaphore(%run_scoped3A_240 : memref<!tpu.dma_semaphore, #tpu.memory_space<semaphore_mem>>) src(%dma_wait3A_256 : memref<40x128xi32, #tpu.memory_space<hbm>>) dst(%arg8 : memref<40x128xi32, #tpu.memory_space<vmem>>)
      tpu.yield
    }) : () -> ()
    "tpu.region"() ({
      %run_scoped3A_240 = tpu.sem_alloc : memref<!tpu.dma_semaphore, #tpu.memory_space<semaphore_mem>>
      %dma_start3A_241 = arith.constant 0 : i32
      %dma_start3A_242 = arith.constant 0 : i32
      %dma_start3A_243 = tpu.memref_slice %arg5[%add3A, %dma_start3A_241, %dma_start3A_242] : memref<32x40x128xi32, #tpu.memory_space<hbm>> -> memref<1x40x128xi32, #tpu.memory_space<hbm>>
      %dma_start3A_244 = tpu.memref_squeeze %dma_start3A_243 : memref<1x40x128xi32, #tpu.memory_space<hbm>> -> memref<40x128xi32, #tpu.memory_space<hbm>>
      %dma_start3A_245 = arith.constant 0 : i32
      %dma_start3A_246 = arith.constant 0 : i32
      %dma_start3A_247 = tpu.memref_slice %arg5[%add3A, %dma_start3A_245, %dma_start3A_246] : memref<32x40x128xi32, #tpu.memory_space<hbm>> -> memref<1x40x128xi32, #tpu.memory_space<hbm>>
      %dma_start3A_248 = tpu.memref_squeeze %dma_start3A_247 : memref<1x40x128xi32, #tpu.memory_space<hbm>> -> memref<40x128xi32, #tpu.memory_space<hbm>>
      tpu.enqueue_dma source(%dma_start3A_248 : memref<40x128xi32, #tpu.memory_space<hbm>>) target(%arg9 : memref<40x128xi32, #tpu.memory_space<vmem>>) target_semaphore(%run_scoped3A_240 : memref<!tpu.dma_semaphore, #tpu.memory_space<semaphore_mem>>)
      %dma_wait3A_249 = arith.constant 0 : i32
      %dma_wait3A_250 = arith.constant 0 : i32
      %dma_wait3A_251 = tpu.memref_slice %arg5[%add3A, %dma_wait3A_249, %dma_wait3A_250] : memref<32x40x128xi32, #tpu.memory_space<hbm>> -> memref<1x40x128xi32, #tpu.memory_space<hbm>>
      %dma_wait3A_252 = tpu.memref_squeeze %dma_wait3A_251 : memref<1x40x128xi32, #tpu.memory_space<hbm>> -> memref<40x128xi32, #tpu.memory_space<hbm>>
      %dma_wait3A_253 = arith.constant 0 : i32
      %dma_wait3A_254 = arith.constant 0 : i32
      %dma_wait3A_255 = tpu.memref_slice %arg5[%add3A, %dma_wait3A_253, %dma_wait3A_254] : memref<32x40x128xi32, #tpu.memory_space<hbm>> -> memref<1x40x128xi32, #tpu.memory_space<hbm>>
      %dma_wait3A_256 = tpu.memref_squeeze %dma_wait3A_255 : memref<1x40x128xi32, #tpu.memory_space<hbm>> -> memref<40x128xi32, #tpu.memory_space<hbm>>
      tpu.wait_dma2 semaphore(%run_scoped3A_240 : memref<!tpu.dma_semaphore, #tpu.memory_space<semaphore_mem>>) src(%dma_wait3A_256 : memref<40x128xi32, #tpu.memory_space<hbm>>) dst(%arg9 : memref<40x128xi32, #tpu.memory_space<vmem>>)
      tpu.yield
    }) : () -> ()
    %mul3A_1 = arith.constant 640 : i32
    %mul3A_2 = arith.muli %arg1, %mul3A_1 : i32
    "tpu.region"() ({
      %run_scoped3A_240 = tpu.sem_alloc : memref<!tpu.dma_semaphore, #tpu.memory_space<semaphore_mem>>
      %dma_start3A_241 = arith.constant 0 : i32
      %dma_start3A_242 = tpu.memref_slice %arg12[%mul3A_2, %dma_start3A_241] : memref<10240x128xf32, #tpu.memory_space<vmem_shared>> -> memref<640x128xf32, #tpu.memory_space<vmem_shared>>
      tpu.enqueue_dma source(%arg6 : memref<640x128xf32, #tpu.memory_space<hbm>>) target(%dma_start3A_242 : memref<640x128xf32, #tpu.memory_space<vmem_shared>>) target_semaphore(%run_scoped3A_240 : memref<!tpu.dma_semaphore, #tpu.memory_space<semaphore_mem>>)
      %dma_wait3A_243 = arith.constant 0 : i32
      %dma_wait3A_244 = tpu.memref_slice %arg12[%mul3A_2, %dma_wait3A_243] : memref<10240x128xf32, #tpu.memory_space<vmem_shared>> -> memref<640x128xf32, #tpu.memory_space<vmem_shared>>
      tpu.wait_dma2 semaphore(%run_scoped3A_240 : memref<!tpu.dma_semaphore, #tpu.memory_space<semaphore_mem>>) src(%arg6 : memref<640x128xf32, #tpu.memory_space<hbm>>) dst(%dma_wait3A_244 : memref<640x128xf32, #tpu.memory_space<vmem_shared>>)
      tpu.yield
    }) : () -> ()
    %barrier3A = arith.constant 0 : index
    tpu.barrier barrier_id(%barrier3A)
    %dma_start3A = arith.constant 0 : i32
    %dma_start3A_3 = arith.constant 0 : i32
    %dma_start3A_4 = tpu.memref_slice %arg8[%dma_start3A, %dma_start3A_3] : memref<40x128xi32, #tpu.memory_space<vmem>> -> memref<1x128xi32, #tpu.memory_space<vmem>>
    %dma_start3A_5 = tpu.memref_squeeze %dma_start3A_4 : memref<1x128xi32, #tpu.memory_space<vmem>> -> memref<128xi32, #tpu.memory_space<vmem>>
    %dma_start3A_6 = arith.constant 0 : i32
    %dma_start3A_7 = arith.constant 0 : i32
    %dma_start3A_8 = tpu.memref_slice %arg2[%dma_start3A_6, %dma_start3A_7] : memref<10000x128xf32, #tpu.memory_space<hbm>> -> memref<10000x128xf32, #tpu.memory_space<hbm>>
    tpu.enqueue_indirect_dma source(%dma_start3A_8 : memref<10000x128xf32, #tpu.memory_space<hbm>>) target(%arg10 : memref<128x128xf32, #tpu.memory_space<vmem>>) offsets(%dma_start3A_5 : memref<128xi32, #tpu.memory_space<vmem>>) semaphore(%arg13 : memref<!tpu.dma_semaphore, #tpu.memory_space<semaphore_mem>>)
    %dma_start3A_9 = arith.constant 1 : i32
    %dma_start3A_10 = arith.constant 0 : i32
    %dma_start3A_11 = tpu.memref_slice %arg8[%dma_start3A_9, %dma_start3A_10] : memref<40x128xi32, #tpu.memory_space<vmem>> -> memref<1x128xi32, #tpu.memory_space<vmem>>
    %dma_start3A_12 = tpu.memref_squeeze %dma_start3A_11 : memref<1x128xi32, #tpu.memory_space<vmem>> -> memref<128xi32, #tpu.memory_space<vmem>>
    %dma_start3A_13 = arith.constant 0 : i32
    %dma_start3A_14 = arith.constant 0 : i32
    %dma_start3A_15 = tpu.memref_slice %arg2[%dma_start3A_13, %dma_start3A_14] : memref<10000x128xf32, #tpu.memory_space<hbm>> -> memref<10000x128xf32, #tpu.memory_space<hbm>>
    tpu.enqueue_indirect_dma source(%dma_start3A_15 : memref<10000x128xf32, #tpu.memory_space<hbm>>) target(%arg11 : memref<128x128xf32, #tpu.memory_space<vmem>>) offsets(%dma_start3A_12 : memref<128xi32, #tpu.memory_space<vmem>>) semaphore(%arg14 : memref<!tpu.dma_semaphore, #tpu.memory_space<semaphore_mem>>)
    %dma_wait3A = arith.constant 0 : i32
    %dma_wait3A_16 = arith.constant 0 : i32
    %dma_wait3A_17 = tpu.memref_slice %arg8[%dma_wait3A, %dma_wait3A_16] : memref<40x128xi32, #tpu.memory_space<vmem>> -> memref<1x128xi32, #tpu.memory_space<vmem>>
    %dma_wait3A_18 = tpu.memref_squeeze %dma_wait3A_17 : memref<1x128xi32, #tpu.memory_space<vmem>> -> memref<128xi32, #tpu.memory_space<vmem>>
    %dma_wait3A_19 = arith.constant 0 : i32
    %dma_wait3A_20 = arith.constant 0 : i32
    %dma_wait3A_21 = tpu.memref_slice %arg2[%dma_wait3A_19, %dma_wait3A_20] : memref<10000x128xf32, #tpu.memory_space<hbm>> -> memref<10000x128xf32, #tpu.memory_space<hbm>>
    tpu.wait_indirect_dma semaphore(%arg13 : memref<!tpu.dma_semaphore, #tpu.memory_space<semaphore_mem>>) src(%dma_wait3A_21 : memref<10000x128xf32, #tpu.memory_space<hbm>>) dst(%arg10 : memref<128x128xf32, #tpu.memory_space<vmem>>)
    %dma_start3A_22 = arith.constant 0 : i32
    %dma_start3A_23 = arith.constant 0 : i32
    %dma_start3A_24 = tpu.memref_slice %arg9[%dma_start3A_22, %dma_start3A_23] : memref<40x128xi32, #tpu.memory_space<vmem>> -> memref<1x128xi32, #tpu.memory_space<vmem>>
    %dma_start3A_25 = tpu.memref_squeeze %dma_start3A_24 : memref<1x128xi32, #tpu.memory_space<vmem>> -> memref<128xi32, #tpu.memory_space<vmem>>
    %dma_start3A_26 = arith.constant 0 : i32
    %dma_start3A_27 = arith.constant 0 : i32
    %dma_start3A_28 = tpu.memref_slice %arg12[%dma_start3A_26, %dma_start3A_27] : memref<10240x128xf32, #tpu.memory_space<vmem_shared>> -> memref<10240x128xf32, #tpu.memory_space<vmem_shared>>
    tpu.enqueue_indirect_dma source(%arg10 : memref<128x128xf32, #tpu.memory_space<vmem>>) target(%dma_start3A_28 : memref<10240x128xf32, #tpu.memory_space<vmem_shared>>) offsets(%dma_start3A_25 : memref<128xi32, #tpu.memory_space<vmem>>) semaphore(%arg15 : memref<!tpu.dma_semaphore, #tpu.memory_space<semaphore_mem>>) {add = true}
    %dma_wait3A_29 = arith.constant 0 : i32
    %dma_wait3A_30 = arith.constant 0 : i32
    %dma_wait3A_31 = tpu.memref_slice %arg8[%dma_wait3A_29, %dma_wait3A_30] : memref<40x128xi32, #tpu.memory_space<vmem>> -> memref<1x128xi32, #tpu.memory_space<vmem>>
    %dma_wait3A_32 = tpu.memref_squeeze %dma_wait3A_31 : memref<1x128xi32, #tpu.memory_space<vmem>> -> memref<128xi32, #tpu.memory_space<vmem>>
    %dma_wait3A_33 = arith.constant 0 : i32
    %dma_wait3A_34 = arith.constant 0 : i32
    %dma_wait3A_35 = tpu.memref_slice %arg2[%dma_wait3A_33, %dma_wait3A_34] : memref<10000x128xf32, #tpu.memory_space<hbm>> -> memref<10000x128xf32, #tpu.memory_space<hbm>>
    tpu.wait_indirect_dma semaphore(%arg14 : memref<!tpu.dma_semaphore, #tpu.memory_space<semaphore_mem>>) src(%dma_wait3A_35 : memref<10000x128xf32, #tpu.memory_space<hbm>>) dst(%arg11 : memref<128x128xf32, #tpu.memory_space<vmem>>)
    %dma_start3A_36 = arith.constant 1 : i32
    %dma_start3A_37 = arith.constant 0 : i32
    %dma_start3A_38 = tpu.memref_slice %arg9[%dma_start3A_36, %dma_start3A_37] : memref<40x128xi32, #tpu.memory_space<vmem>> -> memref<1x128xi32, #tpu.memory_space<vmem>>
    %dma_start3A_39 = tpu.memref_squeeze %dma_start3A_38 : memref<1x128xi32, #tpu.memory_space<vmem>> -> memref<128xi32, #tpu.memory_space<vmem>>
    %dma_start3A_40 = arith.constant 0 : i32
    %dma_start3A_41 = arith.constant 0 : i32
    %dma_start3A_42 = tpu.memref_slice %arg12[%dma_start3A_40, %dma_start3A_41] : memref<10240x128xf32, #tpu.memory_space<vmem_shared>> -> memref<10240x128xf32, #tpu.memory_space<vmem_shared>>
    tpu.enqueue_indirect_dma source(%arg11 : memref<128x128xf32, #tpu.memory_space<vmem>>) target(%dma_start3A_42 : memref<10240x128xf32, #tpu.memory_space<vmem_shared>>) offsets(%dma_start3A_39 : memref<128xi32, #tpu.memory_space<vmem>>) semaphore(%arg16 : memref<!tpu.dma_semaphore, #tpu.memory_space<semaphore_mem>>) {add = true}
    %dma_wait3A_43 = arith.constant 0 : i32
    %dma_wait3A_44 = arith.constant 0 : i32
    %dma_wait3A_45 = tpu.memref_slice %arg9[%dma_wait3A_43, %dma_wait3A_44] : memref<40x128xi32, #tpu.memory_space<vmem>> -> memref<1x128xi32, #tpu.memory_space<vmem>>
    %dma_wait3A_46 = tpu.memref_squeeze %dma_wait3A_45 : memref<1x128xi32, #tpu.memory_space<vmem>> -> memref<128xi32, #tpu.memory_space<vmem>>
    %dma_wait3A_47 = arith.constant 0 : i32
    %dma_wait3A_48 = arith.constant 0 : i32
    %dma_wait3A_49 = tpu.memref_slice %arg12[%dma_wait3A_47, %dma_wait3A_48] : memref<10240x128xf32, #tpu.memory_space<vmem_shared>> -> memref<10240x128xf32, #tpu.memory_space<vmem_shared>>
    tpu.wait_indirect_dma semaphore(%arg15 : memref<!tpu.dma_semaphore, #tpu.memory_space<semaphore_mem>>) src(%arg10 : memref<128x128xf32, #tpu.memory_space<vmem>>) dst(%dma_wait3A_49 : memref<10240x128xf32, #tpu.memory_space<vmem_shared>>)
    %dma_start3A_50 = arith.constant 2 : i32
    %dma_start3A_51 = arith.constant 0 : i32
    %dma_start3A_52 = tpu.memref_slice %arg8[%dma_start3A_50, %dma_start3A_51] : memref<40x128xi32, #tpu.memory_space<vmem>> -> memref<1x128xi32, #tpu.memory_space<vmem>>
    %dma_start3A_53 = tpu.memref_squeeze %dma_start3A_52 : memref<1x128xi32, #tpu.memory_space<vmem>> -> memref<128xi32, #tpu.memory_space<vmem>>
    %dma_start3A_54 = arith.constant 0 : i32
    %dma_start3A_55 = arith.constant 0 : i32
    %dma_start3A_56 = tpu.memref_slice %arg2[%dma_start3A_54, %dma_start3A_55] : memref<10000x128xf32, #tpu.memory_space<hbm>> -> memref<10000x128xf32, #tpu.memory_space<hbm>>
    tpu.enqueue_indirect_dma source(%dma_start3A_56 : memref<10000x128xf32, #tpu.memory_space<hbm>>) target(%arg10 : memref<128x128xf32, #tpu.memory_space<vmem>>) offsets(%dma_start3A_53 : memref<128xi32, #tpu.memory_space<vmem>>) semaphore(%arg13 : memref<!tpu.dma_semaphore, #tpu.memory_space<semaphore_mem>>)
    %scan3A = arith.constant 0 : i32
    %scan3A_57 = arith.constant 18 : i32
    %scan3A_58 = arith.addi %scan3A, %scan3A_57 : i32
    %scan3A_59 = arith.constant 1 : i32
    scf.for %scan3A_240 = %scan3A to %scan3A_58 step %scan3A_59  : i32 {
      %mul3A_241 = arith.constant 1 : i32
      %mul3A_242 = arith.muli %scan3A_240, %mul3A_241 : i32
      %add3A_243 = arith.constant 1 : i32
      %add3A_244 = arith.addi %add3A_243, %mul3A_242 : i32
      %mul3A_245 = arith.constant 2 : i32
      %mul3A_246 = arith.muli %add3A_244, %mul3A_245 : i32
      %dma_wait3A_247 = arith.constant 0 : i32
      %dma_wait3A_248 = arith.constant 0 : i32
      %dma_wait3A_249 = tpu.memref_slice %arg8[%dma_wait3A_247, %dma_wait3A_248] : memref<40x128xi32, #tpu.memory_space<vmem>> -> memref<1x128xi32, #tpu.memory_space<vmem>>
      %dma_wait3A_250 = tpu.memref_squeeze %dma_wait3A_249 : memref<1x128xi32, #tpu.memory_space<vmem>> -> memref<128xi32, #tpu.memory_space<vmem>>
      %dma_wait3A_251 = arith.constant 0 : i32
      %dma_wait3A_252 = arith.constant 0 : i32
      %dma_wait3A_253 = tpu.memref_slice %arg2[%dma_wait3A_251, %dma_wait3A_252] : memref<10000x128xf32, #tpu.memory_space<hbm>> -> memref<10000x128xf32, #tpu.memory_space<hbm>>
      tpu.wait_indirect_dma semaphore(%arg13 : memref<!tpu.dma_semaphore, #tpu.memory_space<semaphore_mem>>) src(%dma_wait3A_253 : memref<10000x128xf32, #tpu.memory_space<hbm>>) dst(%arg10 : memref<128x128xf32, #tpu.memory_space<vmem>>)
      %dma_start3A_254 = arith.constant 0 : i32
      %dma_start3A_255 = tpu.memref_slice %arg9[%mul3A_246, %dma_start3A_254] : memref<40x128xi32, #tpu.memory_space<vmem>> -> memref<1x128xi32, #tpu.memory_space<vmem>>
      %dma_start3A_256 = tpu.memref_squeeze %dma_start3A_255 : memref<1x128xi32, #tpu.memory_space<vmem>> -> memref<128xi32, #tpu.memory_space<vmem>>
      %dma_start3A_257 = arith.constant 0 : i32
      %dma_start3A_258 = arith.constant 0 : i32
      %dma_start3A_259 = tpu.memref_slice %arg12[%dma_start3A_257, %dma_start3A_258] : memref<10240x128xf32, #tpu.memory_space<vmem_shared>> -> memref<10240x128xf32, #tpu.memory_space<vmem_shared>>
      tpu.enqueue_indirect_dma source(%arg10 : memref<128x128xf32, #tpu.memory_space<vmem>>) target(%dma_start3A_259 : memref<10240x128xf32, #tpu.memory_space<vmem_shared>>) offsets(%dma_start3A_256 : memref<128xi32, #tpu.memory_space<vmem>>) semaphore(%arg15 : memref<!tpu.dma_semaphore, #tpu.memory_space<semaphore_mem>>) {add = true}
      %dma_wait3A_260 = arith.constant 0 : i32
      %dma_wait3A_261 = arith.constant 0 : i32
      %dma_wait3A_262 = tpu.memref_slice %arg9[%dma_wait3A_260, %dma_wait3A_261] : memref<40x128xi32, #tpu.memory_space<vmem>> -> memref<1x128xi32, #tpu.memory_space<vmem>>
      %dma_wait3A_263 = tpu.memref_squeeze %dma_wait3A_262 : memref<1x128xi32, #tpu.memory_space<vmem>> -> memref<128xi32, #tpu.memory_space<vmem>>
      %dma_wait3A_264 = arith.constant 0 : i32
      %dma_wait3A_265 = arith.constant 0 : i32
      %dma_wait3A_266 = tpu.memref_slice %arg12[%dma_wait3A_264, %dma_wait3A_265] : memref<10240x128xf32, #tpu.memory_space<vmem_shared>> -> memref<10240x128xf32, #tpu.memory_space<vmem_shared>>
      tpu.wait_indirect_dma semaphore(%arg16 : memref<!tpu.dma_semaphore, #tpu.memory_space<semaphore_mem>>) src(%arg11 : memref<128x128xf32, #tpu.memory_space<vmem>>) dst(%dma_wait3A_266 : memref<10240x128xf32, #tpu.memory_space<vmem_shared>>)
      %add3A_267 = arith.constant 1 : i32
      %add3A_268 = arith.addi %mul3A_246, %add3A_267 : i32
      %dma_start3A_269 = arith.constant 0 : i32
      %dma_start3A_270 = tpu.memref_slice %arg8[%add3A_268, %dma_start3A_269] : memref<40x128xi32, #tpu.memory_space<vmem>> -> memref<1x128xi32, #tpu.memory_space<vmem>>
      %dma_start3A_271 = tpu.memref_squeeze %dma_start3A_270 : memref<1x128xi32, #tpu.memory_space<vmem>> -> memref<128xi32, #tpu.memory_space<vmem>>
      %dma_start3A_272 = arith.constant 0 : i32
      %dma_start3A_273 = arith.constant 0 : i32
      %dma_start3A_274 = tpu.memref_slice %arg2[%dma_start3A_272, %dma_start3A_273] : memref<10000x128xf32, #tpu.memory_space<hbm>> -> memref<10000x128xf32, #tpu.memory_space<hbm>>
      tpu.enqueue_indirect_dma source(%dma_start3A_274 : memref<10000x128xf32, #tpu.memory_space<hbm>>) target(%arg11 : memref<128x128xf32, #tpu.memory_space<vmem>>) offsets(%dma_start3A_271 : memref<128xi32, #tpu.memory_space<vmem>>) semaphore(%arg14 : memref<!tpu.dma_semaphore, #tpu.memory_space<semaphore_mem>>)
      %add3A_275 = arith.constant 1 : i32
      %add3A_276 = arith.addi %mul3A_246, %add3A_275 : i32
      %dma_wait3A_277 = arith.constant 0 : i32
      %dma_wait3A_278 = arith.constant 0 : i32
      %dma_wait3A_279 = tpu.memref_slice %arg8[%dma_wait3A_277, %dma_wait3A_278] : memref<40x128xi32, #tpu.memory_space<vmem>> -> memref<1x128xi32, #tpu.memory_space<vmem>>
      %dma_wait3A_280 = tpu.memref_squeeze %dma_wait3A_279 : memref<1x128xi32, #tpu.memory_space<vmem>> -> memref<128xi32, #tpu.memory_space<vmem>>
      %dma_wait3A_281 = arith.constant 0 : i32
      %dma_wait3A_282 = arith.constant 0 : i32
      %dma_wait3A_283 = tpu.memref_slice %arg2[%dma_wait3A_281, %dma_wait3A_282] : memref<10000x128xf32, #tpu.memory_space<hbm>> -> memref<10000x128xf32, #tpu.memory_space<hbm>>
      tpu.wait_indirect_dma semaphore(%arg14 : memref<!tpu.dma_semaphore, #tpu.memory_space<semaphore_mem>>) src(%dma_wait3A_283 : memref<10000x128xf32, #tpu.memory_space<hbm>>) dst(%arg11 : memref<128x128xf32, #tpu.memory_space<vmem>>)
      %dma_start3A_284 = arith.constant 0 : i32
      %dma_start3A_285 = tpu.memref_slice %arg9[%add3A_276, %dma_start3A_284] : memref<40x128xi32, #tpu.memory_space<vmem>> -> memref<1x128xi32, #tpu.memory_space<vmem>>
      %dma_start3A_286 = tpu.memref_squeeze %dma_start3A_285 : memref<1x128xi32, #tpu.memory_space<vmem>> -> memref<128xi32, #tpu.memory_space<vmem>>
      %dma_start3A_287 = arith.constant 0 : i32
      %dma_start3A_288 = arith.constant 0 : i32
      %dma_start3A_289 = tpu.memref_slice %arg12[%dma_start3A_287, %dma_start3A_288] : memref<10240x128xf32, #tpu.memory_space<vmem_shared>> -> memref<10240x128xf32, #tpu.memory_space<vmem_shared>>
      tpu.enqueue_indirect_dma source(%arg11 : memref<128x128xf32, #tpu.memory_space<vmem>>) target(%dma_start3A_289 : memref<10240x128xf32, #tpu.memory_space<vmem_shared>>) offsets(%dma_start3A_286 : memref<128xi32, #tpu.memory_space<vmem>>) semaphore(%arg16 : memref<!tpu.dma_semaphore, #tpu.memory_space<semaphore_mem>>) {add = true}
      %dma_wait3A_290 = arith.constant 0 : i32
      %dma_wait3A_291 = arith.constant 0 : i32
      %dma_wait3A_292 = tpu.memref_slice %arg9[%dma_wait3A_290, %dma_wait3A_291] : memref<40x128xi32, #tpu.memory_space<vmem>> -> memref<1x128xi32, #tpu.memory_space<vmem>>
      %dma_wait3A_293 = tpu.memref_squeeze %dma_wait3A_292 : memref<1x128xi32, #tpu.memory_space<vmem>> -> memref<128xi32, #tpu.memory_space<vmem>>
      %dma_wait3A_294 = arith.constant 0 : i32
      %dma_wait3A_295 = arith.constant 0 : i32
      %dma_wait3A_296 = tpu.memref_slice %arg12[%dma_wait3A_294, %dma_wait3A_295] : memref<10240x128xf32, #tpu.memory_space<vmem_shared>> -> memref<10240x128xf32, #tpu.memory_space<vmem_shared>>
      tpu.wait_indirect_dma semaphore(%arg15 : memref<!tpu.dma_semaphore, #tpu.memory_space<semaphore_mem>>) src(%arg10 : memref<128x128xf32, #tpu.memory_space<vmem>>) dst(%dma_wait3A_296 : memref<10240x128xf32, #tpu.memory_space<vmem_shared>>)
      %add3A_297 = arith.constant 1 : i32
      %add3A_298 = arith.addi %add3A_276, %add3A_297 : i32
      %dma_start3A_299 = arith.constant 0 : i32
      %dma_start3A_300 = tpu.memref_slice %arg8[%add3A_298, %dma_start3A_299] : memref<40x128xi32, #tpu.memory_space<vmem>> -> memref<1x128xi32, #tpu.memory_space<vmem>>
      %dma_start3A_301 = tpu.memref_squeeze %dma_start3A_300 : memref<1x128xi32, #tpu.memory_space<vmem>> -> memref<128xi32, #tpu.memory_space<vmem>>
      %dma_start3A_302 = arith.constant 0 : i32
      %dma_start3A_303 = arith.constant 0 : i32
      %dma_start3A_304 = tpu.memref_slice %arg2[%dma_start3A_302, %dma_start3A_303] : memref<10000x128xf32, #tpu.memory_space<hbm>> -> memref<10000x128xf32, #tpu.memory_space<hbm>>
      tpu.enqueue_indirect_dma source(%dma_start3A_304 : memref<10000x128xf32, #tpu.memory_space<hbm>>) target(%arg10 : memref<128x128xf32, #tpu.memory_space<vmem>>) offsets(%dma_start3A_301 : memref<128xi32, #tpu.memory_space<vmem>>) semaphore(%arg13 : memref<!tpu.dma_semaphore, #tpu.memory_space<semaphore_mem>>)
    }
    %scan3A_60 = arith.constant 18 : i32
    %dma_wait3A_61 = arith.constant 0 : i32
    %dma_wait3A_62 = arith.constant 0 : i32
    %dma_wait3A_63 = tpu.memref_slice %arg8[%dma_wait3A_61, %dma_wait3A_62] : memref<40x128xi32, #tpu.memory_space<vmem>> -> memref<1x128xi32, #tpu.memory_space<vmem>>
    %dma_wait3A_64 = tpu.memref_squeeze %dma_wait3A_63 : memref<1x128xi32, #tpu.memory_space<vmem>> -> memref<128xi32, #tpu.memory_space<vmem>>
    %dma_wait3A_65 = arith.constant 0 : i32
    %dma_wait3A_66 = arith.constant 0 : i32
    %dma_wait3A_67 = tpu.memref_slice %arg2[%dma_wait3A_65, %dma_wait3A_66] : memref<10000x128xf32, #tpu.memory_space<hbm>> -> memref<10000x128xf32, #tpu.memory_space<hbm>>
    tpu.wait_indirect_dma semaphore(%arg13 : memref<!tpu.dma_semaphore, #tpu.memory_space<semaphore_mem>>) src(%dma_wait3A_67 : memref<10000x128xf32, #tpu.memory_space<hbm>>) dst(%arg10 : memref<128x128xf32, #tpu.memory_space<vmem>>)
    %dma_start3A_68 = arith.constant 38 : i32
    %dma_start3A_69 = arith.constant 0 : i32
    %dma_start3A_70 = tpu.memref_slice %arg9[%dma_start3A_68, %dma_start3A_69] : memref<40x128xi32, #tpu.memory_space<vmem>> -> memref<1x128xi32, #tpu.memory_space<vmem>>
    %dma_start3A_71 = tpu.memref_squeeze %dma_start3A_70 : memref<1x128xi32, #tpu.memory_space<vmem>> -> memref<128xi32, #tpu.memory_space<vmem>>
    %dma_start3A_72 = arith.constant 0 : i32
    %dma_start3A_73 = arith.constant 0 : i32
    %dma_start3A_74 = tpu.memref_slice %arg12[%dma_start3A_72, %dma_start3A_73] : memref<10240x128xf32, #tpu.memory_space<vmem_shared>> -> memref<10240x128xf32, #tpu.memory_space<vmem_shared>>
    tpu.enqueue_indirect_dma source(%arg10 : memref<128x128xf32, #tpu.memory_space<vmem>>) target(%dma_start3A_74 : memref<10240x128xf32, #tpu.memory_space<vmem_shared>>) offsets(%dma_start3A_71 : memref<128xi32, #tpu.memory_space<vmem>>) semaphore(%arg15 : memref<!tpu.dma_semaphore, #tpu.memory_space<semaphore_mem>>) {add = true}
    %dma_wait3A_75 = arith.constant 0 : i32
    %dma_wait3A_76 = arith.constant 0 : i32
    %dma_wait3A_77 = tpu.memref_slice %arg9[%dma_wait3A_75, %dma_wait3A_76] : memref<40x128xi32, #tpu.memory_space<vmem>> -> memref<1x128xi32, #tpu.memory_space<vmem>>
    %dma_wait3A_78 = tpu.memref_squeeze %dma_wait3A_77 : memref<1x128xi32, #tpu.memory_space<vmem>> -> memref<128xi32, #tpu.memory_space<vmem>>
    %dma_wait3A_79 = arith.constant 0 : i32
    %dma_wait3A_80 = arith.constant 0 : i32
    %dma_wait3A_81 = tpu.memref_slice %arg12[%dma_wait3A_79, %dma_wait3A_80] : memref<10240x128xf32, #tpu.memory_space<vmem_shared>> -> memref<10240x128xf32, #tpu.memory_space<vmem_shared>>
    tpu.wait_indirect_dma semaphore(%arg16 : memref<!tpu.dma_semaphore, #tpu.memory_space<semaphore_mem>>) src(%arg11 : memref<128x128xf32, #tpu.memory_space<vmem>>) dst(%dma_wait3A_81 : memref<10240x128xf32, #tpu.memory_space<vmem_shared>>)
    %dma_start3A_82 = arith.constant 39 : i32
    %dma_start3A_83 = arith.constant 0 : i32
    %dma_start3A_84 = tpu.memref_slice %arg8[%dma_start3A_82, %dma_start3A_83] : memref<40x128xi32, #tpu.memory_space<vmem>> -> memref<1x128xi32, #tpu.memory_space<vmem>>
    %dma_start3A_85 = tpu.memref_squeeze %dma_start3A_84 : memref<1x128xi32, #tpu.memory_space<vmem>> -> memref<128xi32, #tpu.memory_space<vmem>>
    %dma_start3A_86 = arith.constant 0 : i32
    %dma_start3A_87 = arith.constant 0 : i32
    %dma_start3A_88 = tpu.memref_slice %arg2[%dma_start3A_86, %dma_start3A_87] : memref<10000x128xf32, #tpu.memory_space<hbm>> -> memref<10000x128xf32, #tpu.memory_space<hbm>>
    tpu.enqueue_indirect_dma source(%dma_start3A_88 : memref<10000x128xf32, #tpu.memory_space<hbm>>) target(%arg11 : memref<128x128xf32, #tpu.memory_space<vmem>>) offsets(%dma_start3A_85 : memref<128xi32, #tpu.memory_space<vmem>>) semaphore(%arg14 : memref<!tpu.dma_semaphore, #tpu.memory_space<semaphore_mem>>)
    %dma_wait3A_89 = arith.constant 0 : i32
    %dma_wait3A_90 = arith.constant 0 : i32
    %dma_wait3A_91 = tpu.memref_slice %arg8[%dma_wait3A_89, %dma_wait3A_90] : memref<40x128xi32, #tpu.memory_space<vmem>> -> memref<1x128xi32, #tpu.memory_space<vmem>>
    %dma_wait3A_92 = tpu.memref_squeeze %dma_wait3A_91 : memref<1x128xi32, #tpu.memory_space<vmem>> -> memref<128xi32, #tpu.memory_space<vmem>>
    %dma_wait3A_93 = arith.constant 0 : i32
    %dma_wait3A_94 = arith.constant 0 : i32
    %dma_wait3A_95 = tpu.memref_slice %arg2[%dma_wait3A_93, %dma_wait3A_94] : memref<10000x128xf32, #tpu.memory_space<hbm>> -> memref<10000x128xf32, #tpu.memory_space<hbm>>
    tpu.wait_indirect_dma semaphore(%arg14 : memref<!tpu.dma_semaphore, #tpu.memory_space<semaphore_mem>>) src(%dma_wait3A_95 : memref<10000x128xf32, #tpu.memory_space<hbm>>) dst(%arg11 : memref<128x128xf32, #tpu.memory_space<vmem>>)
    %dma_start3A_96 = arith.constant 39 : i32
    %dma_start3A_97 = arith.constant 0 : i32
    %dma_start3A_98 = tpu.memref_slice %arg9[%dma_start3A_96, %dma_start3A_97] : memref<40x128xi32, #tpu.memory_space<vmem>> -> memref<1x128xi32, #tpu.memory_space<vmem>>
    %dma_start3A_99 = tpu.memref_squeeze %dma_start3A_98 : memref<1x128xi32, #tpu.memory_space<vmem>> -> memref<128xi32, #tpu.memory_space<vmem>>
    %dma_start3A_100 = arith.constant 0 : i32
    %dma_start3A_101 = arith.constant 0 : i32
    %dma_start3A_102 = tpu.memref_slice %arg12[%dma_start3A_100, %dma_start3A_101] : memref<10240x128xf32, #tpu.memory_space<vmem_shared>> -> memref<10240x128xf32, #tpu.memory_space<vmem_shared>>
    tpu.enqueue_indirect_dma source(%arg11 : memref<128x128xf32, #tpu.memory_space<vmem>>) target(%dma_start3A_102 : memref<10240x128xf32, #tpu.memory_space<vmem_shared>>) offsets(%dma_start3A_99 : memref<128xi32, #tpu.memory_space<vmem>>) semaphore(%arg16 : memref<!tpu.dma_semaphore, #tpu.memory_space<semaphore_mem>>) {add = true}
    %dma_wait3A_103 = arith.constant 0 : i32
    %dma_wait3A_104 = arith.constant 0 : i32
    %dma_wait3A_105 = tpu.memref_slice %arg9[%dma_wait3A_103, %dma_wait3A_104] : memref<40x128xi32, #tpu.memory_space<vmem>> -> memref<1x128xi32, #tpu.memory_space<vmem>>
    %dma_wait3A_106 = tpu.memref_squeeze %dma_wait3A_105 : memref<1x128xi32, #tpu.memory_space<vmem>> -> memref<128xi32, #tpu.memory_space<vmem>>
    %dma_wait3A_107 = arith.constant 0 : i32
    %dma_wait3A_108 = arith.constant 0 : i32
    %dma_wait3A_109 = tpu.memref_slice %arg12[%dma_wait3A_107, %dma_wait3A_108] : memref<10240x128xf32, #tpu.memory_space<vmem_shared>> -> memref<10240x128xf32, #tpu.memory_space<vmem_shared>>
    tpu.wait_indirect_dma semaphore(%arg15 : memref<!tpu.dma_semaphore, #tpu.memory_space<semaphore_mem>>) src(%arg10 : memref<128x128xf32, #tpu.memory_space<vmem>>) dst(%dma_wait3A_109 : memref<10240x128xf32, #tpu.memory_space<vmem_shared>>)
    %dma_wait3A_110 = arith.constant 0 : i32
    %dma_wait3A_111 = arith.constant 0 : i32
    %dma_wait3A_112 = tpu.memref_slice %arg9[%dma_wait3A_110, %dma_wait3A_111] : memref<40x128xi32, #tpu.memory_space<vmem>> -> memref<1x128xi32, #tpu.memory_space<vmem>>
    %dma_wait3A_113 = tpu.memref_squeeze %dma_wait3A_112 : memref<1x128xi32, #tpu.memory_space<vmem>> -> memref<128xi32, #tpu.memory_space<vmem>>
    %dma_wait3A_114 = arith.constant 0 : i32
    %dma_wait3A_115 = arith.constant 0 : i32
    %dma_wait3A_116 = tpu.memref_slice %arg12[%dma_wait3A_114, %dma_wait3A_115] : memref<10240x128xf32, #tpu.memory_space<vmem_shared>> -> memref<10240x128xf32, #tpu.memory_space<vmem_shared>>
    tpu.wait_indirect_dma semaphore(%arg16 : memref<!tpu.dma_semaphore, #tpu.memory_space<semaphore_mem>>) src(%arg11 : memref<128x128xf32, #tpu.memory_space<vmem>>) dst(%dma_wait3A_116 : memref<10240x128xf32, #tpu.memory_space<vmem_shared>>)
    %barrier3A_117 = arith.constant 0 : index
    tpu.barrier barrier_id(%barrier3A_117)
    %run_scoped3A = arith.constant 0 : i32
    "tpu.region"() ({
      %run_scoped3A_240 = tpu.sem_alloc : memref<!tpu.dma_semaphore, #tpu.memory_space<semaphore_mem>>
      %dma_start3A_241 = arith.constant 0 : i32
      %dma_start3A_242 = tpu.memref_slice %arg7[%arg0, %run_scoped3A, %mul3A_2, %dma_start3A_241] : memref<2x2x10240x128xf32, #tpu.memory_space<hbm>> -> memref<1x1x640x128xf32, #tpu.memory_space<hbm>>
      %dma_start3A_243 = tpu.memref_squeeze %dma_start3A_242 : memref<1x1x640x128xf32, #tpu.memory_space<hbm>> -> memref<640x128xf32, #tpu.memory_space<hbm>>
      %dma_start3A_244 = arith.constant 0 : i32
      %dma_start3A_245 = tpu.memref_slice %arg12[%mul3A_2, %dma_start3A_244] : memref<10240x128xf32, #tpu.memory_space<vmem_shared>> -> memref<640x128xf32, #tpu.memory_space<vmem_shared>>
      tpu.enqueue_dma source(%dma_start3A_245 : memref<640x128xf32, #tpu.memory_space<vmem_shared>>) target(%dma_start3A_243 : memref<640x128xf32, #tpu.memory_space<hbm>>) target_semaphore(%run_scoped3A_240 : memref<!tpu.dma_semaphore, #tpu.memory_space<semaphore_mem>>)
      %dma_wait3A_246 = arith.constant 0 : i32
      %dma_wait3A_247 = tpu.memref_slice %arg7[%arg0, %run_scoped3A, %mul3A_2, %dma_wait3A_246] : memref<2x2x10240x128xf32, #tpu.memory_space<hbm>> -> memref<1x1x640x128xf32, #tpu.memory_space<hbm>>
      %dma_wait3A_248 = tpu.memref_squeeze %dma_wait3A_247 : memref<1x1x640x128xf32, #tpu.memory_space<hbm>> -> memref<640x128xf32, #tpu.memory_space<hbm>>
      %dma_wait3A_249 = arith.constant 0 : i32
      %dma_wait3A_250 = tpu.memref_slice %arg12[%mul3A_2, %dma_wait3A_249] : memref<10240x128xf32, #tpu.memory_space<vmem_shared>> -> memref<640x128xf32, #tpu.memory_space<vmem_shared>>
      tpu.wait_dma2 semaphore(%run_scoped3A_240 : memref<!tpu.dma_semaphore, #tpu.memory_space<semaphore_mem>>) src(%dma_wait3A_250 : memref<640x128xf32, #tpu.memory_space<vmem_shared>>) dst(%dma_wait3A_248 : memref<640x128xf32, #tpu.memory_space<hbm>>)
      tpu.yield
    }) : () -> ()
    %barrier3A_118 = arith.constant 0 : index
    tpu.barrier barrier_id(%barrier3A_118)
    "tpu.region"() ({
      %run_scoped3A_240 = tpu.sem_alloc : memref<!tpu.dma_semaphore, #tpu.memory_space<semaphore_mem>>
      %dma_start3A_241 = arith.constant 0 : i32
      %dma_start3A_242 = tpu.memref_slice %arg12[%mul3A_2, %dma_start3A_241] : memref<10240x128xf32, #tpu.memory_space<vmem_shared>> -> memref<640x128xf32, #tpu.memory_space<vmem_shared>>
      tpu.enqueue_dma source(%arg6 : memref<640x128xf32, #tpu.memory_space<hbm>>) target(%dma_start3A_242 : memref<640x128xf32, #tpu.memory_space<vmem_shared>>) target_semaphore(%run_scoped3A_240 : memref<!tpu.dma_semaphore, #tpu.memory_space<semaphore_mem>>)
      %dma_wait3A_243 = arith.constant 0 : i32
      %dma_wait3A_244 = tpu.memref_slice %arg12[%mul3A_2, %dma_wait3A_243] : memref<10240x128xf32, #tpu.memory_space<vmem_shared>> -> memref<640x128xf32, #tpu.memory_space<vmem_shared>>
      tpu.wait_dma2 semaphore(%run_scoped3A_240 : memref<!tpu.dma_semaphore, #tpu.memory_space<semaphore_mem>>) src(%arg6 : memref<640x128xf32, #tpu.memory_space<hbm>>) dst(%dma_wait3A_244 : memref<640x128xf32, #tpu.memory_space<vmem_shared>>)
      tpu.yield
    }) : () -> ()
    %barrier3A_119 = arith.constant 0 : index
    tpu.barrier barrier_id(%barrier3A_119)
    %dma_start3A_120 = arith.constant 0 : i32
    %dma_start3A_121 = arith.constant 0 : i32
    %dma_start3A_122 = tpu.memref_slice %arg8[%dma_start3A_120, %dma_start3A_121] : memref<40x128xi32, #tpu.memory_space<vmem>> -> memref<1x128xi32, #tpu.memory_space<vmem>>
    %dma_start3A_123 = tpu.memref_squeeze %dma_start3A_122 : memref<1x128xi32, #tpu.memory_space<vmem>> -> memref<128xi32, #tpu.memory_space<vmem>>
    %dma_start3A_124 = arith.constant 0 : i32
    %dma_start3A_125 = arith.constant 0 : i32
    %dma_start3A_126 = tpu.memref_slice %arg3[%dma_start3A_124, %dma_start3A_125] : memref<10000x128xf32, #tpu.memory_space<hbm>> -> memref<10000x128xf32, #tpu.memory_space<hbm>>
    tpu.enqueue_indirect_dma source(%dma_start3A_126 : memref<10000x128xf32, #tpu.memory_space<hbm>>) target(%arg10 : memref<128x128xf32, #tpu.memory_space<vmem>>) offsets(%dma_start3A_123 : memref<128xi32, #tpu.memory_space<vmem>>) semaphore(%arg13 : memref<!tpu.dma_semaphore, #tpu.memory_space<semaphore_mem>>)
    %dma_start3A_127 = arith.constant 1 : i32
    %dma_start3A_128 = arith.constant 0 : i32
    %dma_start3A_129 = tpu.memref_slice %arg8[%dma_start3A_127, %dma_start3A_128] : memref<40x128xi32, #tpu.memory_space<vmem>> -> memref<1x128xi32, #tpu.memory_space<vmem>>
    %dma_start3A_130 = tpu.memref_squeeze %dma_start3A_129 : memref<1x128xi32, #tpu.memory_space<vmem>> -> memref<128xi32, #tpu.memory_space<vmem>>
    %dma_start3A_131 = arith.constant 0 : i32
    %dma_start3A_132 = arith.constant 0 : i32
    %dma_start3A_133 = tpu.memref_slice %arg3[%dma_start3A_131, %dma_start3A_132] : memref<10000x128xf32, #tpu.memory_space<hbm>> -> memref<10000x128xf32, #tpu.memory_space<hbm>>
    tpu.enqueue_indirect_dma source(%dma_start3A_133 : memref<10000x128xf32, #tpu.memory_space<hbm>>) target(%arg11 : memref<128x128xf32, #tpu.memory_space<vmem>>) offsets(%dma_start3A_130 : memref<128xi32, #tpu.memory_space<vmem>>) semaphore(%arg14 : memref<!tpu.dma_semaphore, #tpu.memory_space<semaphore_mem>>)
    %dma_wait3A_134 = arith.constant 0 : i32
    %dma_wait3A_135 = arith.constant 0 : i32
    %dma_wait3A_136 = tpu.memref_slice %arg8[%dma_wait3A_134, %dma_wait3A_135] : memref<40x128xi32, #tpu.memory_space<vmem>> -> memref<1x128xi32, #tpu.memory_space<vmem>>
    %dma_wait3A_137 = tpu.memref_squeeze %dma_wait3A_136 : memref<1x128xi32, #tpu.memory_space<vmem>> -> memref<128xi32, #tpu.memory_space<vmem>>
    %dma_wait3A_138 = arith.constant 0 : i32
    %dma_wait3A_139 = arith.constant 0 : i32
    %dma_wait3A_140 = tpu.memref_slice %arg3[%dma_wait3A_138, %dma_wait3A_139] : memref<10000x128xf32, #tpu.memory_space<hbm>> -> memref<10000x128xf32, #tpu.memory_space<hbm>>
    tpu.wait_indirect_dma semaphore(%arg13 : memref<!tpu.dma_semaphore, #tpu.memory_space<semaphore_mem>>) src(%dma_wait3A_140 : memref<10000x128xf32, #tpu.memory_space<hbm>>) dst(%arg10 : memref<128x128xf32, #tpu.memory_space<vmem>>)
    %dma_start3A_141 = arith.constant 0 : i32
    %dma_start3A_142 = arith.constant 0 : i32
    %dma_start3A_143 = tpu.memref_slice %arg9[%dma_start3A_141, %dma_start3A_142] : memref<40x128xi32, #tpu.memory_space<vmem>> -> memref<1x128xi32, #tpu.memory_space<vmem>>
    %dma_start3A_144 = tpu.memref_squeeze %dma_start3A_143 : memref<1x128xi32, #tpu.memory_space<vmem>> -> memref<128xi32, #tpu.memory_space<vmem>>
    %dma_start3A_145 = arith.constant 0 : i32
    %dma_start3A_146 = arith.constant 0 : i32
    %dma_start3A_147 = tpu.memref_slice %arg12[%dma_start3A_145, %dma_start3A_146] : memref<10240x128xf32, #tpu.memory_space<vmem_shared>> -> memref<10240x128xf32, #tpu.memory_space<vmem_shared>>
    tpu.enqueue_indirect_dma source(%arg10 : memref<128x128xf32, #tpu.memory_space<vmem>>) target(%dma_start3A_147 : memref<10240x128xf32, #tpu.memory_space<vmem_shared>>) offsets(%dma_start3A_144 : memref<128xi32, #tpu.memory_space<vmem>>) semaphore(%arg15 : memref<!tpu.dma_semaphore, #tpu.memory_space<semaphore_mem>>) {add = true}
    %dma_wait3A_148 = arith.constant 0 : i32
    %dma_wait3A_149 = arith.constant 0 : i32
    %dma_wait3A_150 = tpu.memref_slice %arg8[%dma_wait3A_148, %dma_wait3A_149] : memref<40x128xi32, #tpu.memory_space<vmem>> -> memref<1x128xi32, #tpu.memory_space<vmem>>
    %dma_wait3A_151 = tpu.memref_squeeze %dma_wait3A_150 : memref<1x128xi32, #tpu.memory_space<vmem>> -> memref<128xi32, #tpu.memory_space<vmem>>
    %dma_wait3A_152 = arith.constant 0 : i32
    %dma_wait3A_153 = arith.constant 0 : i32
    %dma_wait3A_154 = tpu.memref_slice %arg3[%dma_wait3A_152, %dma_wait3A_153] : memref<10000x128xf32, #tpu.memory_space<hbm>> -> memref<10000x128xf32, #tpu.memory_space<hbm>>
    tpu.wait_indirect_dma semaphore(%arg14 : memref<!tpu.dma_semaphore, #tpu.memory_space<semaphore_mem>>) src(%dma_wait3A_154 : memref<10000x128xf32, #tpu.memory_space<hbm>>) dst(%arg11 : memref<128x128xf32, #tpu.memory_space<vmem>>)
    %dma_start3A_155 = arith.constant 1 : i32
    %dma_start3A_156 = arith.constant 0 : i32
    %dma_start3A_157 = tpu.memref_slice %arg9[%dma_start3A_155, %dma_start3A_156] : memref<40x128xi32, #tpu.memory_space<vmem>> -> memref<1x128xi32, #tpu.memory_space<vmem>>
    %dma_start3A_158 = tpu.memref_squeeze %dma_start3A_157 : memref<1x128xi32, #tpu.memory_space<vmem>> -> memref<128xi32, #tpu.memory_space<vmem>>
    %dma_start3A_159 = arith.constant 0 : i32
    %dma_start3A_160 = arith.constant 0 : i32
    %dma_start3A_161 = tpu.memref_slice %arg12[%dma_start3A_159, %dma_start3A_160] : memref<10240x128xf32, #tpu.memory_space<vmem_shared>> -> memref<10240x128xf32, #tpu.memory_space<vmem_shared>>
    tpu.enqueue_indirect_dma source(%arg11 : memref<128x128xf32, #tpu.memory_space<vmem>>) target(%dma_start3A_161 : memref<10240x128xf32, #tpu.memory_space<vmem_shared>>) offsets(%dma_start3A_158 : memref<128xi32, #tpu.memory_space<vmem>>) semaphore(%arg16 : memref<!tpu.dma_semaphore, #tpu.memory_space<semaphore_mem>>) {add = true}
    %dma_wait3A_162 = arith.constant 0 : i32
    %dma_wait3A_163 = arith.constant 0 : i32
    %dma_wait3A_164 = tpu.memref_slice %arg9[%dma_wait3A_162, %dma_wait3A_163] : memref<40x128xi32, #tpu.memory_space<vmem>> -> memref<1x128xi32, #tpu.memory_space<vmem>>
    %dma_wait3A_165 = tpu.memref_squeeze %dma_wait3A_164 : memref<1x128xi32, #tpu.memory_space<vmem>> -> memref<128xi32, #tpu.memory_space<vmem>>
    %dma_wait3A_166 = arith.constant 0 : i32
    %dma_wait3A_167 = arith.constant 0 : i32
    %dma_wait3A_168 = tpu.memref_slice %arg12[%dma_wait3A_166, %dma_wait3A_167] : memref<10240x128xf32, #tpu.memory_space<vmem_shared>> -> memref<10240x128xf32, #tpu.memory_space<vmem_shared>>
    tpu.wait_indirect_dma semaphore(%arg15 : memref<!tpu.dma_semaphore, #tpu.memory_space<semaphore_mem>>) src(%arg10 : memref<128x128xf32, #tpu.memory_space<vmem>>) dst(%dma_wait3A_168 : memref<10240x128xf32, #tpu.memory_space<vmem_shared>>)
    %dma_start3A_169 = arith.constant 2 : i32
    %dma_start3A_170 = arith.constant 0 : i32
    %dma_start3A_171 = tpu.memref_slice %arg8[%dma_start3A_169, %dma_start3A_170] : memref<40x128xi32, #tpu.memory_space<vmem>> -> memref<1x128xi32, #tpu.memory_space<vmem>>
    %dma_start3A_172 = tpu.memref_squeeze %dma_start3A_171 : memref<1x128xi32, #tpu.memory_space<vmem>> -> memref<128xi32, #tpu.memory_space<vmem>>
    %dma_start3A_173 = arith.constant 0 : i32
    %dma_start3A_174 = arith.constant 0 : i32
    %dma_start3A_175 = tpu.memref_slice %arg3[%dma_start3A_173, %dma_start3A_174] : memref<10000x128xf32, #tpu.memory_space<hbm>> -> memref<10000x128xf32, #tpu.memory_space<hbm>>
    tpu.enqueue_indirect_dma source(%dma_start3A_175 : memref<10000x128xf32, #tpu.memory_space<hbm>>) target(%arg10 : memref<128x128xf32, #tpu.memory_space<vmem>>) offsets(%dma_start3A_172 : memref<128xi32, #tpu.memory_space<vmem>>) semaphore(%arg13 : memref<!tpu.dma_semaphore, #tpu.memory_space<semaphore_mem>>)
    %scan3A_176 = arith.constant 0 : i32
    %scan3A_177 = arith.constant 18 : i32
    %scan3A_178 = arith.addi %scan3A_176, %scan3A_177 : i32
    %scan3A_179 = arith.constant 1 : i32
    scf.for %scan3A_240 = %scan3A_176 to %scan3A_178 step %scan3A_179  : i32 {
      %mul3A_241 = arith.constant 1 : i32
      %mul3A_242 = arith.muli %scan3A_240, %mul3A_241 : i32
      %add3A_243 = arith.constant 1 : i32
      %add3A_244 = arith.addi %add3A_243, %mul3A_242 : i32
      %mul3A_245 = arith.constant 2 : i32
      %mul3A_246 = arith.muli %add3A_244, %mul3A_245 : i32
      %dma_wait3A_247 = arith.constant 0 : i32
      %dma_wait3A_248 = arith.constant 0 : i32
      %dma_wait3A_249 = tpu.memref_slice %arg8[%dma_wait3A_247, %dma_wait3A_248] : memref<40x128xi32, #tpu.memory_space<vmem>> -> memref<1x128xi32, #tpu.memory_space<vmem>>
      %dma_wait3A_250 = tpu.memref_squeeze %dma_wait3A_249 : memref<1x128xi32, #tpu.memory_space<vmem>> -> memref<128xi32, #tpu.memory_space<vmem>>
      %dma_wait3A_251 = arith.constant 0 : i32
      %dma_wait3A_252 = arith.constant 0 : i32
      %dma_wait3A_253 = tpu.memref_slice %arg3[%dma_wait3A_251, %dma_wait3A_252] : memref<10000x128xf32, #tpu.memory_space<hbm>> -> memref<10000x128xf32, #tpu.memory_space<hbm>>
      tpu.wait_indirect_dma semaphore(%arg13 : memref<!tpu.dma_semaphore, #tpu.memory_space<semaphore_mem>>) src(%dma_wait3A_253 : memref<10000x128xf32, #tpu.memory_space<hbm>>) dst(%arg10 : memref<128x128xf32, #tpu.memory_space<vmem>>)
      %dma_start3A_254 = arith.constant 0 : i32
      %dma_start3A_255 = tpu.memref_slice %arg9[%mul3A_246, %dma_start3A_254] : memref<40x128xi32, #tpu.memory_space<vmem>> -> memref<1x128xi32, #tpu.memory_space<vmem>>
      %dma_start3A_256 = tpu.memref_squeeze %dma_start3A_255 : memref<1x128xi32, #tpu.memory_space<vmem>> -> memref<128xi32, #tpu.memory_space<vmem>>
      %dma_start3A_257 = arith.constant 0 : i32
      %dma_start3A_258 = arith.constant 0 : i32
      %dma_start3A_259 = tpu.memref_slice %arg12[%dma_start3A_257, %dma_start3A_258] : memref<10240x128xf32, #tpu.memory_space<vmem_shared>> -> memref<10240x128xf32, #tpu.memory_space<vmem_shared>>
      tpu.enqueue_indirect_dma source(%arg10 : memref<128x128xf32, #tpu.memory_space<vmem>>) target(%dma_start3A_259 : memref<10240x128xf32, #tpu.memory_space<vmem_shared>>) offsets(%dma_start3A_256 : memref<128xi32, #tpu.memory_space<vmem>>) semaphore(%arg15 : memref<!tpu.dma_semaphore, #tpu.memory_space<semaphore_mem>>) {add = true}
      %dma_wait3A_260 = arith.constant 0 : i32
      %dma_wait3A_261 = arith.constant 0 : i32
      %dma_wait3A_262 = tpu.memref_slice %arg9[%dma_wait3A_260, %dma_wait3A_261] : memref<40x128xi32, #tpu.memory_space<vmem>> -> memref<1x128xi32, #tpu.memory_space<vmem>>
      %dma_wait3A_263 = tpu.memref_squeeze %dma_wait3A_262 : memref<1x128xi32, #tpu.memory_space<vmem>> -> memref<128xi32, #tpu.memory_space<vmem>>
      %dma_wait3A_264 = arith.constant 0 : i32
      %dma_wait3A_265 = arith.constant 0 : i32
      %dma_wait3A_266 = tpu.memref_slice %arg12[%dma_wait3A_264, %dma_wait3A_265] : memref<10240x128xf32, #tpu.memory_space<vmem_shared>> -> memref<10240x128xf32, #tpu.memory_space<vmem_shared>>
      tpu.wait_indirect_dma semaphore(%arg16 : memref<!tpu.dma_semaphore, #tpu.memory_space<semaphore_mem>>) src(%arg11 : memref<128x128xf32, #tpu.memory_space<vmem>>) dst(%dma_wait3A_266 : memref<10240x128xf32, #tpu.memory_space<vmem_shared>>)
      %add3A_267 = arith.constant 1 : i32
      %add3A_268 = arith.addi %mul3A_246, %add3A_267 : i32
      %dma_start3A_269 = arith.constant 0 : i32
      %dma_start3A_270 = tpu.memref_slice %arg8[%add3A_268, %dma_start3A_269] : memref<40x128xi32, #tpu.memory_space<vmem>> -> memref<1x128xi32, #tpu.memory_space<vmem>>
      %dma_start3A_271 = tpu.memref_squeeze %dma_start3A_270 : memref<1x128xi32, #tpu.memory_space<vmem>> -> memref<128xi32, #tpu.memory_space<vmem>>
      %dma_start3A_272 = arith.constant 0 : i32
      %dma_start3A_273 = arith.constant 0 : i32
      %dma_start3A_274 = tpu.memref_slice %arg3[%dma_start3A_272, %dma_start3A_273] : memref<10000x128xf32, #tpu.memory_space<hbm>> -> memref<10000x128xf32, #tpu.memory_space<hbm>>
      tpu.enqueue_indirect_dma source(%dma_start3A_274 : memref<10000x128xf32, #tpu.memory_space<hbm>>) target(%arg11 : memref<128x128xf32, #tpu.memory_space<vmem>>) offsets(%dma_start3A_271 : memref<128xi32, #tpu.memory_space<vmem>>) semaphore(%arg14 : memref<!tpu.dma_semaphore, #tpu.memory_space<semaphore_mem>>)
      %add3A_275 = arith.constant 1 : i32
      %add3A_276 = arith.addi %mul3A_246, %add3A_275 : i32
      %dma_wait3A_277 = arith.constant 0 : i32
      %dma_wait3A_278 = arith.constant 0 : i32
      %dma_wait3A_279 = tpu.memref_slice %arg8[%dma_wait3A_277, %dma_wait3A_278] : memref<40x128xi32, #tpu.memory_space<vmem>> -> memref<1x128xi32, #tpu.memory_space<vmem>>
      %dma_wait3A_280 = tpu.memref_squeeze %dma_wait3A_279 : memref<1x128xi32, #tpu.memory_space<vmem>> -> memref<128xi32, #tpu.memory_space<vmem>>
      %dma_wait3A_281 = arith.constant 0 : i32
      %dma_wait3A_282 = arith.constant 0 : i32
      %dma_wait3A_283 = tpu.memref_slice %arg3[%dma_wait3A_281, %dma_wait3A_282] : memref<10000x128xf32, #tpu.memory_space<hbm>> -> memref<10000x128xf32, #tpu.memory_space<hbm>>
      tpu.wait_indirect_dma semaphore(%arg14 : memref<!tpu.dma_semaphore, #tpu.memory_space<semaphore_mem>>) src(%dma_wait3A_283 : memref<10000x128xf32, #tpu.memory_space<hbm>>) dst(%arg11 : memref<128x128xf32, #tpu.memory_space<vmem>>)
      %dma_start3A_284 = arith.constant 0 : i32
      %dma_start3A_285 = tpu.memref_slice %arg9[%add3A_276, %dma_start3A_284] : memref<40x128xi32, #tpu.memory_space<vmem>> -> memref<1x128xi32, #tpu.memory_space<vmem>>
      %dma_start3A_286 = tpu.memref_squeeze %dma_start3A_285 : memref<1x128xi32, #tpu.memory_space<vmem>> -> memref<128xi32, #tpu.memory_space<vmem>>
      %dma_start3A_287 = arith.constant 0 : i32
      %dma_start3A_288 = arith.constant 0 : i32
      %dma_start3A_289 = tpu.memref_slice %arg12[%dma_start3A_287, %dma_start3A_288] : memref<10240x128xf32, #tpu.memory_space<vmem_shared>> -> memref<10240x128xf32, #tpu.memory_space<vmem_shared>>
      tpu.enqueue_indirect_dma source(%arg11 : memref<128x128xf32, #tpu.memory_space<vmem>>) target(%dma_start3A_289 : memref<10240x128xf32, #tpu.memory_space<vmem_shared>>) offsets(%dma_start3A_286 : memref<128xi32, #tpu.memory_space<vmem>>) semaphore(%arg16 : memref<!tpu.dma_semaphore, #tpu.memory_space<semaphore_mem>>) {add = true}
      %dma_wait3A_290 = arith.constant 0 : i32
      %dma_wait3A_291 = arith.constant 0 : i32
      %dma_wait3A_292 = tpu.memref_slice %arg9[%dma_wait3A_290, %dma_wait3A_291] : memref<40x128xi32, #tpu.memory_space<vmem>> -> memref<1x128xi32, #tpu.memory_space<vmem>>
      %dma_wait3A_293 = tpu.memref_squeeze %dma_wait3A_292 : memref<1x128xi32, #tpu.memory_space<vmem>> -> memref<128xi32, #tpu.memory_space<vmem>>
      %dma_wait3A_294 = arith.constant 0 : i32
      %dma_wait3A_295 = arith.constant 0 : i32
      %dma_wait3A_296 = tpu.memref_slice %arg12[%dma_wait3A_294, %dma_wait3A_295] : memref<10240x128xf32, #tpu.memory_space<vmem_shared>> -> memref<10240x128xf32, #tpu.memory_space<vmem_shared>>
      tpu.wait_indirect_dma semaphore(%arg15 : memref<!tpu.dma_semaphore, #tpu.memory_space<semaphore_mem>>) src(%arg10 : memref<128x128xf32, #tpu.memory_space<vmem>>) dst(%dma_wait3A_296 : memref<10240x128xf32, #tpu.memory_space<vmem_shared>>)
      %add3A_297 = arith.constant 1 : i32
      %add3A_298 = arith.addi %add3A_276, %add3A_297 : i32
      %dma_start3A_299 = arith.constant 0 : i32
      %dma_start3A_300 = tpu.memref_slice %arg8[%add3A_298, %dma_start3A_299] : memref<40x128xi32, #tpu.memory_space<vmem>> -> memref<1x128xi32, #tpu.memory_space<vmem>>
      %dma_start3A_301 = tpu.memref_squeeze %dma_start3A_300 : memref<1x128xi32, #tpu.memory_space<vmem>> -> memref<128xi32, #tpu.memory_space<vmem>>
      %dma_start3A_302 = arith.constant 0 : i32
      %dma_start3A_303 = arith.constant 0 : i32
      %dma_start3A_304 = tpu.memref_slice %arg3[%dma_start3A_302, %dma_start3A_303] : memref<10000x128xf32, #tpu.memory_space<hbm>> -> memref<10000x128xf32, #tpu.memory_space<hbm>>
      tpu.enqueue_indirect_dma source(%dma_start3A_304 : memref<10000x128xf32, #tpu.memory_space<hbm>>) target(%arg10 : memref<128x128xf32, #tpu.memory_space<vmem>>) offsets(%dma_start3A_301 : memref<128xi32, #tpu.memory_space<vmem>>) semaphore(%arg13 : memref<!tpu.dma_semaphore, #tpu.memory_space<semaphore_mem>>)
    }
    %scan3A_180 = arith.constant 18 : i32
    %dma_wait3A_181 = arith.constant 0 : i32
    %dma_wait3A_182 = arith.constant 0 : i32
    %dma_wait3A_183 = tpu.memref_slice %arg8[%dma_wait3A_181, %dma_wait3A_182] : memref<40x128xi32, #tpu.memory_space<vmem>> -> memref<1x128xi32, #tpu.memory_space<vmem>>
    %dma_wait3A_184 = tpu.memref_squeeze %dma_wait3A_183 : memref<1x128xi32, #tpu.memory_space<vmem>> -> memref<128xi32, #tpu.memory_space<vmem>>
    %dma_wait3A_185 = arith.constant 0 : i32
    %dma_wait3A_186 = arith.constant 0 : i32
    %dma_wait3A_187 = tpu.memref_slice %arg3[%dma_wait3A_185, %dma_wait3A_186] : memref<10000x128xf32, #tpu.memory_space<hbm>> -> memref<10000x128xf32, #tpu.memory_space<hbm>>
    tpu.wait_indirect_dma semaphore(%arg13 : memref<!tpu.dma_semaphore, #tpu.memory_space<semaphore_mem>>) src(%dma_wait3A_187 : memref<10000x128xf32, #tpu.memory_space<hbm>>) dst(%arg10 : memref<128x128xf32, #tpu.memory_space<vmem>>)
    %dma_start3A_188 = arith.constant 38 : i32
    %dma_start3A_189 = arith.constant 0 : i32
    %dma_start3A_190 = tpu.memref_slice %arg9[%dma_start3A_188, %dma_start3A_189] : memref<40x128xi32, #tpu.memory_space<vmem>> -> memref<1x128xi32, #tpu.memory_space<vmem>>
    %dma_start3A_191 = tpu.memref_squeeze %dma_start3A_190 : memref<1x128xi32, #tpu.memory_space<vmem>> -> memref<128xi32, #tpu.memory_space<vmem>>
    %dma_start3A_192 = arith.constant 0 : i32
    %dma_start3A_193 = arith.constant 0 : i32
    %dma_start3A_194 = tpu.memref_slice %arg12[%dma_start3A_192, %dma_start3A_193] : memref<10240x128xf32, #tpu.memory_space<vmem_shared>> -> memref<10240x128xf32, #tpu.memory_space<vmem_shared>>
    tpu.enqueue_indirect_dma source(%arg10 : memref<128x128xf32, #tpu.memory_space<vmem>>) target(%dma_start3A_194 : memref<10240x128xf32, #tpu.memory_space<vmem_shared>>) offsets(%dma_start3A_191 : memref<128xi32, #tpu.memory_space<vmem>>) semaphore(%arg15 : memref<!tpu.dma_semaphore, #tpu.memory_space<semaphore_mem>>) {add = true}
    %dma_wait3A_195 = arith.constant 0 : i32
    %dma_wait3A_196 = arith.constant 0 : i32
    %dma_wait3A_197 = tpu.memref_slice %arg9[%dma_wait3A_195, %dma_wait3A_196] : memref<40x128xi32, #tpu.memory_space<vmem>> -> memref<1x128xi32, #tpu.memory_space<vmem>>
    %dma_wait3A_198 = tpu.memref_squeeze %dma_wait3A_197 : memref<1x128xi32, #tpu.memory_space<vmem>> -> memref<128xi32, #tpu.memory_space<vmem>>
    %dma_wait3A_199 = arith.constant 0 : i32
    %dma_wait3A_200 = arith.constant 0 : i32
    %dma_wait3A_201 = tpu.memref_slice %arg12[%dma_wait3A_199, %dma_wait3A_200] : memref<10240x128xf32, #tpu.memory_space<vmem_shared>> -> memref<10240x128xf32, #tpu.memory_space<vmem_shared>>
    tpu.wait_indirect_dma semaphore(%arg16 : memref<!tpu.dma_semaphore, #tpu.memory_space<semaphore_mem>>) src(%arg11 : memref<128x128xf32, #tpu.memory_space<vmem>>) dst(%dma_wait3A_201 : memref<10240x128xf32, #tpu.memory_space<vmem_shared>>)
    %dma_start3A_202 = arith.constant 39 : i32
    %dma_start3A_203 = arith.constant 0 : i32
    %dma_start3A_204 = tpu.memref_slice %arg8[%dma_start3A_202, %dma_start3A_203] : memref<40x128xi32, #tpu.memory_space<vmem>> -> memref<1x128xi32, #tpu.memory_space<vmem>>
    %dma_start3A_205 = tpu.memref_squeeze %dma_start3A_204 : memref<1x128xi32, #tpu.memory_space<vmem>> -> memref<128xi32, #tpu.memory_space<vmem>>
    %dma_start3A_206 = arith.constant 0 : i32
    %dma_start3A_207 = arith.constant 0 : i32
    %dma_start3A_208 = tpu.memref_slice %arg3[%dma_start3A_206, %dma_start3A_207] : memref<10000x128xf32, #tpu.memory_space<hbm>> -> memref<10000x128xf32, #tpu.memory_space<hbm>>
    tpu.enqueue_indirect_dma source(%dma_start3A_208 : memref<10000x128xf32, #tpu.memory_space<hbm>>) target(%arg11 : memref<128x128xf32, #tpu.memory_space<vmem>>) offsets(%dma_start3A_205 : memref<128xi32, #tpu.memory_space<vmem>>) semaphore(%arg14 : memref<!tpu.dma_semaphore, #tpu.memory_space<semaphore_mem>>)
    %dma_wait3A_209 = arith.constant 0 : i32
    %dma_wait3A_210 = arith.constant 0 : i32
    %dma_wait3A_211 = tpu.memref_slice %arg8[%dma_wait3A_209, %dma_wait3A_210] : memref<40x128xi32, #tpu.memory_space<vmem>> -> memref<1x128xi32, #tpu.memory_space<vmem>>
    %dma_wait3A_212 = tpu.memref_squeeze %dma_wait3A_211 : memref<1x128xi32, #tpu.memory_space<vmem>> -> memref<128xi32, #tpu.memory_space<vmem>>
    %dma_wait3A_213 = arith.constant 0 : i32
    %dma_wait3A_214 = arith.constant 0 : i32
    %dma_wait3A_215 = tpu.memref_slice %arg3[%dma_wait3A_213, %dma_wait3A_214] : memref<10000x128xf32, #tpu.memory_space<hbm>> -> memref<10000x128xf32, #tpu.memory_space<hbm>>
    tpu.wait_indirect_dma semaphore(%arg14 : memref<!tpu.dma_semaphore, #tpu.memory_space<semaphore_mem>>) src(%dma_wait3A_215 : memref<10000x128xf32, #tpu.memory_space<hbm>>) dst(%arg11 : memref<128x128xf32, #tpu.memory_space<vmem>>)
    %dma_start3A_216 = arith.constant 39 : i32
    %dma_start3A_217 = arith.constant 0 : i32
    %dma_start3A_218 = tpu.memref_slice %arg9[%dma_start3A_216, %dma_start3A_217] : memref<40x128xi32, #tpu.memory_space<vmem>> -> memref<1x128xi32, #tpu.memory_space<vmem>>
    %dma_start3A_219 = tpu.memref_squeeze %dma_start3A_218 : memref<1x128xi32, #tpu.memory_space<vmem>> -> memref<128xi32, #tpu.memory_space<vmem>>
    %dma_start3A_220 = arith.constant 0 : i32
    %dma_start3A_221 = arith.constant 0 : i32
    %dma_start3A_222 = tpu.memref_slice %arg12[%dma_start3A_220, %dma_start3A_221] : memref<10240x128xf32, #tpu.memory_space<vmem_shared>> -> memref<10240x128xf32, #tpu.memory_space<vmem_shared>>
    tpu.enqueue_indirect_dma source(%arg11 : memref<128x128xf32, #tpu.memory_space<vmem>>) target(%dma_start3A_222 : memref<10240x128xf32, #tpu.memory_space<vmem_shared>>) offsets(%dma_start3A_219 : memref<128xi32, #tpu.memory_space<vmem>>) semaphore(%arg16 : memref<!tpu.dma_semaphore, #tpu.memory_space<semaphore_mem>>) {add = true}
    %dma_wait3A_223 = arith.constant 0 : i32
    %dma_wait3A_224 = arith.constant 0 : i32
    %dma_wait3A_225 = tpu.memref_slice %arg9[%dma_wait3A_223, %dma_wait3A_224] : memref<40x128xi32, #tpu.memory_space<vmem>> -> memref<1x128xi32, #tpu.memory_space<vmem>>
    %dma_wait3A_226 = tpu.memref_squeeze %dma_wait3A_225 : memref<1x128xi32, #tpu.memory_space<vmem>> -> memref<128xi32, #tpu.memory_space<vmem>>
    %dma_wait3A_227 = arith.constant 0 : i32
    %dma_wait3A_228 = arith.constant 0 : i32
    %dma_wait3A_229 = tpu.memref_slice %arg12[%dma_wait3A_227, %dma_wait3A_228] : memref<10240x128xf32, #tpu.memory_space<vmem_shared>> -> memref<10240x128xf32, #tpu.memory_space<vmem_shared>>
    tpu.wait_indirect_dma semaphore(%arg15 : memref<!tpu.dma_semaphore, #tpu.memory_space<semaphore_mem>>) src(%arg10 : memref<128x128xf32, #tpu.memory_space<vmem>>) dst(%dma_wait3A_229 : memref<10240x128xf32, #tpu.memory_space<vmem_shared>>)
    %dma_wait3A_230 = arith.constant 0 : i32
    %dma_wait3A_231 = arith.constant 0 : i32
    %dma_wait3A_232 = tpu.memref_slice %arg9[%dma_wait3A_230, %dma_wait3A_231] : memref<40x128xi32, #tpu.memory_space<vmem>> -> memref<1x128xi32, #tpu.memory_space<vmem>>
    %dma_wait3A_233 = tpu.memref_squeeze %dma_wait3A_232 : memref<1x128xi32, #tpu.memory_space<vmem>> -> memref<128xi32, #tpu.memory_space<vmem>>
    %dma_wait3A_234 = arith.constant 0 : i32
    %dma_wait3A_235 = arith.constant 0 : i32
    %dma_wait3A_236 = tpu.memref_slice %arg12[%dma_wait3A_234, %dma_wait3A_235] : memref<10240x128xf32, #tpu.memory_space<vmem_shared>> -> memref<10240x128xf32, #tpu.memory_space<vmem_shared>>
    tpu.wait_indirect_dma semaphore(%arg16 : memref<!tpu.dma_semaphore, #tpu.memory_space<semaphore_mem>>) src(%arg11 : memref<128x128xf32, #tpu.memory_space<vmem>>) dst(%dma_wait3A_236 : memref<10240x128xf32, #tpu.memory_space<vmem_shared>>)
    %barrier3A_237 = arith.constant 0 : index
    tpu.barrier barrier_id(%barrier3A_237)
    %run_scoped3A_238 = arith.constant 1 : i32
    "tpu.region"() ({
      %run_scoped3A_240 = tpu.sem_alloc : memref<!tpu.dma_semaphore, #tpu.memory_space<semaphore_mem>>
      %dma_start3A_241 = arith.constant 0 : i32
      %dma_start3A_242 = tpu.memref_slice %arg7[%arg0, %run_scoped3A_238, %mul3A_2, %dma_start3A_241] : memref<2x2x10240x128xf32, #tpu.memory_space<hbm>> -> memref<1x1x640x128xf32, #tpu.memory_space<hbm>>
      %dma_start3A_243 = tpu.memref_squeeze %dma_start3A_242 : memref<1x1x640x128xf32, #tpu.memory_space<hbm>> -> memref<640x128xf32, #tpu.memory_space<hbm>>
      %dma_start3A_244 = arith.constant 0 : i32
      %dma_start3A_245 = tpu.memref_slice %arg12[%mul3A_2, %dma_start3A_244] : memref<10240x128xf32, #tpu.memory_space<vmem_shared>> -> memref<640x128xf32, #tpu.memory_space<vmem_shared>>
      tpu.enqueue_dma source(%dma_start3A_245 : memref<640x128xf32, #tpu.memory_space<vmem_shared>>) target(%dma_start3A_243 : memref<640x128xf32, #tpu.memory_space<hbm>>) target_semaphore(%run_scoped3A_240 : memref<!tpu.dma_semaphore, #tpu.memory_space<semaphore_mem>>)
      %dma_wait3A_246 = arith.constant 0 : i32
      %dma_wait3A_247 = tpu.memref_slice %arg7[%arg0, %run_scoped3A_238, %mul3A_2, %dma_wait3A_246] : memref<2x2x10240x128xf32, #tpu.memory_space<hbm>> -> memref<1x1x640x128xf32, #tpu.memory_space<hbm>>
      %dma_wait3A_248 = tpu.memref_squeeze %dma_wait3A_247 : memref<1x1x640x128xf32, #tpu.memory_space<hbm>> -> memref<640x128xf32, #tpu.memory_space<hbm>>
      %dma_wait3A_249 = arith.constant 0 : i32
      %dma_wait3A_250 = tpu.memref_slice %arg12[%mul3A_2, %dma_wait3A_249] : memref<10240x128xf32, #tpu.memory_space<vmem_shared>> -> memref<640x128xf32, #tpu.memory_space<vmem_shared>>
      tpu.wait_dma2 semaphore(%run_scoped3A_240 : memref<!tpu.dma_semaphore, #tpu.memory_space<semaphore_mem>>) src(%dma_wait3A_250 : memref<640x128xf32, #tpu.memory_space<vmem_shared>>) dst(%dma_wait3A_248 : memref<640x128xf32, #tpu.memory_space<hbm>>)
      tpu.yield
    }) : () -> ()
    %barrier3A_239 = arith.constant 0 : index
    tpu.barrier barrier_id(%barrier3A_239)
    return
  }
}

#map = affine_map<(d0, d1) -> (0, 0, 0)>
#map1 = affine_map<(d0, d1) -> (0, 0)>
module attributes {stable_mosaic.version = 14 : i64} {
  func.func @run(%arg0: i32, %arg1: i32, %arg2: memref<32x40x128xi32, #tpu.memory_space<hbm>>, %arg3: memref<128x128xf32, #tpu.memory_space<hbm>>, %arg4: memref<640x128xf32, #tpu.memory_space<hbm>>, %arg5: memref<2x10240x128xf32, #tpu.memory_space<hbm>>, %arg6: memref<40x128xi32, #tpu.memory_space<vmem>>, %arg7: memref<128x128xf32, #tpu.memory_space<vmem>>, %arg8: memref<10240x128xf32, #tpu.memory_space<vmem_shared>>, %arg9: memref<!tpu.dma_semaphore, #tpu.memory_space<semaphore_mem>>) attributes {dimension_semantics = [#tpu.dimension_semantics<core_parallel>, #tpu.dimension_semantics<subcore_parallel>], iteration_bounds = array<i64: 2, 16>, scalar_prefetch = 0 : i64, scratch_operands = 4 : i64, tpu.core_type = #tpu.core_type<sc_vector_subcore>, window_params = [{transform_indices = #map}, {transform_indices = #map1}, {transform_indices = #map1}, {transform_indices = #map}]} {
    %mul3A = arith.constant 16 : i32
    %mul3A_0 = arith.muli %arg0, %mul3A : i32
    %add3A = arith.addi %mul3A_0, %arg1 : i32
    "tpu.region"() ({
      %run_scoped3A = tpu.sem_alloc : memref<!tpu.dma_semaphore, #tpu.memory_space<semaphore_mem>>
      %dma_start3A = arith.constant 0 : i32
      %dma_start3A_13 = arith.constant 0 : i32
      %dma_start3A_14 = tpu.memref_slice %arg2[%add3A, %dma_start3A, %dma_start3A_13] : memref<32x40x128xi32, #tpu.memory_space<hbm>> -> memref<1x40x128xi32, #tpu.memory_space<hbm>>
      %dma_start3A_15 = tpu.memref_squeeze %dma_start3A_14 : memref<1x40x128xi32, #tpu.memory_space<hbm>> -> memref<40x128xi32, #tpu.memory_space<hbm>>
      %dma_start3A_16 = arith.constant 0 : i32
      %dma_start3A_17 = arith.constant 0 : i32
      %dma_start3A_18 = tpu.memref_slice %arg2[%add3A, %dma_start3A_16, %dma_start3A_17] : memref<32x40x128xi32, #tpu.memory_space<hbm>> -> memref<1x40x128xi32, #tpu.memory_space<hbm>>
      %dma_start3A_19 = tpu.memref_squeeze %dma_start3A_18 : memref<1x40x128xi32, #tpu.memory_space<hbm>> -> memref<40x128xi32, #tpu.memory_space<hbm>>
      tpu.enqueue_dma source(%dma_start3A_19 : memref<40x128xi32, #tpu.memory_space<hbm>>) target(%arg6 : memref<40x128xi32, #tpu.memory_space<vmem>>) target_semaphore(%run_scoped3A : memref<!tpu.dma_semaphore, #tpu.memory_space<semaphore_mem>>)
      %dma_wait3A = arith.constant 0 : i32
      %dma_wait3A_20 = arith.constant 0 : i32
      %dma_wait3A_21 = tpu.memref_slice %arg2[%add3A, %dma_wait3A, %dma_wait3A_20] : memref<32x40x128xi32, #tpu.memory_space<hbm>> -> memref<1x40x128xi32, #tpu.memory_space<hbm>>
      %dma_wait3A_22 = tpu.memref_squeeze %dma_wait3A_21 : memref<1x40x128xi32, #tpu.memory_space<hbm>> -> memref<40x128xi32, #tpu.memory_space<hbm>>
      %dma_wait3A_23 = arith.constant 0 : i32
      %dma_wait3A_24 = arith.constant 0 : i32
      %dma_wait3A_25 = tpu.memref_slice %arg2[%add3A, %dma_wait3A_23, %dma_wait3A_24] : memref<32x40x128xi32, #tpu.memory_space<hbm>> -> memref<1x40x128xi32, #tpu.memory_space<hbm>>
      %dma_wait3A_26 = tpu.memref_squeeze %dma_wait3A_25 : memref<1x40x128xi32, #tpu.memory_space<hbm>> -> memref<40x128xi32, #tpu.memory_space<hbm>>
      tpu.wait_dma2 semaphore(%run_scoped3A : memref<!tpu.dma_semaphore, #tpu.memory_space<semaphore_mem>>) src(%dma_wait3A_26 : memref<40x128xi32, #tpu.memory_space<hbm>>) dst(%arg6 : memref<40x128xi32, #tpu.memory_space<vmem>>)
      tpu.yield
    }) : () -> ()
    "tpu.region"() ({
      %run_scoped3A = tpu.sem_alloc : memref<!tpu.dma_semaphore, #tpu.memory_space<semaphore_mem>>
      tpu.enqueue_dma source(%arg3 : memref<128x128xf32, #tpu.memory_space<hbm>>) target(%arg7 : memref<128x128xf32, #tpu.memory_space<vmem>>) target_semaphore(%run_scoped3A : memref<!tpu.dma_semaphore, #tpu.memory_space<semaphore_mem>>)
      tpu.wait_dma2 semaphore(%run_scoped3A : memref<!tpu.dma_semaphore, #tpu.memory_space<semaphore_mem>>) src(%arg3 : memref<128x128xf32, #tpu.memory_space<hbm>>) dst(%arg7 : memref<128x128xf32, #tpu.memory_space<vmem>>)
      tpu.yield
    }) : () -> ()
    %mul3A_1 = arith.constant 640 : i32
    %mul3A_2 = arith.muli %arg1, %mul3A_1 : i32
    "tpu.region"() ({
      %run_scoped3A = tpu.sem_alloc : memref<!tpu.dma_semaphore, #tpu.memory_space<semaphore_mem>>
      %dma_start3A = arith.constant 0 : i32
      %dma_start3A_13 = tpu.memref_slice %arg8[%mul3A_2, %dma_start3A] : memref<10240x128xf32, #tpu.memory_space<vmem_shared>> -> memref<640x128xf32, #tpu.memory_space<vmem_shared>>
      tpu.enqueue_dma source(%arg4 : memref<640x128xf32, #tpu.memory_space<hbm>>) target(%dma_start3A_13 : memref<640x128xf32, #tpu.memory_space<vmem_shared>>) target_semaphore(%run_scoped3A : memref<!tpu.dma_semaphore, #tpu.memory_space<semaphore_mem>>)
      %dma_wait3A = arith.constant 0 : i32
      %dma_wait3A_14 = tpu.memref_slice %arg8[%mul3A_2, %dma_wait3A] : memref<10240x128xf32, #tpu.memory_space<vmem_shared>> -> memref<640x128xf32, #tpu.memory_space<vmem_shared>>
      tpu.wait_dma2 semaphore(%run_scoped3A : memref<!tpu.dma_semaphore, #tpu.memory_space<semaphore_mem>>) src(%arg4 : memref<640x128xf32, #tpu.memory_space<hbm>>) dst(%dma_wait3A_14 : memref<640x128xf32, #tpu.memory_space<vmem_shared>>)
      tpu.yield
    }) : () -> ()
    %barrier3A = arith.constant 0 : index
    tpu.barrier barrier_id(%barrier3A)
    %scan3A = arith.constant 0 : i32
    %scan3A_3 = arith.constant 40 : i32
    %scan3A_4 = arith.addi %scan3A, %scan3A_3 : i32
    %scan3A_5 = arith.constant 1 : i32
    scf.for %scan3A_13 = %scan3A to %scan3A_4 step %scan3A_5  : i32 {
      %mul3A_14 = arith.constant 1 : i32
      %mul3A_15 = arith.muli %scan3A_13, %mul3A_14 : i32
      %add3A_16 = arith.constant 0 : i32
      %add3A_17 = arith.addi %add3A_16, %mul3A_15 : i32
      %dma_start3A = arith.constant 0 : i32
      %dma_start3A_18 = tpu.memref_slice %arg6[%add3A_17, %dma_start3A] : memref<40x128xi32, #tpu.memory_space<vmem>> -> memref<1x128xi32, #tpu.memory_space<vmem>>
      %dma_start3A_19 = tpu.memref_squeeze %dma_start3A_18 : memref<1x128xi32, #tpu.memory_space<vmem>> -> memref<128xi32, #tpu.memory_space<vmem>>
      %dma_start3A_20 = arith.constant 0 : i32
      %dma_start3A_21 = arith.constant 0 : i32
      %dma_start3A_22 = tpu.memref_slice %arg8[%dma_start3A_20, %dma_start3A_21] : memref<10240x128xf32, #tpu.memory_space<vmem_shared>> -> memref<10240x128xf32, #tpu.memory_space<vmem_shared>>
      tpu.enqueue_indirect_dma source(%arg7 : memref<128x128xf32, #tpu.memory_space<vmem>>) target(%dma_start3A_22 : memref<10240x128xf32, #tpu.memory_space<vmem_shared>>) offsets(%dma_start3A_19 : memref<128xi32, #tpu.memory_space<vmem>>) semaphore(%arg9 : memref<!tpu.dma_semaphore, #tpu.memory_space<semaphore_mem>>) {add = true}
    }
    %scan3A_6 = arith.constant 40 : i32
    %scan3A_7 = arith.constant 0 : i32
    %scan3A_8 = arith.constant 40 : i32
    %scan3A_9 = arith.addi %scan3A_7, %scan3A_8 : i32
    %scan3A_10 = arith.constant 1 : i32
    scf.for %scan3A_13 = %scan3A_7 to %scan3A_9 step %scan3A_10  : i32 {
      %mul3A_14 = arith.constant 1 : i32
      %mul3A_15 = arith.muli %scan3A_13, %mul3A_14 : i32
      %add3A_16 = arith.constant 0 : i32
      %add3A_17 = arith.addi %add3A_16, %mul3A_15 : i32
      %dma_wait3A = arith.constant 0 : i32
      %dma_wait3A_18 = arith.constant 0 : i32
      %dma_wait3A_19 = tpu.memref_slice %arg6[%dma_wait3A, %dma_wait3A_18] : memref<40x128xi32, #tpu.memory_space<vmem>> -> memref<1x128xi32, #tpu.memory_space<vmem>>
      %dma_wait3A_20 = tpu.memref_squeeze %dma_wait3A_19 : memref<1x128xi32, #tpu.memory_space<vmem>> -> memref<128xi32, #tpu.memory_space<vmem>>
      %dma_wait3A_21 = arith.constant 0 : i32
      %dma_wait3A_22 = arith.constant 0 : i32
      %dma_wait3A_23 = tpu.memref_slice %arg8[%dma_wait3A_21, %dma_wait3A_22] : memref<10240x128xf32, #tpu.memory_space<vmem_shared>> -> memref<10240x128xf32, #tpu.memory_space<vmem_shared>>
      tpu.wait_indirect_dma semaphore(%arg9 : memref<!tpu.dma_semaphore, #tpu.memory_space<semaphore_mem>>) src(%arg7 : memref<128x128xf32, #tpu.memory_space<vmem>>) dst(%dma_wait3A_23 : memref<10240x128xf32, #tpu.memory_space<vmem_shared>>)
    }
    %scan3A_11 = arith.constant 40 : i32
    %barrier3A_12 = arith.constant 0 : index
    tpu.barrier barrier_id(%barrier3A_12)
    "tpu.region"() ({
      %run_scoped3A = tpu.sem_alloc : memref<!tpu.dma_semaphore, #tpu.memory_space<semaphore_mem>>
      %dma_start3A = arith.constant 0 : i32
      %dma_start3A_13 = tpu.memref_slice %arg5[%arg0, %mul3A_2, %dma_start3A] : memref<2x10240x128xf32, #tpu.memory_space<hbm>> -> memref<1x640x128xf32, #tpu.memory_space<hbm>>
      %dma_start3A_14 = tpu.memref_squeeze %dma_start3A_13 : memref<1x640x128xf32, #tpu.memory_space<hbm>> -> memref<640x128xf32, #tpu.memory_space<hbm>>
      %dma_start3A_15 = arith.constant 0 : i32
      %dma_start3A_16 = tpu.memref_slice %arg8[%mul3A_2, %dma_start3A_15] : memref<10240x128xf32, #tpu.memory_space<vmem_shared>> -> memref<640x128xf32, #tpu.memory_space<vmem_shared>>
      tpu.enqueue_dma source(%dma_start3A_16 : memref<640x128xf32, #tpu.memory_space<vmem_shared>>) target(%dma_start3A_14 : memref<640x128xf32, #tpu.memory_space<hbm>>) target_semaphore(%run_scoped3A : memref<!tpu.dma_semaphore, #tpu.memory_space<semaphore_mem>>)
      %dma_wait3A = arith.constant 0 : i32
      %dma_wait3A_17 = tpu.memref_slice %arg5[%arg0, %mul3A_2, %dma_wait3A] : memref<2x10240x128xf32, #tpu.memory_space<hbm>> -> memref<1x640x128xf32, #tpu.memory_space<hbm>>
      %dma_wait3A_18 = tpu.memref_squeeze %dma_wait3A_17 : memref<1x640x128xf32, #tpu.memory_space<hbm>> -> memref<640x128xf32, #tpu.memory_space<hbm>>
      %dma_wait3A_19 = arith.constant 0 : i32
      %dma_wait3A_20 = tpu.memref_slice %arg8[%mul3A_2, %dma_wait3A_19] : memref<10240x128xf32, #tpu.memory_space<vmem_shared>> -> memref<640x128xf32, #tpu.memory_space<vmem_shared>>
      tpu.wait_dma2 semaphore(%run_scoped3A : memref<!tpu.dma_semaphore, #tpu.memory_space<semaphore_mem>>) src(%dma_wait3A_20 : memref<640x128xf32, #tpu.memory_space<vmem_shared>>) dst(%dma_wait3A_18 : memref<640x128xf32, #tpu.memory_space<hbm>>)
      tpu.yield
    }) : () -> ()
    return
  }
}

#map = affine_map<(d0, d1) -> (0, 0)>
#map1 = affine_map<(d0, d1) -> (0, 0, 0)>
module attributes {stable_mosaic.version = 14 : i64} {
  func.func @run(%arg0: i32, %arg1: i32, %arg2: memref<10000x256xf32, #tpu.memory_space<hbm>>, %arg3: memref<32x2x128xi32, #tpu.memory_space<hbm>>, %arg4: memref<32x2x128xi32, #tpu.memory_space<hbm>>, %arg5: memref<8192x256xf32, #tpu.memory_space<hbm>>, %arg6: memref<8192x256xf32, #tpu.memory_space<hbm>>, %arg7: memref<2x128xi32, #tpu.memory_space<vmem>>, %arg8: memref<128x256xf32, #tpu.memory_space<vmem>>, %arg9: memref<!tpu.dma_semaphore, #tpu.memory_space<semaphore_mem>>) attributes {dimension_semantics = [#tpu.dimension_semantics<core_parallel>, #tpu.dimension_semantics<subcore_parallel>], iteration_bounds = array<i64: 2, 16>, scalar_prefetch = 0 : i64, scratch_operands = 3 : i64, tpu.core_type = #tpu.core_type<sc_vector_subcore>, window_params = [{transform_indices = #map}, {transform_indices = #map1}, {transform_indices = #map1}, {transform_indices = #map}, {transform_indices = #map}]} {
    %mul3A = arith.constant 16 : i32
    %mul3A_0 = arith.muli %arg0, %mul3A : i32
    %add3A = arith.addi %mul3A_0, %arg1 : i32
    "tpu.region"() ({
      %run_scoped3A = tpu.sem_alloc : memref<!tpu.dma_semaphore, #tpu.memory_space<semaphore_mem>>
      %dma_start3A_79 = arith.constant 0 : i32
      %dma_start3A_80 = arith.constant 0 : i32
      %dma_start3A_81 = tpu.memref_slice %arg3[%add3A, %dma_start3A_79, %dma_start3A_80] : memref<32x2x128xi32, #tpu.memory_space<hbm>> -> memref<1x2x128xi32, #tpu.memory_space<hbm>>
      %dma_start3A_82 = tpu.memref_squeeze %dma_start3A_81 : memref<1x2x128xi32, #tpu.memory_space<hbm>> -> memref<2x128xi32, #tpu.memory_space<hbm>>
      %dma_start3A_83 = arith.constant 0 : i32
      %dma_start3A_84 = arith.constant 0 : i32
      %dma_start3A_85 = tpu.memref_slice %arg3[%add3A, %dma_start3A_83, %dma_start3A_84] : memref<32x2x128xi32, #tpu.memory_space<hbm>> -> memref<1x2x128xi32, #tpu.memory_space<hbm>>
      %dma_start3A_86 = tpu.memref_squeeze %dma_start3A_85 : memref<1x2x128xi32, #tpu.memory_space<hbm>> -> memref<2x128xi32, #tpu.memory_space<hbm>>
      tpu.enqueue_dma source(%dma_start3A_86 : memref<2x128xi32, #tpu.memory_space<hbm>>) target(%arg7 : memref<2x128xi32, #tpu.memory_space<vmem>>) target_semaphore(%run_scoped3A : memref<!tpu.dma_semaphore, #tpu.memory_space<semaphore_mem>>)
      %dma_wait3A_87 = arith.constant 0 : i32
      %dma_wait3A_88 = arith.constant 0 : i32
      %dma_wait3A_89 = tpu.memref_slice %arg3[%add3A, %dma_wait3A_87, %dma_wait3A_88] : memref<32x2x128xi32, #tpu.memory_space<hbm>> -> memref<1x2x128xi32, #tpu.memory_space<hbm>>
      %dma_wait3A_90 = tpu.memref_squeeze %dma_wait3A_89 : memref<1x2x128xi32, #tpu.memory_space<hbm>> -> memref<2x128xi32, #tpu.memory_space<hbm>>
      %dma_wait3A_91 = arith.constant 0 : i32
      %dma_wait3A_92 = arith.constant 0 : i32
      %dma_wait3A_93 = tpu.memref_slice %arg3[%add3A, %dma_wait3A_91, %dma_wait3A_92] : memref<32x2x128xi32, #tpu.memory_space<hbm>> -> memref<1x2x128xi32, #tpu.memory_space<hbm>>
      %dma_wait3A_94 = tpu.memref_squeeze %dma_wait3A_93 : memref<1x2x128xi32, #tpu.memory_space<hbm>> -> memref<2x128xi32, #tpu.memory_space<hbm>>
      tpu.wait_dma2 semaphore(%run_scoped3A : memref<!tpu.dma_semaphore, #tpu.memory_space<semaphore_mem>>) src(%dma_wait3A_94 : memref<2x128xi32, #tpu.memory_space<hbm>>) dst(%arg7 : memref<2x128xi32, #tpu.memory_space<vmem>>)
      tpu.yield
    }) : () -> ()
    %dma_start3A = arith.constant 0 : i32
    %dma_start3A_1 = arith.constant 0 : i32
    %dma_start3A_2 = tpu.memref_slice %arg7[%dma_start3A, %dma_start3A_1] : memref<2x128xi32, #tpu.memory_space<vmem>> -> memref<1x128xi32, #tpu.memory_space<vmem>>
    %dma_start3A_3 = tpu.memref_squeeze %dma_start3A_2 : memref<1x128xi32, #tpu.memory_space<vmem>> -> memref<128xi32, #tpu.memory_space<vmem>>
    %dma_start3A_4 = arith.constant 0 : i32
    %dma_start3A_5 = arith.constant 0 : i32
    %dma_start3A_6 = tpu.memref_slice %arg2[%dma_start3A_4, %dma_start3A_5] : memref<10000x256xf32, #tpu.memory_space<hbm>> -> memref<10000x256xf32, #tpu.memory_space<hbm>>
    tpu.enqueue_indirect_dma source(%dma_start3A_6 : memref<10000x256xf32, #tpu.memory_space<hbm>>) target(%arg8 : memref<128x256xf32, #tpu.memory_space<vmem>>) offsets(%dma_start3A_3 : memref<128xi32, #tpu.memory_space<vmem>>) semaphore(%arg9 : memref<!tpu.dma_semaphore, #tpu.memory_space<semaphore_mem>>)
    %dma_wait3A = arith.constant 0 : i32
    %dma_wait3A_7 = arith.constant 0 : i32
    %dma_wait3A_8 = tpu.memref_slice %arg7[%dma_wait3A, %dma_wait3A_7] : memref<2x128xi32, #tpu.memory_space<vmem>> -> memref<1x128xi32, #tpu.memory_space<vmem>>
    %dma_wait3A_9 = tpu.memref_squeeze %dma_wait3A_8 : memref<1x128xi32, #tpu.memory_space<vmem>> -> memref<128xi32, #tpu.memory_space<vmem>>
    %dma_wait3A_10 = arith.constant 0 : i32
    %dma_wait3A_11 = arith.constant 0 : i32
    %dma_wait3A_12 = tpu.memref_slice %arg2[%dma_wait3A_10, %dma_wait3A_11] : memref<10000x256xf32, #tpu.memory_space<hbm>> -> memref<10000x256xf32, #tpu.memory_space<hbm>>
    tpu.wait_indirect_dma semaphore(%arg9 : memref<!tpu.dma_semaphore, #tpu.memory_space<semaphore_mem>>) src(%dma_wait3A_12 : memref<10000x256xf32, #tpu.memory_space<hbm>>) dst(%arg8 : memref<128x256xf32, #tpu.memory_space<vmem>>)
    %mul3A_13 = arith.constant 2 : i32
    %mul3A_14 = arith.muli %add3A, %mul3A_13 : i32
    %mul3A_15 = arith.constant 128 : i32
    %mul3A_16 = arith.muli %mul3A_14, %mul3A_15 : i32
    %add3A_17 = arith.constant 0 : i32
    %add3A_18 = arith.addi %mul3A_16, %add3A_17 : i32
    "tpu.region"() ({
      %run_scoped3A = tpu.sem_alloc : memref<!tpu.dma_semaphore, #tpu.memory_space<semaphore_mem>>
      %dma_start3A_79 = arith.constant 0 : i32
      %dma_start3A_80 = tpu.memref_slice %arg5[%add3A_18, %dma_start3A_79] : memref<8192x256xf32, #tpu.memory_space<hbm>> -> memref<128x256xf32, #tpu.memory_space<hbm>>
      %dma_start3A_81 = arith.constant 0 : i32
      %dma_start3A_82 = tpu.memref_slice %arg5[%add3A_18, %dma_start3A_81] : memref<8192x256xf32, #tpu.memory_space<hbm>> -> memref<128x256xf32, #tpu.memory_space<hbm>>
      tpu.enqueue_dma source(%arg8 : memref<128x256xf32, #tpu.memory_space<vmem>>) target(%dma_start3A_82 : memref<128x256xf32, #tpu.memory_space<hbm>>) target_semaphore(%run_scoped3A : memref<!tpu.dma_semaphore, #tpu.memory_space<semaphore_mem>>)
      %dma_wait3A_83 = arith.constant 0 : i32
      %dma_wait3A_84 = tpu.memref_slice %arg5[%add3A_18, %dma_wait3A_83] : memref<8192x256xf32, #tpu.memory_space<hbm>> -> memref<128x256xf32, #tpu.memory_space<hbm>>
      %dma_wait3A_85 = arith.constant 0 : i32
      %dma_wait3A_86 = tpu.memref_slice %arg5[%add3A_18, %dma_wait3A_85] : memref<8192x256xf32, #tpu.memory_space<hbm>> -> memref<128x256xf32, #tpu.memory_space<hbm>>
      tpu.wait_dma2 semaphore(%run_scoped3A : memref<!tpu.dma_semaphore, #tpu.memory_space<semaphore_mem>>) src(%arg8 : memref<128x256xf32, #tpu.memory_space<vmem>>) dst(%dma_wait3A_86 : memref<128x256xf32, #tpu.memory_space<hbm>>)
      tpu.yield
    }) : () -> ()
    %dma_start3A_19 = arith.constant 1 : i32
    %dma_start3A_20 = arith.constant 0 : i32
    %dma_start3A_21 = tpu.memref_slice %arg7[%dma_start3A_19, %dma_start3A_20] : memref<2x128xi32, #tpu.memory_space<vmem>> -> memref<1x128xi32, #tpu.memory_space<vmem>>
    %dma_start3A_22 = tpu.memref_squeeze %dma_start3A_21 : memref<1x128xi32, #tpu.memory_space<vmem>> -> memref<128xi32, #tpu.memory_space<vmem>>
    %dma_start3A_23 = arith.constant 0 : i32
    %dma_start3A_24 = arith.constant 0 : i32
    %dma_start3A_25 = tpu.memref_slice %arg2[%dma_start3A_23, %dma_start3A_24] : memref<10000x256xf32, #tpu.memory_space<hbm>> -> memref<10000x256xf32, #tpu.memory_space<hbm>>
    tpu.enqueue_indirect_dma source(%dma_start3A_25 : memref<10000x256xf32, #tpu.memory_space<hbm>>) target(%arg8 : memref<128x256xf32, #tpu.memory_space<vmem>>) offsets(%dma_start3A_22 : memref<128xi32, #tpu.memory_space<vmem>>) semaphore(%arg9 : memref<!tpu.dma_semaphore, #tpu.memory_space<semaphore_mem>>)
    %dma_wait3A_26 = arith.constant 1 : i32
    %dma_wait3A_27 = arith.constant 0 : i32
    %dma_wait3A_28 = tpu.memref_slice %arg7[%dma_wait3A_26, %dma_wait3A_27] : memref<2x128xi32, #tpu.memory_space<vmem>> -> memref<1x128xi32, #tpu.memory_space<vmem>>
    %dma_wait3A_29 = tpu.memref_squeeze %dma_wait3A_28 : memref<1x128xi32, #tpu.memory_space<vmem>> -> memref<128xi32, #tpu.memory_space<vmem>>
    %dma_wait3A_30 = arith.constant 0 : i32
    %dma_wait3A_31 = arith.constant 0 : i32
    %dma_wait3A_32 = tpu.memref_slice %arg2[%dma_wait3A_30, %dma_wait3A_31] : memref<10000x256xf32, #tpu.memory_space<hbm>> -> memref<10000x256xf32, #tpu.memory_space<hbm>>
    tpu.wait_indirect_dma semaphore(%arg9 : memref<!tpu.dma_semaphore, #tpu.memory_space<semaphore_mem>>) src(%dma_wait3A_32 : memref<10000x256xf32, #tpu.memory_space<hbm>>) dst(%arg8 : memref<128x256xf32, #tpu.memory_space<vmem>>)
    %mul3A_33 = arith.constant 2 : i32
    %mul3A_34 = arith.muli %add3A, %mul3A_33 : i32
    %mul3A_35 = arith.constant 128 : i32
    %mul3A_36 = arith.muli %mul3A_34, %mul3A_35 : i32
    %add3A_37 = arith.constant 128 : i32
    %add3A_38 = arith.addi %mul3A_36, %add3A_37 : i32
    "tpu.region"() ({
      %run_scoped3A = tpu.sem_alloc : memref<!tpu.dma_semaphore, #tpu.memory_space<semaphore_mem>>
      %dma_start3A_79 = arith.constant 0 : i32
      %dma_start3A_80 = tpu.memref_slice %arg5[%add3A_38, %dma_start3A_79] : memref<8192x256xf32, #tpu.memory_space<hbm>> -> memref<128x256xf32, #tpu.memory_space<hbm>>
      %dma_start3A_81 = arith.constant 0 : i32
      %dma_start3A_82 = tpu.memref_slice %arg5[%add3A_38, %dma_start3A_81] : memref<8192x256xf32, #tpu.memory_space<hbm>> -> memref<128x256xf32, #tpu.memory_space<hbm>>
      tpu.enqueue_dma source(%arg8 : memref<128x256xf32, #tpu.memory_space<vmem>>) target(%dma_start3A_82 : memref<128x256xf32, #tpu.memory_space<hbm>>) target_semaphore(%run_scoped3A : memref<!tpu.dma_semaphore, #tpu.memory_space<semaphore_mem>>)
      %dma_wait3A_83 = arith.constant 0 : i32
      %dma_wait3A_84 = tpu.memref_slice %arg5[%add3A_38, %dma_wait3A_83] : memref<8192x256xf32, #tpu.memory_space<hbm>> -> memref<128x256xf32, #tpu.memory_space<hbm>>
      %dma_wait3A_85 = arith.constant 0 : i32
      %dma_wait3A_86 = tpu.memref_slice %arg5[%add3A_38, %dma_wait3A_85] : memref<8192x256xf32, #tpu.memory_space<hbm>> -> memref<128x256xf32, #tpu.memory_space<hbm>>
      tpu.wait_dma2 semaphore(%run_scoped3A : memref<!tpu.dma_semaphore, #tpu.memory_space<semaphore_mem>>) src(%arg8 : memref<128x256xf32, #tpu.memory_space<vmem>>) dst(%dma_wait3A_86 : memref<128x256xf32, #tpu.memory_space<hbm>>)
      tpu.yield
    }) : () -> ()
    "tpu.region"() ({
      %run_scoped3A = tpu.sem_alloc : memref<!tpu.dma_semaphore, #tpu.memory_space<semaphore_mem>>
      %dma_start3A_79 = arith.constant 0 : i32
      %dma_start3A_80 = arith.constant 0 : i32
      %dma_start3A_81 = tpu.memref_slice %arg4[%add3A, %dma_start3A_79, %dma_start3A_80] : memref<32x2x128xi32, #tpu.memory_space<hbm>> -> memref<1x2x128xi32, #tpu.memory_space<hbm>>
      %dma_start3A_82 = tpu.memref_squeeze %dma_start3A_81 : memref<1x2x128xi32, #tpu.memory_space<hbm>> -> memref<2x128xi32, #tpu.memory_space<hbm>>
      %dma_start3A_83 = arith.constant 0 : i32
      %dma_start3A_84 = arith.constant 0 : i32
      %dma_start3A_85 = tpu.memref_slice %arg4[%add3A, %dma_start3A_83, %dma_start3A_84] : memref<32x2x128xi32, #tpu.memory_space<hbm>> -> memref<1x2x128xi32, #tpu.memory_space<hbm>>
      %dma_start3A_86 = tpu.memref_squeeze %dma_start3A_85 : memref<1x2x128xi32, #tpu.memory_space<hbm>> -> memref<2x128xi32, #tpu.memory_space<hbm>>
      tpu.enqueue_dma source(%dma_start3A_86 : memref<2x128xi32, #tpu.memory_space<hbm>>) target(%arg7 : memref<2x128xi32, #tpu.memory_space<vmem>>) target_semaphore(%run_scoped3A : memref<!tpu.dma_semaphore, #tpu.memory_space<semaphore_mem>>)
      %dma_wait3A_87 = arith.constant 0 : i32
      %dma_wait3A_88 = arith.constant 0 : i32
      %dma_wait3A_89 = tpu.memref_slice %arg4[%add3A, %dma_wait3A_87, %dma_wait3A_88] : memref<32x2x128xi32, #tpu.memory_space<hbm>> -> memref<1x2x128xi32, #tpu.memory_space<hbm>>
      %dma_wait3A_90 = tpu.memref_squeeze %dma_wait3A_89 : memref<1x2x128xi32, #tpu.memory_space<hbm>> -> memref<2x128xi32, #tpu.memory_space<hbm>>
      %dma_wait3A_91 = arith.constant 0 : i32
      %dma_wait3A_92 = arith.constant 0 : i32
      %dma_wait3A_93 = tpu.memref_slice %arg4[%add3A, %dma_wait3A_91, %dma_wait3A_92] : memref<32x2x128xi32, #tpu.memory_space<hbm>> -> memref<1x2x128xi32, #tpu.memory_space<hbm>>
      %dma_wait3A_94 = tpu.memref_squeeze %dma_wait3A_93 : memref<1x2x128xi32, #tpu.memory_space<hbm>> -> memref<2x128xi32, #tpu.memory_space<hbm>>
      tpu.wait_dma2 semaphore(%run_scoped3A : memref<!tpu.dma_semaphore, #tpu.memory_space<semaphore_mem>>) src(%dma_wait3A_94 : memref<2x128xi32, #tpu.memory_space<hbm>>) dst(%arg7 : memref<2x128xi32, #tpu.memory_space<vmem>>)
      tpu.yield
    }) : () -> ()
    %dma_start3A_39 = arith.constant 0 : i32
    %dma_start3A_40 = arith.constant 0 : i32
    %dma_start3A_41 = tpu.memref_slice %arg7[%dma_start3A_39, %dma_start3A_40] : memref<2x128xi32, #tpu.memory_space<vmem>> -> memref<1x128xi32, #tpu.memory_space<vmem>>
    %dma_start3A_42 = tpu.memref_squeeze %dma_start3A_41 : memref<1x128xi32, #tpu.memory_space<vmem>> -> memref<128xi32, #tpu.memory_space<vmem>>
    %dma_start3A_43 = arith.constant 0 : i32
    %dma_start3A_44 = arith.constant 0 : i32
    %dma_start3A_45 = tpu.memref_slice %arg2[%dma_start3A_43, %dma_start3A_44] : memref<10000x256xf32, #tpu.memory_space<hbm>> -> memref<10000x256xf32, #tpu.memory_space<hbm>>
    tpu.enqueue_indirect_dma source(%dma_start3A_45 : memref<10000x256xf32, #tpu.memory_space<hbm>>) target(%arg8 : memref<128x256xf32, #tpu.memory_space<vmem>>) offsets(%dma_start3A_42 : memref<128xi32, #tpu.memory_space<vmem>>) semaphore(%arg9 : memref<!tpu.dma_semaphore, #tpu.memory_space<semaphore_mem>>)
    %dma_wait3A_46 = arith.constant 0 : i32
    %dma_wait3A_47 = arith.constant 0 : i32
    %dma_wait3A_48 = tpu.memref_slice %arg7[%dma_wait3A_46, %dma_wait3A_47] : memref<2x128xi32, #tpu.memory_space<vmem>> -> memref<1x128xi32, #tpu.memory_space<vmem>>
    %dma_wait3A_49 = tpu.memref_squeeze %dma_wait3A_48 : memref<1x128xi32, #tpu.memory_space<vmem>> -> memref<128xi32, #tpu.memory_space<vmem>>
    %dma_wait3A_50 = arith.constant 0 : i32
    %dma_wait3A_51 = arith.constant 0 : i32
    %dma_wait3A_52 = tpu.memref_slice %arg2[%dma_wait3A_50, %dma_wait3A_51] : memref<10000x256xf32, #tpu.memory_space<hbm>> -> memref<10000x256xf32, #tpu.memory_space<hbm>>
    tpu.wait_indirect_dma semaphore(%arg9 : memref<!tpu.dma_semaphore, #tpu.memory_space<semaphore_mem>>) src(%dma_wait3A_52 : memref<10000x256xf32, #tpu.memory_space<hbm>>) dst(%arg8 : memref<128x256xf32, #tpu.memory_space<vmem>>)
    %mul3A_53 = arith.constant 2 : i32
    %mul3A_54 = arith.muli %add3A, %mul3A_53 : i32
    %mul3A_55 = arith.constant 128 : i32
    %mul3A_56 = arith.muli %mul3A_54, %mul3A_55 : i32
    %add3A_57 = arith.constant 0 : i32
    %add3A_58 = arith.addi %mul3A_56, %add3A_57 : i32
    "tpu.region"() ({
      %run_scoped3A = tpu.sem_alloc : memref<!tpu.dma_semaphore, #tpu.memory_space<semaphore_mem>>
      %dma_start3A_79 = arith.constant 0 : i32
      %dma_start3A_80 = tpu.memref_slice %arg6[%add3A_58, %dma_start3A_79] : memref<8192x256xf32, #tpu.memory_space<hbm>> -> memref<128x256xf32, #tpu.memory_space<hbm>>
      %dma_start3A_81 = arith.constant 0 : i32
      %dma_start3A_82 = tpu.memref_slice %arg6[%add3A_58, %dma_start3A_81] : memref<8192x256xf32, #tpu.memory_space<hbm>> -> memref<128x256xf32, #tpu.memory_space<hbm>>
      tpu.enqueue_dma source(%arg8 : memref<128x256xf32, #tpu.memory_space<vmem>>) target(%dma_start3A_82 : memref<128x256xf32, #tpu.memory_space<hbm>>) target_semaphore(%run_scoped3A : memref<!tpu.dma_semaphore, #tpu.memory_space<semaphore_mem>>)
      %dma_wait3A_83 = arith.constant 0 : i32
      %dma_wait3A_84 = tpu.memref_slice %arg6[%add3A_58, %dma_wait3A_83] : memref<8192x256xf32, #tpu.memory_space<hbm>> -> memref<128x256xf32, #tpu.memory_space<hbm>>
      %dma_wait3A_85 = arith.constant 0 : i32
      %dma_wait3A_86 = tpu.memref_slice %arg6[%add3A_58, %dma_wait3A_85] : memref<8192x256xf32, #tpu.memory_space<hbm>> -> memref<128x256xf32, #tpu.memory_space<hbm>>
      tpu.wait_dma2 semaphore(%run_scoped3A : memref<!tpu.dma_semaphore, #tpu.memory_space<semaphore_mem>>) src(%arg8 : memref<128x256xf32, #tpu.memory_space<vmem>>) dst(%dma_wait3A_86 : memref<128x256xf32, #tpu.memory_space<hbm>>)
      tpu.yield
    }) : () -> ()
    %dma_start3A_59 = arith.constant 1 : i32
    %dma_start3A_60 = arith.constant 0 : i32
    %dma_start3A_61 = tpu.memref_slice %arg7[%dma_start3A_59, %dma_start3A_60] : memref<2x128xi32, #tpu.memory_space<vmem>> -> memref<1x128xi32, #tpu.memory_space<vmem>>
    %dma_start3A_62 = tpu.memref_squeeze %dma_start3A_61 : memref<1x128xi32, #tpu.memory_space<vmem>> -> memref<128xi32, #tpu.memory_space<vmem>>
    %dma_start3A_63 = arith.constant 0 : i32
    %dma_start3A_64 = arith.constant 0 : i32
    %dma_start3A_65 = tpu.memref_slice %arg2[%dma_start3A_63, %dma_start3A_64] : memref<10000x256xf32, #tpu.memory_space<hbm>> -> memref<10000x256xf32, #tpu.memory_space<hbm>>
    tpu.enqueue_indirect_dma source(%dma_start3A_65 : memref<10000x256xf32, #tpu.memory_space<hbm>>) target(%arg8 : memref<128x256xf32, #tpu.memory_space<vmem>>) offsets(%dma_start3A_62 : memref<128xi32, #tpu.memory_space<vmem>>) semaphore(%arg9 : memref<!tpu.dma_semaphore, #tpu.memory_space<semaphore_mem>>)
    %dma_wait3A_66 = arith.constant 1 : i32
    %dma_wait3A_67 = arith.constant 0 : i32
    %dma_wait3A_68 = tpu.memref_slice %arg7[%dma_wait3A_66, %dma_wait3A_67] : memref<2x128xi32, #tpu.memory_space<vmem>> -> memref<1x128xi32, #tpu.memory_space<vmem>>
    %dma_wait3A_69 = tpu.memref_squeeze %dma_wait3A_68 : memref<1x128xi32, #tpu.memory_space<vmem>> -> memref<128xi32, #tpu.memory_space<vmem>>
    %dma_wait3A_70 = arith.constant 0 : i32
    %dma_wait3A_71 = arith.constant 0 : i32
    %dma_wait3A_72 = tpu.memref_slice %arg2[%dma_wait3A_70, %dma_wait3A_71] : memref<10000x256xf32, #tpu.memory_space<hbm>> -> memref<10000x256xf32, #tpu.memory_space<hbm>>
    tpu.wait_indirect_dma semaphore(%arg9 : memref<!tpu.dma_semaphore, #tpu.memory_space<semaphore_mem>>) src(%dma_wait3A_72 : memref<10000x256xf32, #tpu.memory_space<hbm>>) dst(%arg8 : memref<128x256xf32, #tpu.memory_space<vmem>>)
    %mul3A_73 = arith.constant 2 : i32
    %mul3A_74 = arith.muli %add3A, %mul3A_73 : i32
    %mul3A_75 = arith.constant 128 : i32
    %mul3A_76 = arith.muli %mul3A_74, %mul3A_75 : i32
    %add3A_77 = arith.constant 128 : i32
    %add3A_78 = arith.addi %mul3A_76, %add3A_77 : i32
    "tpu.region"() ({
      %run_scoped3A = tpu.sem_alloc : memref<!tpu.dma_semaphore, #tpu.memory_space<semaphore_mem>>
      %dma_start3A_79 = arith.constant 0 : i32
      %dma_start3A_80 = tpu.memref_slice %arg6[%add3A_78, %dma_start3A_79] : memref<8192x256xf32, #tpu.memory_space<hbm>> -> memref<128x256xf32, #tpu.memory_space<hbm>>
      %dma_start3A_81 = arith.constant 0 : i32
      %dma_start3A_82 = tpu.memref_slice %arg6[%add3A_78, %dma_start3A_81] : memref<8192x256xf32, #tpu.memory_space<hbm>> -> memref<128x256xf32, #tpu.memory_space<hbm>>
      tpu.enqueue_dma source(%arg8 : memref<128x256xf32, #tpu.memory_space<vmem>>) target(%dma_start3A_82 : memref<128x256xf32, #tpu.memory_space<hbm>>) target_semaphore(%run_scoped3A : memref<!tpu.dma_semaphore, #tpu.memory_space<semaphore_mem>>)
      %dma_wait3A_83 = arith.constant 0 : i32
      %dma_wait3A_84 = tpu.memref_slice %arg6[%add3A_78, %dma_wait3A_83] : memref<8192x256xf32, #tpu.memory_space<hbm>> -> memref<128x256xf32, #tpu.memory_space<hbm>>
      %dma_wait3A_85 = arith.constant 0 : i32
      %dma_wait3A_86 = tpu.memref_slice %arg6[%add3A_78, %dma_wait3A_85] : memref<8192x256xf32, #tpu.memory_space<hbm>> -> memref<128x256xf32, #tpu.memory_space<hbm>>
      tpu.wait_dma2 semaphore(%run_scoped3A : memref<!tpu.dma_semaphore, #tpu.memory_space<semaphore_mem>>) src(%arg8 : memref<128x256xf32, #tpu.memory_space<vmem>>) dst(%dma_wait3A_86 : memref<128x256xf32, #tpu.memory_space<hbm>>)
      tpu.yield
    }) : () -> ()
    return
  }
}

#map = affine_map<(d0, d1) -> (0, 0)>
#map1 = affine_map<(d0, d1) -> (0, 0, 0)>
#map2 = affine_map<(d0, d1) -> (0, 0, 0, 0)>
module attributes {stable_mosaic.version = 14 : i64} {
  func.func @run(%arg0: i32, %arg1: i32, %arg2: memref<10000x128xf32, #tpu.memory_space<hbm>>, %arg3: memref<32x40x128xi32, #tpu.memory_space<hbm>>, %arg4: memref<32x40x128xi32, #tpu.memory_space<hbm>>, %arg5: memref<640x128xf32, #tpu.memory_space<hbm>>, %arg6: memref<2x1x10240x128xf32, #tpu.memory_space<hbm>>, %arg7: memref<40x128xi32, #tpu.memory_space<vmem>>, %arg8: memref<40x128xi32, #tpu.memory_space<vmem>>, %arg9: memref<128x128xf32, #tpu.memory_space<vmem>>, %arg10: memref<128x128xf32, #tpu.memory_space<vmem>>, %arg11: memref<10240x128xf32, #tpu.memory_space<vmem_shared>>, %arg12: memref<!tpu.dma_semaphore, #tpu.memory_space<semaphore_mem>>, %arg13: memref<!tpu.dma_semaphore, #tpu.memory_space<semaphore_mem>>, %arg14: memref<!tpu.dma_semaphore, #tpu.memory_space<semaphore_mem>>, %arg15: memref<!tpu.dma_semaphore, #tpu.memory_space<semaphore_mem>>) attributes {dimension_semantics = [#tpu.dimension_semantics<core_parallel>, #tpu.dimension_semantics<subcore_parallel>], iteration_bounds = array<i64: 2, 16>, scalar_prefetch = 0 : i64, scratch_operands = 9 : i64, tpu.core_type = #tpu.core_type<sc_vector_subcore>, window_params = [{transform_indices = #map}, {transform_indices = #map1}, {transform_indices = #map1}, {transform_indices = #map}, {transform_indices = #map2}]} {
    %mul3A = arith.constant 16 : i32
    %mul3A_0 = arith.muli %arg0, %mul3A : i32
    %add3A = arith.addi %mul3A_0, %arg1 : i32
    "tpu.region"() ({
      %run_scoped3A_119 = tpu.sem_alloc : memref<!tpu.dma_semaphore, #tpu.memory_space<semaphore_mem>>
      %dma_start3A_120 = arith.constant 0 : i32
      %dma_start3A_121 = arith.constant 0 : i32
      %dma_start3A_122 = tpu.memref_slice %arg3[%add3A, %dma_start3A_120, %dma_start3A_121] : memref<32x40x128xi32, #tpu.memory_space<hbm>> -> memref<1x40x128xi32, #tpu.memory_space<hbm>>
      %dma_start3A_123 = tpu.memref_squeeze %dma_start3A_122 : memref<1x40x128xi32, #tpu.memory_space<hbm>> -> memref<40x128xi32, #tpu.memory_space<hbm>>
      %dma_start3A_124 = arith.constant 0 : i32
      %dma_start3A_125 = arith.constant 0 : i32
      %dma_start3A_126 = tpu.memref_slice %arg3[%add3A, %dma_start3A_124, %dma_start3A_125] : memref<32x40x128xi32, #tpu.memory_space<hbm>> -> memref<1x40x128xi32, #tpu.memory_space<hbm>>
      %dma_start3A_127 = tpu.memref_squeeze %dma_start3A_126 : memref<1x40x128xi32, #tpu.memory_space<hbm>> -> memref<40x128xi32, #tpu.memory_space<hbm>>
      tpu.enqueue_dma source(%dma_start3A_127 : memref<40x128xi32, #tpu.memory_space<hbm>>) target(%arg7 : memref<40x128xi32, #tpu.memory_space<vmem>>) target_semaphore(%run_scoped3A_119 : memref<!tpu.dma_semaphore, #tpu.memory_space<semaphore_mem>>)
      %dma_wait3A_128 = arith.constant 0 : i32
      %dma_wait3A_129 = arith.constant 0 : i32
      %dma_wait3A_130 = tpu.memref_slice %arg3[%add3A, %dma_wait3A_128, %dma_wait3A_129] : memref<32x40x128xi32, #tpu.memory_space<hbm>> -> memref<1x40x128xi32, #tpu.memory_space<hbm>>
      %dma_wait3A_131 = tpu.memref_squeeze %dma_wait3A_130 : memref<1x40x128xi32, #tpu.memory_space<hbm>> -> memref<40x128xi32, #tpu.memory_space<hbm>>
      %dma_wait3A_132 = arith.constant 0 : i32
      %dma_wait3A_133 = arith.constant 0 : i32
      %dma_wait3A_134 = tpu.memref_slice %arg3[%add3A, %dma_wait3A_132, %dma_wait3A_133] : memref<32x40x128xi32, #tpu.memory_space<hbm>> -> memref<1x40x128xi32, #tpu.memory_space<hbm>>
      %dma_wait3A_135 = tpu.memref_squeeze %dma_wait3A_134 : memref<1x40x128xi32, #tpu.memory_space<hbm>> -> memref<40x128xi32, #tpu.memory_space<hbm>>
      tpu.wait_dma2 semaphore(%run_scoped3A_119 : memref<!tpu.dma_semaphore, #tpu.memory_space<semaphore_mem>>) src(%dma_wait3A_135 : memref<40x128xi32, #tpu.memory_space<hbm>>) dst(%arg7 : memref<40x128xi32, #tpu.memory_space<vmem>>)
      tpu.yield
    }) : () -> ()
    "tpu.region"() ({
      %run_scoped3A_119 = tpu.sem_alloc : memref<!tpu.dma_semaphore, #tpu.memory_space<semaphore_mem>>
      %dma_start3A_120 = arith.constant 0 : i32
      %dma_start3A_121 = arith.constant 0 : i32
      %dma_start3A_122 = tpu.memref_slice %arg4[%add3A, %dma_start3A_120, %dma_start3A_121] : memref<32x40x128xi32, #tpu.memory_space<hbm>> -> memref<1x40x128xi32, #tpu.memory_space<hbm>>
      %dma_start3A_123 = tpu.memref_squeeze %dma_start3A_122 : memref<1x40x128xi32, #tpu.memory_space<hbm>> -> memref<40x128xi32, #tpu.memory_space<hbm>>
      %dma_start3A_124 = arith.constant 0 : i32
      %dma_start3A_125 = arith.constant 0 : i32
      %dma_start3A_126 = tpu.memref_slice %arg4[%add3A, %dma_start3A_124, %dma_start3A_125] : memref<32x40x128xi32, #tpu.memory_space<hbm>> -> memref<1x40x128xi32, #tpu.memory_space<hbm>>
      %dma_start3A_127 = tpu.memref_squeeze %dma_start3A_126 : memref<1x40x128xi32, #tpu.memory_space<hbm>> -> memref<40x128xi32, #tpu.memory_space<hbm>>
      tpu.enqueue_dma source(%dma_start3A_127 : memref<40x128xi32, #tpu.memory_space<hbm>>) target(%arg8 : memref<40x128xi32, #tpu.memory_space<vmem>>) target_semaphore(%run_scoped3A_119 : memref<!tpu.dma_semaphore, #tpu.memory_space<semaphore_mem>>)
      %dma_wait3A_128 = arith.constant 0 : i32
      %dma_wait3A_129 = arith.constant 0 : i32
      %dma_wait3A_130 = tpu.memref_slice %arg4[%add3A, %dma_wait3A_128, %dma_wait3A_129] : memref<32x40x128xi32, #tpu.memory_space<hbm>> -> memref<1x40x128xi32, #tpu.memory_space<hbm>>
      %dma_wait3A_131 = tpu.memref_squeeze %dma_wait3A_130 : memref<1x40x128xi32, #tpu.memory_space<hbm>> -> memref<40x128xi32, #tpu.memory_space<hbm>>
      %dma_wait3A_132 = arith.constant 0 : i32
      %dma_wait3A_133 = arith.constant 0 : i32
      %dma_wait3A_134 = tpu.memref_slice %arg4[%add3A, %dma_wait3A_132, %dma_wait3A_133] : memref<32x40x128xi32, #tpu.memory_space<hbm>> -> memref<1x40x128xi32, #tpu.memory_space<hbm>>
      %dma_wait3A_135 = tpu.memref_squeeze %dma_wait3A_134 : memref<1x40x128xi32, #tpu.memory_space<hbm>> -> memref<40x128xi32, #tpu.memory_space<hbm>>
      tpu.wait_dma2 semaphore(%run_scoped3A_119 : memref<!tpu.dma_semaphore, #tpu.memory_space<semaphore_mem>>) src(%dma_wait3A_135 : memref<40x128xi32, #tpu.memory_space<hbm>>) dst(%arg8 : memref<40x128xi32, #tpu.memory_space<vmem>>)
      tpu.yield
    }) : () -> ()
    %mul3A_1 = arith.constant 640 : i32
    %mul3A_2 = arith.muli %arg1, %mul3A_1 : i32
    "tpu.region"() ({
      %run_scoped3A_119 = tpu.sem_alloc : memref<!tpu.dma_semaphore, #tpu.memory_space<semaphore_mem>>
      %dma_start3A_120 = arith.constant 0 : i32
      %dma_start3A_121 = tpu.memref_slice %arg11[%mul3A_2, %dma_start3A_120] : memref<10240x128xf32, #tpu.memory_space<vmem_shared>> -> memref<640x128xf32, #tpu.memory_space<vmem_shared>>
      tpu.enqueue_dma source(%arg5 : memref<640x128xf32, #tpu.memory_space<hbm>>) target(%dma_start3A_121 : memref<640x128xf32, #tpu.memory_space<vmem_shared>>) target_semaphore(%run_scoped3A_119 : memref<!tpu.dma_semaphore, #tpu.memory_space<semaphore_mem>>)
      %dma_wait3A_122 = arith.constant 0 : i32
      %dma_wait3A_123 = tpu.memref_slice %arg11[%mul3A_2, %dma_wait3A_122] : memref<10240x128xf32, #tpu.memory_space<vmem_shared>> -> memref<640x128xf32, #tpu.memory_space<vmem_shared>>
      tpu.wait_dma2 semaphore(%run_scoped3A_119 : memref<!tpu.dma_semaphore, #tpu.memory_space<semaphore_mem>>) src(%arg5 : memref<640x128xf32, #tpu.memory_space<hbm>>) dst(%dma_wait3A_123 : memref<640x128xf32, #tpu.memory_space<vmem_shared>>)
      tpu.yield
    }) : () -> ()
    %barrier3A = arith.constant 0 : index
    tpu.barrier barrier_id(%barrier3A)
    %dma_start3A = arith.constant 0 : i32
    %dma_start3A_3 = arith.constant 0 : i32
    %dma_start3A_4 = tpu.memref_slice %arg7[%dma_start3A, %dma_start3A_3] : memref<40x128xi32, #tpu.memory_space<vmem>> -> memref<1x128xi32, #tpu.memory_space<vmem>>
    %dma_start3A_5 = tpu.memref_squeeze %dma_start3A_4 : memref<1x128xi32, #tpu.memory_space<vmem>> -> memref<128xi32, #tpu.memory_space<vmem>>
    %dma_start3A_6 = arith.constant 0 : i32
    %dma_start3A_7 = arith.constant 0 : i32
    %dma_start3A_8 = tpu.memref_slice %arg2[%dma_start3A_6, %dma_start3A_7] : memref<10000x128xf32, #tpu.memory_space<hbm>> -> memref<10000x128xf32, #tpu.memory_space<hbm>>
    tpu.enqueue_indirect_dma source(%dma_start3A_8 : memref<10000x128xf32, #tpu.memory_space<hbm>>) target(%arg9 : memref<128x128xf32, #tpu.memory_space<vmem>>) offsets(%dma_start3A_5 : memref<128xi32, #tpu.memory_space<vmem>>) semaphore(%arg12 : memref<!tpu.dma_semaphore, #tpu.memory_space<semaphore_mem>>)
    %dma_start3A_9 = arith.constant 1 : i32
    %dma_start3A_10 = arith.constant 0 : i32
    %dma_start3A_11 = tpu.memref_slice %arg7[%dma_start3A_9, %dma_start3A_10] : memref<40x128xi32, #tpu.memory_space<vmem>> -> memref<1x128xi32, #tpu.memory_space<vmem>>
    %dma_start3A_12 = tpu.memref_squeeze %dma_start3A_11 : memref<1x128xi32, #tpu.memory_space<vmem>> -> memref<128xi32, #tpu.memory_space<vmem>>
    %dma_start3A_13 = arith.constant 0 : i32
    %dma_start3A_14 = arith.constant 0 : i32
    %dma_start3A_15 = tpu.memref_slice %arg2[%dma_start3A_13, %dma_start3A_14] : memref<10000x128xf32, #tpu.memory_space<hbm>> -> memref<10000x128xf32, #tpu.memory_space<hbm>>
    tpu.enqueue_indirect_dma source(%dma_start3A_15 : memref<10000x128xf32, #tpu.memory_space<hbm>>) target(%arg10 : memref<128x128xf32, #tpu.memory_space<vmem>>) offsets(%dma_start3A_12 : memref<128xi32, #tpu.memory_space<vmem>>) semaphore(%arg13 : memref<!tpu.dma_semaphore, #tpu.memory_space<semaphore_mem>>)
    %dma_wait3A = arith.constant 0 : i32
    %dma_wait3A_16 = arith.constant 0 : i32
    %dma_wait3A_17 = tpu.memref_slice %arg7[%dma_wait3A, %dma_wait3A_16] : memref<40x128xi32, #tpu.memory_space<vmem>> -> memref<1x128xi32, #tpu.memory_space<vmem>>
    %dma_wait3A_18 = tpu.memref_squeeze %dma_wait3A_17 : memref<1x128xi32, #tpu.memory_space<vmem>> -> memref<128xi32, #tpu.memory_space<vmem>>
    %dma_wait3A_19 = arith.constant 0 : i32
    %dma_wait3A_20 = arith.constant 0 : i32
    %dma_wait3A_21 = tpu.memref_slice %arg2[%dma_wait3A_19, %dma_wait3A_20] : memref<10000x128xf32, #tpu.memory_space<hbm>> -> memref<10000x128xf32, #tpu.memory_space<hbm>>
    tpu.wait_indirect_dma semaphore(%arg12 : memref<!tpu.dma_semaphore, #tpu.memory_space<semaphore_mem>>) src(%dma_wait3A_21 : memref<10000x128xf32, #tpu.memory_space<hbm>>) dst(%arg9 : memref<128x128xf32, #tpu.memory_space<vmem>>)
    %dma_start3A_22 = arith.constant 0 : i32
    %dma_start3A_23 = arith.constant 0 : i32
    %dma_start3A_24 = tpu.memref_slice %arg8[%dma_start3A_22, %dma_start3A_23] : memref<40x128xi32, #tpu.memory_space<vmem>> -> memref<1x128xi32, #tpu.memory_space<vmem>>
    %dma_start3A_25 = tpu.memref_squeeze %dma_start3A_24 : memref<1x128xi32, #tpu.memory_space<vmem>> -> memref<128xi32, #tpu.memory_space<vmem>>
    %dma_start3A_26 = arith.constant 0 : i32
    %dma_start3A_27 = arith.constant 0 : i32
    %dma_start3A_28 = tpu.memref_slice %arg11[%dma_start3A_26, %dma_start3A_27] : memref<10240x128xf32, #tpu.memory_space<vmem_shared>> -> memref<10240x128xf32, #tpu.memory_space<vmem_shared>>
    tpu.enqueue_indirect_dma source(%arg9 : memref<128x128xf32, #tpu.memory_space<vmem>>) target(%dma_start3A_28 : memref<10240x128xf32, #tpu.memory_space<vmem_shared>>) offsets(%dma_start3A_25 : memref<128xi32, #tpu.memory_space<vmem>>) semaphore(%arg14 : memref<!tpu.dma_semaphore, #tpu.memory_space<semaphore_mem>>) {add = true}
    %dma_wait3A_29 = arith.constant 0 : i32
    %dma_wait3A_30 = arith.constant 0 : i32
    %dma_wait3A_31 = tpu.memref_slice %arg7[%dma_wait3A_29, %dma_wait3A_30] : memref<40x128xi32, #tpu.memory_space<vmem>> -> memref<1x128xi32, #tpu.memory_space<vmem>>
    %dma_wait3A_32 = tpu.memref_squeeze %dma_wait3A_31 : memref<1x128xi32, #tpu.memory_space<vmem>> -> memref<128xi32, #tpu.memory_space<vmem>>
    %dma_wait3A_33 = arith.constant 0 : i32
    %dma_wait3A_34 = arith.constant 0 : i32
    %dma_wait3A_35 = tpu.memref_slice %arg2[%dma_wait3A_33, %dma_wait3A_34] : memref<10000x128xf32, #tpu.memory_space<hbm>> -> memref<10000x128xf32, #tpu.memory_space<hbm>>
    tpu.wait_indirect_dma semaphore(%arg13 : memref<!tpu.dma_semaphore, #tpu.memory_space<semaphore_mem>>) src(%dma_wait3A_35 : memref<10000x128xf32, #tpu.memory_space<hbm>>) dst(%arg10 : memref<128x128xf32, #tpu.memory_space<vmem>>)
    %dma_start3A_36 = arith.constant 1 : i32
    %dma_start3A_37 = arith.constant 0 : i32
    %dma_start3A_38 = tpu.memref_slice %arg8[%dma_start3A_36, %dma_start3A_37] : memref<40x128xi32, #tpu.memory_space<vmem>> -> memref<1x128xi32, #tpu.memory_space<vmem>>
    %dma_start3A_39 = tpu.memref_squeeze %dma_start3A_38 : memref<1x128xi32, #tpu.memory_space<vmem>> -> memref<128xi32, #tpu.memory_space<vmem>>
    %dma_start3A_40 = arith.constant 0 : i32
    %dma_start3A_41 = arith.constant 0 : i32
    %dma_start3A_42 = tpu.memref_slice %arg11[%dma_start3A_40, %dma_start3A_41] : memref<10240x128xf32, #tpu.memory_space<vmem_shared>> -> memref<10240x128xf32, #tpu.memory_space<vmem_shared>>
    tpu.enqueue_indirect_dma source(%arg10 : memref<128x128xf32, #tpu.memory_space<vmem>>) target(%dma_start3A_42 : memref<10240x128xf32, #tpu.memory_space<vmem_shared>>) offsets(%dma_start3A_39 : memref<128xi32, #tpu.memory_space<vmem>>) semaphore(%arg15 : memref<!tpu.dma_semaphore, #tpu.memory_space<semaphore_mem>>) {add = true}
    %dma_wait3A_43 = arith.constant 0 : i32
    %dma_wait3A_44 = arith.constant 0 : i32
    %dma_wait3A_45 = tpu.memref_slice %arg8[%dma_wait3A_43, %dma_wait3A_44] : memref<40x128xi32, #tpu.memory_space<vmem>> -> memref<1x128xi32, #tpu.memory_space<vmem>>
    %dma_wait3A_46 = tpu.memref_squeeze %dma_wait3A_45 : memref<1x128xi32, #tpu.memory_space<vmem>> -> memref<128xi32, #tpu.memory_space<vmem>>
    %dma_wait3A_47 = arith.constant 0 : i32
    %dma_wait3A_48 = arith.constant 0 : i32
    %dma_wait3A_49 = tpu.memref_slice %arg11[%dma_wait3A_47, %dma_wait3A_48] : memref<10240x128xf32, #tpu.memory_space<vmem_shared>> -> memref<10240x128xf32, #tpu.memory_space<vmem_shared>>
    tpu.wait_indirect_dma semaphore(%arg14 : memref<!tpu.dma_semaphore, #tpu.memory_space<semaphore_mem>>) src(%arg9 : memref<128x128xf32, #tpu.memory_space<vmem>>) dst(%dma_wait3A_49 : memref<10240x128xf32, #tpu.memory_space<vmem_shared>>)
    %dma_start3A_50 = arith.constant 2 : i32
    %dma_start3A_51 = arith.constant 0 : i32
    %dma_start3A_52 = tpu.memref_slice %arg7[%dma_start3A_50, %dma_start3A_51] : memref<40x128xi32, #tpu.memory_space<vmem>> -> memref<1x128xi32, #tpu.memory_space<vmem>>
    %dma_start3A_53 = tpu.memref_squeeze %dma_start3A_52 : memref<1x128xi32, #tpu.memory_space<vmem>> -> memref<128xi32, #tpu.memory_space<vmem>>
    %dma_start3A_54 = arith.constant 0 : i32
    %dma_start3A_55 = arith.constant 0 : i32
    %dma_start3A_56 = tpu.memref_slice %arg2[%dma_start3A_54, %dma_start3A_55] : memref<10000x128xf32, #tpu.memory_space<hbm>> -> memref<10000x128xf32, #tpu.memory_space<hbm>>
    tpu.enqueue_indirect_dma source(%dma_start3A_56 : memref<10000x128xf32, #tpu.memory_space<hbm>>) target(%arg9 : memref<128x128xf32, #tpu.memory_space<vmem>>) offsets(%dma_start3A_53 : memref<128xi32, #tpu.memory_space<vmem>>) semaphore(%arg12 : memref<!tpu.dma_semaphore, #tpu.memory_space<semaphore_mem>>)
    %scan3A = arith.constant 0 : i32
    %scan3A_57 = arith.constant 18 : i32
    %scan3A_58 = arith.addi %scan3A, %scan3A_57 : i32
    %scan3A_59 = arith.constant 1 : i32
    scf.for %scan3A_119 = %scan3A to %scan3A_58 step %scan3A_59  : i32 {
      %mul3A_120 = arith.constant 1 : i32
      %mul3A_121 = arith.muli %scan3A_119, %mul3A_120 : i32
      %add3A_122 = arith.constant 1 : i32
      %add3A_123 = arith.addi %add3A_122, %mul3A_121 : i32
      %mul3A_124 = arith.constant 2 : i32
      %mul3A_125 = arith.muli %add3A_123, %mul3A_124 : i32
      %dma_wait3A_126 = arith.constant 0 : i32
      %dma_wait3A_127 = arith.constant 0 : i32
      %dma_wait3A_128 = tpu.memref_slice %arg7[%dma_wait3A_126, %dma_wait3A_127] : memref<40x128xi32, #tpu.memory_space<vmem>> -> memref<1x128xi32, #tpu.memory_space<vmem>>
      %dma_wait3A_129 = tpu.memref_squeeze %dma_wait3A_128 : memref<1x128xi32, #tpu.memory_space<vmem>> -> memref<128xi32, #tpu.memory_space<vmem>>
      %dma_wait3A_130 = arith.constant 0 : i32
      %dma_wait3A_131 = arith.constant 0 : i32
      %dma_wait3A_132 = tpu.memref_slice %arg2[%dma_wait3A_130, %dma_wait3A_131] : memref<10000x128xf32, #tpu.memory_space<hbm>> -> memref<10000x128xf32, #tpu.memory_space<hbm>>
      tpu.wait_indirect_dma semaphore(%arg12 : memref<!tpu.dma_semaphore, #tpu.memory_space<semaphore_mem>>) src(%dma_wait3A_132 : memref<10000x128xf32, #tpu.memory_space<hbm>>) dst(%arg9 : memref<128x128xf32, #tpu.memory_space<vmem>>)
      %dma_start3A_133 = arith.constant 0 : i32
      %dma_start3A_134 = tpu.memref_slice %arg8[%mul3A_125, %dma_start3A_133] : memref<40x128xi32, #tpu.memory_space<vmem>> -> memref<1x128xi32, #tpu.memory_space<vmem>>
      %dma_start3A_135 = tpu.memref_squeeze %dma_start3A_134 : memref<1x128xi32, #tpu.memory_space<vmem>> -> memref<128xi32, #tpu.memory_space<vmem>>
      %dma_start3A_136 = arith.constant 0 : i32
      %dma_start3A_137 = arith.constant 0 : i32
      %dma_start3A_138 = tpu.memref_slice %arg11[%dma_start3A_136, %dma_start3A_137] : memref<10240x128xf32, #tpu.memory_space<vmem_shared>> -> memref<10240x128xf32, #tpu.memory_space<vmem_shared>>
      tpu.enqueue_indirect_dma source(%arg9 : memref<128x128xf32, #tpu.memory_space<vmem>>) target(%dma_start3A_138 : memref<10240x128xf32, #tpu.memory_space<vmem_shared>>) offsets(%dma_start3A_135 : memref<128xi32, #tpu.memory_space<vmem>>) semaphore(%arg14 : memref<!tpu.dma_semaphore, #tpu.memory_space<semaphore_mem>>) {add = true}
      %dma_wait3A_139 = arith.constant 0 : i32
      %dma_wait3A_140 = arith.constant 0 : i32
      %dma_wait3A_141 = tpu.memref_slice %arg8[%dma_wait3A_139, %dma_wait3A_140] : memref<40x128xi32, #tpu.memory_space<vmem>> -> memref<1x128xi32, #tpu.memory_space<vmem>>
      %dma_wait3A_142 = tpu.memref_squeeze %dma_wait3A_141 : memref<1x128xi32, #tpu.memory_space<vmem>> -> memref<128xi32, #tpu.memory_space<vmem>>
      %dma_wait3A_143 = arith.constant 0 : i32
      %dma_wait3A_144 = arith.constant 0 : i32
      %dma_wait3A_145 = tpu.memref_slice %arg11[%dma_wait3A_143, %dma_wait3A_144] : memref<10240x128xf32, #tpu.memory_space<vmem_shared>> -> memref<10240x128xf32, #tpu.memory_space<vmem_shared>>
      tpu.wait_indirect_dma semaphore(%arg15 : memref<!tpu.dma_semaphore, #tpu.memory_space<semaphore_mem>>) src(%arg10 : memref<128x128xf32, #tpu.memory_space<vmem>>) dst(%dma_wait3A_145 : memref<10240x128xf32, #tpu.memory_space<vmem_shared>>)
      %add3A_146 = arith.constant 1 : i32
      %add3A_147 = arith.addi %mul3A_125, %add3A_146 : i32
      %dma_start3A_148 = arith.constant 0 : i32
      %dma_start3A_149 = tpu.memref_slice %arg7[%add3A_147, %dma_start3A_148] : memref<40x128xi32, #tpu.memory_space<vmem>> -> memref<1x128xi32, #tpu.memory_space<vmem>>
      %dma_start3A_150 = tpu.memref_squeeze %dma_start3A_149 : memref<1x128xi32, #tpu.memory_space<vmem>> -> memref<128xi32, #tpu.memory_space<vmem>>
      %dma_start3A_151 = arith.constant 0 : i32
      %dma_start3A_152 = arith.constant 0 : i32
      %dma_start3A_153 = tpu.memref_slice %arg2[%dma_start3A_151, %dma_start3A_152] : memref<10000x128xf32, #tpu.memory_space<hbm>> -> memref<10000x128xf32, #tpu.memory_space<hbm>>
      tpu.enqueue_indirect_dma source(%dma_start3A_153 : memref<10000x128xf32, #tpu.memory_space<hbm>>) target(%arg10 : memref<128x128xf32, #tpu.memory_space<vmem>>) offsets(%dma_start3A_150 : memref<128xi32, #tpu.memory_space<vmem>>) semaphore(%arg13 : memref<!tpu.dma_semaphore, #tpu.memory_space<semaphore_mem>>)
      %add3A_154 = arith.constant 1 : i32
      %add3A_155 = arith.addi %mul3A_125, %add3A_154 : i32
      %dma_wait3A_156 = arith.constant 0 : i32
      %dma_wait3A_157 = arith.constant 0 : i32
      %dma_wait3A_158 = tpu.memref_slice %arg7[%dma_wait3A_156, %dma_wait3A_157] : memref<40x128xi32, #tpu.memory_space<vmem>> -> memref<1x128xi32, #tpu.memory_space<vmem>>
      %dma_wait3A_159 = tpu.memref_squeeze %dma_wait3A_158 : memref<1x128xi32, #tpu.memory_space<vmem>> -> memref<128xi32, #tpu.memory_space<vmem>>
      %dma_wait3A_160 = arith.constant 0 : i32
      %dma_wait3A_161 = arith.constant 0 : i32
      %dma_wait3A_162 = tpu.memref_slice %arg2[%dma_wait3A_160, %dma_wait3A_161] : memref<10000x128xf32, #tpu.memory_space<hbm>> -> memref<10000x128xf32, #tpu.memory_space<hbm>>
      tpu.wait_indirect_dma semaphore(%arg13 : memref<!tpu.dma_semaphore, #tpu.memory_space<semaphore_mem>>) src(%dma_wait3A_162 : memref<10000x128xf32, #tpu.memory_space<hbm>>) dst(%arg10 : memref<128x128xf32, #tpu.memory_space<vmem>>)
      %dma_start3A_163 = arith.constant 0 : i32
      %dma_start3A_164 = tpu.memref_slice %arg8[%add3A_155, %dma_start3A_163] : memref<40x128xi32, #tpu.memory_space<vmem>> -> memref<1x128xi32, #tpu.memory_space<vmem>>
      %dma_start3A_165 = tpu.memref_squeeze %dma_start3A_164 : memref<1x128xi32, #tpu.memory_space<vmem>> -> memref<128xi32, #tpu.memory_space<vmem>>
      %dma_start3A_166 = arith.constant 0 : i32
      %dma_start3A_167 = arith.constant 0 : i32
      %dma_start3A_168 = tpu.memref_slice %arg11[%dma_start3A_166, %dma_start3A_167] : memref<10240x128xf32, #tpu.memory_space<vmem_shared>> -> memref<10240x128xf32, #tpu.memory_space<vmem_shared>>
      tpu.enqueue_indirect_dma source(%arg10 : memref<128x128xf32, #tpu.memory_space<vmem>>) target(%dma_start3A_168 : memref<10240x128xf32, #tpu.memory_space<vmem_shared>>) offsets(%dma_start3A_165 : memref<128xi32, #tpu.memory_space<vmem>>) semaphore(%arg15 : memref<!tpu.dma_semaphore, #tpu.memory_space<semaphore_mem>>) {add = true}
      %dma_wait3A_169 = arith.constant 0 : i32
      %dma_wait3A_170 = arith.constant 0 : i32
      %dma_wait3A_171 = tpu.memref_slice %arg8[%dma_wait3A_169, %dma_wait3A_170] : memref<40x128xi32, #tpu.memory_space<vmem>> -> memref<1x128xi32, #tpu.memory_space<vmem>>
      %dma_wait3A_172 = tpu.memref_squeeze %dma_wait3A_171 : memref<1x128xi32, #tpu.memory_space<vmem>> -> memref<128xi32, #tpu.memory_space<vmem>>
      %dma_wait3A_173 = arith.constant 0 : i32
      %dma_wait3A_174 = arith.constant 0 : i32
      %dma_wait3A_175 = tpu.memref_slice %arg11[%dma_wait3A_173, %dma_wait3A_174] : memref<10240x128xf32, #tpu.memory_space<vmem_shared>> -> memref<10240x128xf32, #tpu.memory_space<vmem_shared>>
      tpu.wait_indirect_dma semaphore(%arg14 : memref<!tpu.dma_semaphore, #tpu.memory_space<semaphore_mem>>) src(%arg9 : memref<128x128xf32, #tpu.memory_space<vmem>>) dst(%dma_wait3A_175 : memref<10240x128xf32, #tpu.memory_space<vmem_shared>>)
      %add3A_176 = arith.constant 1 : i32
      %add3A_177 = arith.addi %add3A_155, %add3A_176 : i32
      %dma_start3A_178 = arith.constant 0 : i32
      %dma_start3A_179 = tpu.memref_slice %arg7[%add3A_177, %dma_start3A_178] : memref<40x128xi32, #tpu.memory_space<vmem>> -> memref<1x128xi32, #tpu.memory_space<vmem>>
      %dma_start3A_180 = tpu.memref_squeeze %dma_start3A_179 : memref<1x128xi32, #tpu.memory_space<vmem>> -> memref<128xi32, #tpu.memory_space<vmem>>
      %dma_start3A_181 = arith.constant 0 : i32
      %dma_start3A_182 = arith.constant 0 : i32
      %dma_start3A_183 = tpu.memref_slice %arg2[%dma_start3A_181, %dma_start3A_182] : memref<10000x128xf32, #tpu.memory_space<hbm>> -> memref<10000x128xf32, #tpu.memory_space<hbm>>
      tpu.enqueue_indirect_dma source(%dma_start3A_183 : memref<10000x128xf32, #tpu.memory_space<hbm>>) target(%arg9 : memref<128x128xf32, #tpu.memory_space<vmem>>) offsets(%dma_start3A_180 : memref<128xi32, #tpu.memory_space<vmem>>) semaphore(%arg12 : memref<!tpu.dma_semaphore, #tpu.memory_space<semaphore_mem>>)
    }
    %scan3A_60 = arith.constant 18 : i32
    %dma_wait3A_61 = arith.constant 0 : i32
    %dma_wait3A_62 = arith.constant 0 : i32
    %dma_wait3A_63 = tpu.memref_slice %arg7[%dma_wait3A_61, %dma_wait3A_62] : memref<40x128xi32, #tpu.memory_space<vmem>> -> memref<1x128xi32, #tpu.memory_space<vmem>>
    %dma_wait3A_64 = tpu.memref_squeeze %dma_wait3A_63 : memref<1x128xi32, #tpu.memory_space<vmem>> -> memref<128xi32, #tpu.memory_space<vmem>>
    %dma_wait3A_65 = arith.constant 0 : i32
    %dma_wait3A_66 = arith.constant 0 : i32
    %dma_wait3A_67 = tpu.memref_slice %arg2[%dma_wait3A_65, %dma_wait3A_66] : memref<10000x128xf32, #tpu.memory_space<hbm>> -> memref<10000x128xf32, #tpu.memory_space<hbm>>
    tpu.wait_indirect_dma semaphore(%arg12 : memref<!tpu.dma_semaphore, #tpu.memory_space<semaphore_mem>>) src(%dma_wait3A_67 : memref<10000x128xf32, #tpu.memory_space<hbm>>) dst(%arg9 : memref<128x128xf32, #tpu.memory_space<vmem>>)
    %dma_start3A_68 = arith.constant 38 : i32
    %dma_start3A_69 = arith.constant 0 : i32
    %dma_start3A_70 = tpu.memref_slice %arg8[%dma_start3A_68, %dma_start3A_69] : memref<40x128xi32, #tpu.memory_space<vmem>> -> memref<1x128xi32, #tpu.memory_space<vmem>>
    %dma_start3A_71 = tpu.memref_squeeze %dma_start3A_70 : memref<1x128xi32, #tpu.memory_space<vmem>> -> memref<128xi32, #tpu.memory_space<vmem>>
    %dma_start3A_72 = arith.constant 0 : i32
    %dma_start3A_73 = arith.constant 0 : i32
    %dma_start3A_74 = tpu.memref_slice %arg11[%dma_start3A_72, %dma_start3A_73] : memref<10240x128xf32, #tpu.memory_space<vmem_shared>> -> memref<10240x128xf32, #tpu.memory_space<vmem_shared>>
    tpu.enqueue_indirect_dma source(%arg9 : memref<128x128xf32, #tpu.memory_space<vmem>>) target(%dma_start3A_74 : memref<10240x128xf32, #tpu.memory_space<vmem_shared>>) offsets(%dma_start3A_71 : memref<128xi32, #tpu.memory_space<vmem>>) semaphore(%arg14 : memref<!tpu.dma_semaphore, #tpu.memory_space<semaphore_mem>>) {add = true}
    %dma_wait3A_75 = arith.constant 0 : i32
    %dma_wait3A_76 = arith.constant 0 : i32
    %dma_wait3A_77 = tpu.memref_slice %arg8[%dma_wait3A_75, %dma_wait3A_76] : memref<40x128xi32, #tpu.memory_space<vmem>> -> memref<1x128xi32, #tpu.memory_space<vmem>>
    %dma_wait3A_78 = tpu.memref_squeeze %dma_wait3A_77 : memref<1x128xi32, #tpu.memory_space<vmem>> -> memref<128xi32, #tpu.memory_space<vmem>>
    %dma_wait3A_79 = arith.constant 0 : i32
    %dma_wait3A_80 = arith.constant 0 : i32
    %dma_wait3A_81 = tpu.memref_slice %arg11[%dma_wait3A_79, %dma_wait3A_80] : memref<10240x128xf32, #tpu.memory_space<vmem_shared>> -> memref<10240x128xf32, #tpu.memory_space<vmem_shared>>
    tpu.wait_indirect_dma semaphore(%arg15 : memref<!tpu.dma_semaphore, #tpu.memory_space<semaphore_mem>>) src(%arg10 : memref<128x128xf32, #tpu.memory_space<vmem>>) dst(%dma_wait3A_81 : memref<10240x128xf32, #tpu.memory_space<vmem_shared>>)
    %dma_start3A_82 = arith.constant 39 : i32
    %dma_start3A_83 = arith.constant 0 : i32
    %dma_start3A_84 = tpu.memref_slice %arg7[%dma_start3A_82, %dma_start3A_83] : memref<40x128xi32, #tpu.memory_space<vmem>> -> memref<1x128xi32, #tpu.memory_space<vmem>>
    %dma_start3A_85 = tpu.memref_squeeze %dma_start3A_84 : memref<1x128xi32, #tpu.memory_space<vmem>> -> memref<128xi32, #tpu.memory_space<vmem>>
    %dma_start3A_86 = arith.constant 0 : i32
    %dma_start3A_87 = arith.constant 0 : i32
    %dma_start3A_88 = tpu.memref_slice %arg2[%dma_start3A_86, %dma_start3A_87] : memref<10000x128xf32, #tpu.memory_space<hbm>> -> memref<10000x128xf32, #tpu.memory_space<hbm>>
    tpu.enqueue_indirect_dma source(%dma_start3A_88 : memref<10000x128xf32, #tpu.memory_space<hbm>>) target(%arg10 : memref<128x128xf32, #tpu.memory_space<vmem>>) offsets(%dma_start3A_85 : memref<128xi32, #tpu.memory_space<vmem>>) semaphore(%arg13 : memref<!tpu.dma_semaphore, #tpu.memory_space<semaphore_mem>>)
    %dma_wait3A_89 = arith.constant 0 : i32
    %dma_wait3A_90 = arith.constant 0 : i32
    %dma_wait3A_91 = tpu.memref_slice %arg7[%dma_wait3A_89, %dma_wait3A_90] : memref<40x128xi32, #tpu.memory_space<vmem>> -> memref<1x128xi32, #tpu.memory_space<vmem>>
    %dma_wait3A_92 = tpu.memref_squeeze %dma_wait3A_91 : memref<1x128xi32, #tpu.memory_space<vmem>> -> memref<128xi32, #tpu.memory_space<vmem>>
    %dma_wait3A_93 = arith.constant 0 : i32
    %dma_wait3A_94 = arith.constant 0 : i32
    %dma_wait3A_95 = tpu.memref_slice %arg2[%dma_wait3A_93, %dma_wait3A_94] : memref<10000x128xf32, #tpu.memory_space<hbm>> -> memref<10000x128xf32, #tpu.memory_space<hbm>>
    tpu.wait_indirect_dma semaphore(%arg13 : memref<!tpu.dma_semaphore, #tpu.memory_space<semaphore_mem>>) src(%dma_wait3A_95 : memref<10000x128xf32, #tpu.memory_space<hbm>>) dst(%arg10 : memref<128x128xf32, #tpu.memory_space<vmem>>)
    %dma_start3A_96 = arith.constant 39 : i32
    %dma_start3A_97 = arith.constant 0 : i32
    %dma_start3A_98 = tpu.memref_slice %arg8[%dma_start3A_96, %dma_start3A_97] : memref<40x128xi32, #tpu.memory_space<vmem>> -> memref<1x128xi32, #tpu.memory_space<vmem>>
    %dma_start3A_99 = tpu.memref_squeeze %dma_start3A_98 : memref<1x128xi32, #tpu.memory_space<vmem>> -> memref<128xi32, #tpu.memory_space<vmem>>
    %dma_start3A_100 = arith.constant 0 : i32
    %dma_start3A_101 = arith.constant 0 : i32
    %dma_start3A_102 = tpu.memref_slice %arg11[%dma_start3A_100, %dma_start3A_101] : memref<10240x128xf32, #tpu.memory_space<vmem_shared>> -> memref<10240x128xf32, #tpu.memory_space<vmem_shared>>
    tpu.enqueue_indirect_dma source(%arg10 : memref<128x128xf32, #tpu.memory_space<vmem>>) target(%dma_start3A_102 : memref<10240x128xf32, #tpu.memory_space<vmem_shared>>) offsets(%dma_start3A_99 : memref<128xi32, #tpu.memory_space<vmem>>) semaphore(%arg15 : memref<!tpu.dma_semaphore, #tpu.memory_space<semaphore_mem>>) {add = true}
    %dma_wait3A_103 = arith.constant 0 : i32
    %dma_wait3A_104 = arith.constant 0 : i32
    %dma_wait3A_105 = tpu.memref_slice %arg8[%dma_wait3A_103, %dma_wait3A_104] : memref<40x128xi32, #tpu.memory_space<vmem>> -> memref<1x128xi32, #tpu.memory_space<vmem>>
    %dma_wait3A_106 = tpu.memref_squeeze %dma_wait3A_105 : memref<1x128xi32, #tpu.memory_space<vmem>> -> memref<128xi32, #tpu.memory_space<vmem>>
    %dma_wait3A_107 = arith.constant 0 : i32
    %dma_wait3A_108 = arith.constant 0 : i32
    %dma_wait3A_109 = tpu.memref_slice %arg11[%dma_wait3A_107, %dma_wait3A_108] : memref<10240x128xf32, #tpu.memory_space<vmem_shared>> -> memref<10240x128xf32, #tpu.memory_space<vmem_shared>>
    tpu.wait_indirect_dma semaphore(%arg14 : memref<!tpu.dma_semaphore, #tpu.memory_space<semaphore_mem>>) src(%arg9 : memref<128x128xf32, #tpu.memory_space<vmem>>) dst(%dma_wait3A_109 : memref<10240x128xf32, #tpu.memory_space<vmem_shared>>)
    %dma_wait3A_110 = arith.constant 0 : i32
    %dma_wait3A_111 = arith.constant 0 : i32
    %dma_wait3A_112 = tpu.memref_slice %arg8[%dma_wait3A_110, %dma_wait3A_111] : memref<40x128xi32, #tpu.memory_space<vmem>> -> memref<1x128xi32, #tpu.memory_space<vmem>>
    %dma_wait3A_113 = tpu.memref_squeeze %dma_wait3A_112 : memref<1x128xi32, #tpu.memory_space<vmem>> -> memref<128xi32, #tpu.memory_space<vmem>>
    %dma_wait3A_114 = arith.constant 0 : i32
    %dma_wait3A_115 = arith.constant 0 : i32
    %dma_wait3A_116 = tpu.memref_slice %arg11[%dma_wait3A_114, %dma_wait3A_115] : memref<10240x128xf32, #tpu.memory_space<vmem_shared>> -> memref<10240x128xf32, #tpu.memory_space<vmem_shared>>
    tpu.wait_indirect_dma semaphore(%arg15 : memref<!tpu.dma_semaphore, #tpu.memory_space<semaphore_mem>>) src(%arg10 : memref<128x128xf32, #tpu.memory_space<vmem>>) dst(%dma_wait3A_116 : memref<10240x128xf32, #tpu.memory_space<vmem_shared>>)
    %barrier3A_117 = arith.constant 0 : index
    tpu.barrier barrier_id(%barrier3A_117)
    %run_scoped3A = arith.constant 0 : i32
    "tpu.region"() ({
      %run_scoped3A_119 = tpu.sem_alloc : memref<!tpu.dma_semaphore, #tpu.memory_space<semaphore_mem>>
      %dma_start3A_120 = arith.constant 0 : i32
      %dma_start3A_121 = tpu.memref_slice %arg6[%arg0, %run_scoped3A, %mul3A_2, %dma_start3A_120] : memref<2x1x10240x128xf32, #tpu.memory_space<hbm>> -> memref<1x1x640x128xf32, #tpu.memory_space<hbm>>
      %dma_start3A_122 = tpu.memref_squeeze %dma_start3A_121 : memref<1x1x640x128xf32, #tpu.memory_space<hbm>> -> memref<640x128xf32, #tpu.memory_space<hbm>>
      %dma_start3A_123 = arith.constant 0 : i32
      %dma_start3A_124 = tpu.memref_slice %arg11[%mul3A_2, %dma_start3A_123] : memref<10240x128xf32, #tpu.memory_space<vmem_shared>> -> memref<640x128xf32, #tpu.memory_space<vmem_shared>>
      tpu.enqueue_dma source(%dma_start3A_124 : memref<640x128xf32, #tpu.memory_space<vmem_shared>>) target(%dma_start3A_122 : memref<640x128xf32, #tpu.memory_space<hbm>>) target_semaphore(%run_scoped3A_119 : memref<!tpu.dma_semaphore, #tpu.memory_space<semaphore_mem>>)
      %dma_wait3A_125 = arith.constant 0 : i32
      %dma_wait3A_126 = tpu.memref_slice %arg6[%arg0, %run_scoped3A, %mul3A_2, %dma_wait3A_125] : memref<2x1x10240x128xf32, #tpu.memory_space<hbm>> -> memref<1x1x640x128xf32, #tpu.memory_space<hbm>>
      %dma_wait3A_127 = tpu.memref_squeeze %dma_wait3A_126 : memref<1x1x640x128xf32, #tpu.memory_space<hbm>> -> memref<640x128xf32, #tpu.memory_space<hbm>>
      %dma_wait3A_128 = arith.constant 0 : i32
      %dma_wait3A_129 = tpu.memref_slice %arg11[%mul3A_2, %dma_wait3A_128] : memref<10240x128xf32, #tpu.memory_space<vmem_shared>> -> memref<640x128xf32, #tpu.memory_space<vmem_shared>>
      tpu.wait_dma2 semaphore(%run_scoped3A_119 : memref<!tpu.dma_semaphore, #tpu.memory_space<semaphore_mem>>) src(%dma_wait3A_129 : memref<640x128xf32, #tpu.memory_space<vmem_shared>>) dst(%dma_wait3A_127 : memref<640x128xf32, #tpu.memory_space<hbm>>)
      tpu.yield
    }) : () -> ()
    %barrier3A_118 = arith.constant 0 : index
    tpu.barrier barrier_id(%barrier3A_118)
    return
  }
}

module attributes {stable_mosaic.version = 14 : i64} {
  func.func @body(%arg0: i32, %arg1: memref<2x1000x128xf32, #tpu.memory_space<vmem>>, %arg2: memref<1000x128xf32, #tpu.memory_space<vmem>>, %arg3: memref<1000x128xf32, #tpu.memory_space<vmem>>, %arg4: memref<1000x128xf32, #tpu.memory_space<vmem>>) attributes {dimension_semantics = [#tpu.dimension_semantics<arbitrary>], iteration_bounds = array<i64: 10>, scalar_prefetch = 0 : i64, scratch_operands = 0 : i64, tpu.core_type = #tpu.core_type<tc>, window_params = [{transform_indices = @transform_0, window_bounds = array<i64: 2, 1000, 128>}, {transform_indices = @transform_1, window_bounds = array<i64: 1000, 128>}, {transform_indices = @transform_2, window_bounds = array<i64: 1000, 128>}, {transform_indices = @transform_3, window_bounds = array<i64: 1000, 128>}]} {
    %get3A = arith.constant 0 : index
    %get3A_0 = arith.constant 0 : index
    %get3A_1 = arith.constant 0 : index
    %get3A_2 = vector.load %arg1[%get3A, %get3A_0, %get3A_1] : memref<2x1000x128xf32, #tpu.memory_space<vmem>>, vector<1x1000x128xf32>
    %get3A_3 = vector.shape_cast %get3A_2 : vector<1x1000x128xf32> to vector<1000x128xf32>
    %slice3A = vector.extract_strided_slice %get3A_3 {offsets = [0, 0], sizes = [1000, 1], strides = [1, 1]} : vector<1000x128xf32> to vector<1000x1xf32>
    %get3A_4 = arith.constant 1 : index
    %get3A_5 = arith.constant 0 : index
    %get3A_6 = arith.constant 0 : index
    %get3A_7 = vector.load %arg1[%get3A_4, %get3A_5, %get3A_6] : memref<2x1000x128xf32, #tpu.memory_space<vmem>>, vector<1x1000x128xf32>
    %get3A_8 = vector.shape_cast %get3A_7 : vector<1x1000x128xf32> to vector<1000x128xf32>
    %slice3A_9 = vector.extract_strided_slice %get3A_8 {offsets = [0, 0], sizes = [1000, 1], strides = [1, 1]} : vector<1000x128xf32> to vector<1000x1xf32>
    %add3A = arith.addf %slice3A, %slice3A_9 : vector<1000x1xf32>
    %add3A_10 = arith.constant 1.000000e+00 : f32
    %add3A_11 = vector.broadcast %add3A_10 : f32 to vector<1000x1xf32>
    %add3A_12 = arith.addf %add3A, %add3A_11 : vector<1000x1xf32>
    %rsqrt3A = math.rsqrt %add3A_12 : vector<1000x1xf32>
    %get3A_13 = arith.constant 0 : index
    %get3A_14 = arith.constant 0 : index
    %get3A_15 = vector.load %arg2[%get3A_13, %get3A_14] : memref<1000x128xf32, #tpu.memory_space<vmem>>, vector<1000x128xf32>
    %mul3A = vector.broadcast %rsqrt3A : vector<1000x1xf32> to vector<1000x128xf32>
    %mul3A_16 = arith.mulf %get3A_15, %mul3A : vector<1000x128xf32>
    %swap3A = arith.constant 0 : index
    %swap3A_17 = arith.constant 0 : index
    %swap3A_18 = vector.load %arg3[%swap3A, %swap3A_17] : memref<1000x128xf32, #tpu.memory_space<vmem>>, vector<1000x128xf32>
    tpu.vector_store %arg3[%swap3A, %swap3A_17], %mul3A_16 {strides = array<i32>} : memref<1000x128xf32, #tpu.memory_space<vmem>>, vector<1000x128xf32>,
    %broadcast_in_dim3A = vector.shape_cast %rsqrt3A : vector<1000x1xf32> to vector<1000x1xf32>
    %broadcast_in_dim3A_19 = vector.broadcast %broadcast_in_dim3A : vector<1000x1xf32> to vector<1000x128xf32>
    %swap3A_20 = arith.constant 0 : index
    %swap3A_21 = arith.constant 0 : index
    %swap3A_22 = vector.load %arg4[%swap3A_20, %swap3A_21] : memref<1000x128xf32, #tpu.memory_space<vmem>>, vector<1000x128xf32>
    tpu.vector_store %arg4[%swap3A_20, %swap3A_21], %broadcast_in_dim3A_19 {strides = array<i32>} : memref<1000x128xf32, #tpu.memory_space<vmem>>, vector<1000x128xf32>,
    return
  }
  func.func @transform_0(%arg0: i32) -> (i32, i32, i32) {
    %c0_i32 = arith.constant 0 : i32
    %c0_i32_0 = arith.constant 0 : i32
    %c0_i32_1 = arith.constant 0 : i32
    return %c0_i32, %arg0, %c0_i32_0 : i32, i32, i32
  }
  func.func @transform_1(%arg0: i32) -> (i32, i32) {
    %c0_i32 = arith.constant 0 : i32
    %c0_i32_0 = arith.constant 0 : i32
    return %arg0, %c0_i32 : i32, i32
  }
  func.func @transform_2(%arg0: i32) -> (i32, i32) {
    %c0_i32 = arith.constant 0 : i32
    %c0_i32_0 = arith.constant 0 : i32
    return %arg0, %c0_i32 : i32, i32
  }
  func.func @transform_3(%arg0: i32) -> (i32, i32) {
    %c0_i32 = arith.constant 0 : i32
    %c0_i32_0 = arith.constant 0 : i32
    return %arg0, %c0_i32 : i32, i32
  }
}

module attributes {stable_mosaic.version = 14 : i64} {
  func.func @body(%arg0: i32, %arg1: memref<1000x128xf32, #tpu.memory_space<vmem>>, %arg2: memref<2x1x1000x128xf32, #tpu.memory_space<vmem>>, %arg3: memref<1000x128xf32, #tpu.memory_space<vmem>>, %arg4: memref<128x1024xbf16, #tpu.memory_space<vmem>>, %arg5: memref<1x1024xf32, #tpu.memory_space<vmem>>, %arg6: memref<1024x128xbf16, #tpu.memory_space<vmem>>, %arg7: memref<128x1024xbf16, #tpu.memory_space<vmem>>, %arg8: memref<1x1024xf32, #tpu.memory_space<vmem>>, %arg9: memref<1024x128xbf16, #tpu.memory_space<vmem>>, %arg10: memref<1000x128xf32, #tpu.memory_space<vmem>>, %arg11: memref<1000x128xf32, #tpu.memory_space<vmem>>) attributes {dimension_semantics = [#tpu.dimension_semantics<arbitrary>], iteration_bounds = array<i64: 10>, scalar_prefetch = 0 : i64, scratch_operands = 0 : i64, tpu.core_type = #tpu.core_type<tc>, window_params = [{transform_indices = @transform_0, window_bounds = array<i64: 1000, 128>}, {transform_indices = @transform_1, window_bounds = array<i64: 2, 1, 1000, 128>}, {transform_indices = @transform_2, window_bounds = array<i64: 1000, 128>}, {pipeline_mode = #tpu.pipeline_mode<synchronous>, transform_indices = @transform_3, window_bounds = array<i64: 128, 1024>}, {pipeline_mode = #tpu.pipeline_mode<synchronous>, transform_indices = @transform_4, window_bounds = array<i64: 1, 1024>}, {pipeline_mode = #tpu.pipeline_mode<synchronous>, transform_indices = @transform_5, window_bounds = array<i64: 1024, 128>}, {pipeline_mode = #tpu.pipeline_mode<synchronous>, transform_indices = @transform_6, window_bounds = array<i64: 128, 1024>}, {pipeline_mode = #tpu.pipeline_mode<synchronous>, transform_indices = @transform_7, window_bounds = array<i64: 1, 1024>}, {pipeline_mode = #tpu.pipeline_mode<synchronous>, transform_indices = @transform_8, window_bounds = array<i64: 1024, 128>}, {transform_indices = @transform_9, window_bounds = array<i64: 1000, 128>}, {transform_indices = @transform_10, window_bounds = array<i64: 1000, 128>}]} {
    %get3A = arith.constant 0 : index
    %get3A_0 = arith.constant 0 : index
    %get3A_1 = vector.load %arg3[%get3A, %get3A_0] : memref<1000x128xf32, #tpu.memory_space<vmem>>, vector<1000x128xf32>
    %get3A_2 = arith.constant 0 : index
    %get3A_3 = arith.constant 0 : index
    %get3A_4 = arith.constant 0 : index
    %get3A_5 = arith.constant 0 : index
    %get3A_6 = vector.load %arg2[%get3A_2, %get3A_3, %get3A_4, %get3A_5] : memref<2x1x1000x128xf32, #tpu.memory_space<vmem>>, vector<1x1x1000x128xf32>
    %get3A_7 = vector.shape_cast %get3A_6 : vector<1x1x1000x128xf32> to vector<1000x128xf32>
    %get3A_8 = arith.constant 1 : index
    %get3A_9 = arith.constant 0 : index
    %get3A_10 = arith.constant 0 : index
    %get3A_11 = arith.constant 0 : index
    %get3A_12 = vector.load %arg2[%get3A_8, %get3A_9, %get3A_10, %get3A_11] : memref<2x1x1000x128xf32, #tpu.memory_space<vmem>>, vector<1x1x1000x128xf32>
    %get3A_13 = vector.shape_cast %get3A_12 : vector<1x1x1000x128xf32> to vector<1000x128xf32>
    %add3A = arith.addf %get3A_7, %get3A_13 : vector<1000x128xf32>
    %get3A_14 = arith.constant 0 : index
    %get3A_15 = arith.constant 0 : index
    %get3A_16 = vector.load %arg1[%get3A_14, %get3A_15] : memref<1000x128xf32, #tpu.memory_space<vmem>>, vector<1000x128xf32>
    %add3A_17 = arith.addf %add3A, %get3A_16 : vector<1000x128xf32>
    %mul3A = arith.mulf %get3A_1, %add3A_17 : vector<1000x128xf32>
    %convert_element_type3A = arith.truncf %mul3A : vector<1000x128xf32> to vector<1000x128xbf16>
    %get3A_18 = arith.constant 0 : index
    %get3A_19 = arith.constant 0 : index
    %get3A_20 = vector.load %arg4[%get3A_18, %get3A_19] : memref<128x1024xbf16, #tpu.memory_space<vmem>>, vector<128x1024xbf16>
    %dot_general3A = arith.constant dense<0.000000e+00> : vector<1000x1024xf32>
    %dot_general3A_21 = tpu.matmul %convert_element_type3A, %get3A_20, %dot_general3A {dimension_numbers = #tpu.dot_dimension_numbers<[1], [0], [0], [1], [0, 0, 1, 1], [], []>, transpose_lhs_hint = false} : vector<1000x128xbf16>, vector<128x1024xbf16>, vector<1000x1024xf32> -> vector<1000x1024xf32>
    %get3A_22 = arith.constant 0 : index
    %get3A_23 = arith.constant 0 : index
    %get3A_24 = vector.load %arg5[%get3A_22, %get3A_23] : memref<1x1024xf32, #tpu.memory_space<vmem>>, vector<1x1024xf32>
    %add3A_25 = vector.broadcast %get3A_24 : vector<1x1024xf32> to vector<1000x1024xf32>
    %add3A_26 = arith.addf %dot_general3A_21, %add3A_25 : vector<1000x1024xf32>
    %max3A = arith.constant 0.000000e+00 : f32
    %max3A_27 = vector.broadcast %max3A : f32 to vector<1000x1024xf32>
    %max3A_28 = arith.maximumf %add3A_26, %max3A_27 : vector<1000x1024xf32>
    %convert_element_type3A_29 = arith.truncf %max3A_28 : vector<1000x1024xf32> to vector<1000x1024xbf16>
    %get3A_30 = arith.constant 0 : index
    %get3A_31 = arith.constant 0 : index
    %get3A_32 = vector.load %arg6[%get3A_30, %get3A_31] : memref<1024x128xbf16, #tpu.memory_space<vmem>>, vector<1024x128xbf16>
    %dot_general3A_33 = arith.constant dense<0.000000e+00> : vector<1000x128xf32>
    %dot_general3A_34 = tpu.matmul %convert_element_type3A_29, %get3A_32, %dot_general3A_33 {dimension_numbers = #tpu.dot_dimension_numbers<[1], [0], [0], [1], [0, 0, 1, 1], [], []>, transpose_lhs_hint = false} : vector<1000x1024xbf16>, vector<1024x128xbf16>, vector<1000x128xf32> -> vector<1000x128xf32>
    %mul3A_35 = arith.mulf %dot_general3A_34, %get3A_1 : vector<1000x128xf32>
    %swap3A = arith.constant 0 : index
    %swap3A_36 = arith.constant 0 : index
    %swap3A_37 = vector.load %arg10[%swap3A, %swap3A_36] : memref<1000x128xf32, #tpu.memory_space<vmem>>, vector<1000x128xf32>
    tpu.vector_store %arg10[%swap3A, %swap3A_36], %mul3A_35 {strides = array<i32>} : memref<1000x128xf32, #tpu.memory_space<vmem>>, vector<1000x128xf32>,
    %get3A_38 = arith.constant 0 : index
    %get3A_39 = arith.constant 0 : index
    %get3A_40 = vector.load %arg7[%get3A_38, %get3A_39] : memref<128x1024xbf16, #tpu.memory_space<vmem>>, vector<128x1024xbf16>
    %dot_general3A_41 = arith.constant dense<0.000000e+00> : vector<1000x1024xf32>
    %dot_general3A_42 = tpu.matmul %convert_element_type3A, %get3A_40, %dot_general3A_41 {dimension_numbers = #tpu.dot_dimension_numbers<[1], [0], [0], [1], [0, 0, 1, 1], [], []>, transpose_lhs_hint = false} : vector<1000x128xbf16>, vector<128x1024xbf16>, vector<1000x1024xf32> -> vector<1000x1024xf32>
    %get3A_43 = arith.constant 0 : index
    %get3A_44 = arith.constant 0 : index
    %get3A_45 = vector.load %arg8[%get3A_43, %get3A_44] : memref<1x1024xf32, #tpu.memory_space<vmem>>, vector<1x1024xf32>
    %add3A_46 = vector.broadcast %get3A_45 : vector<1x1024xf32> to vector<1000x1024xf32>
    %add3A_47 = arith.addf %dot_general3A_42, %add3A_46 : vector<1000x1024xf32>
    %max3A_48 = arith.constant 0.000000e+00 : f32
    %max3A_49 = vector.broadcast %max3A_48 : f32 to vector<1000x1024xf32>
    %max3A_50 = arith.maximumf %add3A_47, %max3A_49 : vector<1000x1024xf32>
    %convert_element_type3A_51 = arith.truncf %max3A_50 : vector<1000x1024xf32> to vector<1000x1024xbf16>
    %get3A_52 = arith.constant 0 : index
    %get3A_53 = arith.constant 0 : index
    %get3A_54 = vector.load %arg9[%get3A_52, %get3A_53] : memref<1024x128xbf16, #tpu.memory_space<vmem>>, vector<1024x128xbf16>
    %dot_general3A_55 = arith.constant dense<0.000000e+00> : vector<1000x128xf32>
    %dot_general3A_56 = tpu.matmul %convert_element_type3A_51, %get3A_54, %dot_general3A_55 {dimension_numbers = #tpu.dot_dimension_numbers<[1], [0], [0], [1], [0, 0, 1, 1], [], []>, transpose_lhs_hint = false} : vector<1000x1024xbf16>, vector<1024x128xbf16>, vector<1000x128xf32> -> vector<1000x128xf32>
    %mul3A_57 = arith.mulf %dot_general3A_56, %get3A_1 : vector<1000x128xf32>
    %swap3A_58 = arith.constant 0 : index
    %swap3A_59 = arith.constant 0 : index
    %swap3A_60 = vector.load %arg11[%swap3A_58, %swap3A_59] : memref<1000x128xf32, #tpu.memory_space<vmem>>, vector<1000x128xf32>
    tpu.vector_store %arg11[%swap3A_58, %swap3A_59], %mul3A_57 {strides = array<i32>} : memref<1000x128xf32, #tpu.memory_space<vmem>>, vector<1000x128xf32>,
    return
  }
  func.func @transform_0(%arg0: i32) -> (i32, i32) {
    %c0_i32 = arith.constant 0 : i32
    %c0_i32_0 = arith.constant 0 : i32
    return %arg0, %c0_i32 : i32, i32
  }
  func.func @transform_1(%arg0: i32) -> (i32, i32, i32, i32) {
    %c0_i32 = arith.constant 0 : i32
    %c0_i32_0 = arith.constant 0 : i32
    %c0_i32_1 = arith.constant 0 : i32
    %c0_i32_2 = arith.constant 0 : i32
    return %c0_i32, %c0_i32_0, %arg0, %c0_i32_1 : i32, i32, i32, i32
  }
  func.func @transform_2(%arg0: i32) -> (i32, i32) {
    %c0_i32 = arith.constant 0 : i32
    %c0_i32_0 = arith.constant 0 : i32
    return %arg0, %c0_i32 : i32, i32
  }
  func.func @transform_3(%arg0: i32) -> (i32, i32) {
    %c0_i32 = arith.constant 0 : i32
    %c0_i32_0 = arith.constant 0 : i32
    %c0_i32_1 = arith.constant 0 : i32
    return %c0_i32, %c0_i32_0 : i32, i32
  }
  func.func @transform_4(%arg0: i32) -> (i32, i32) {
    %c0_i32 = arith.constant 0 : i32
    %c0_i32_0 = arith.constant 0 : i32
    %c0_i32_1 = arith.constant 0 : i32
    return %c0_i32, %c0_i32_0 : i32, i32
  }
  func.func @transform_5(%arg0: i32) -> (i32, i32) {
    %c0_i32 = arith.constant 0 : i32
    %c0_i32_0 = arith.constant 0 : i32
    %c0_i32_1 = arith.constant 0 : i32
    return %c0_i32, %c0_i32_0 : i32, i32
  }
  func.func @transform_6(%arg0: i32) -> (i32, i32) {
    %c0_i32 = arith.constant 0 : i32
    %c0_i32_0 = arith.constant 0 : i32
    %c0_i32_1 = arith.constant 0 : i32
    return %c0_i32, %c0_i32_0 : i32, i32
  }
  func.func @transform_7(%arg0: i32) -> (i32, i32) {
    %c0_i32 = arith.constant 0 : i32
    %c0_i32_0 = arith.constant 0 : i32
    %c0_i32_1 = arith.constant 0 : i32
    return %c0_i32, %c0_i32_0 : i32, i32
  }
  func.func @transform_8(%arg0: i32) -> (i32, i32) {
    %c0_i32 = arith.constant 0 : i32
    %c0_i32_0 = arith.constant 0 : i32
    %c0_i32_1 = arith.constant 0 : i32
    return %c0_i32, %c0_i32_0 : i32, i32
  }
  func.func @transform_9(%arg0: i32) -> (i32, i32) {
    %c0_i32 = arith.constant 0 : i32
    %c0_i32_0 = arith.constant 0 : i32
    return %arg0, %c0_i32 : i32, i32
  }
  func.func @transform_10(%arg0: i32) -> (i32, i32) {
    %c0_i32 = arith.constant 0 : i32
    %c0_i32_0 = arith.constant 0 : i32
    return %arg0, %c0_i32 : i32, i32
  }
}

module attributes {stable_mosaic.version = 14 : i64} {
  func.func @body(%arg0: i32, %arg1: memref<2x2x1000x128xf32, #tpu.memory_space<vmem>>, %arg2: memref<1000x128xf32, #tpu.memory_space<vmem>>, %arg3: memref<1000x128xf32, #tpu.memory_space<vmem>>, %arg4: memref<1000x128xf32, #tpu.memory_space<vmem>>, %arg5: memref<1x128xf32, #tpu.memory_space<vmem>>, %arg6: memref<1x128xf32, #tpu.memory_space<vmem>>, %arg7: memref<1000x256xf32, #tpu.memory_space<vmem>>) attributes {dimension_semantics = [#tpu.dimension_semantics<arbitrary>], iteration_bounds = array<i64: 10>, scalar_prefetch = 0 : i64, scratch_operands = 0 : i64, tpu.core_type = #tpu.core_type<tc>, window_params = [{transform_indices = @transform_0, window_bounds = array<i64: 2, 2, 1000, 128>}, {transform_indices = @transform_1, window_bounds = array<i64: 1000, 128>}, {transform_indices = @transform_2, window_bounds = array<i64: 1000, 128>}, {transform_indices = @transform_3, window_bounds = array<i64: 1000, 128>}, {pipeline_mode = #tpu.pipeline_mode<synchronous>, transform_indices = @transform_4, window_bounds = array<i64: 1, 128>}, {pipeline_mode = #tpu.pipeline_mode<synchronous>, transform_indices = @transform_5, window_bounds = array<i64: 1, 128>}, {transform_indices = @transform_6, window_bounds = array<i64: 1000, 256>}]} {
    %get3A = arith.constant 0 : index
    %get3A_0 = arith.constant 0 : index
    %get3A_1 = vector.load %arg4[%get3A, %get3A_0] : memref<1000x128xf32, #tpu.memory_space<vmem>>, vector<1000x128xf32>
    %get3A_2 = arith.constant 0 : index
    %get3A_3 = arith.constant 0 : index
    %get3A_4 = arith.constant 0 : index
    %get3A_5 = arith.constant 0 : index
    %get3A_6 = vector.load %arg1[%get3A_2, %get3A_3, %get3A_4, %get3A_5] : memref<2x2x1000x128xf32, #tpu.memory_space<vmem>>, vector<1x1x1000x128xf32>
    %get3A_7 = vector.shape_cast %get3A_6 : vector<1x1x1000x128xf32> to vector<1000x128xf32>
    %get3A_8 = arith.constant 1 : index
    %get3A_9 = arith.constant 0 : index
    %get3A_10 = arith.constant 0 : index
    %get3A_11 = arith.constant 0 : index
    %get3A_12 = vector.load %arg1[%get3A_8, %get3A_9, %get3A_10, %get3A_11] : memref<2x2x1000x128xf32, #tpu.memory_space<vmem>>, vector<1x1x1000x128xf32>
    %get3A_13 = vector.shape_cast %get3A_12 : vector<1x1x1000x128xf32> to vector<1000x128xf32>
    %add3A = arith.addf %get3A_7, %get3A_13 : vector<1000x128xf32>
    %get3A_14 = arith.constant 0 : index
    %get3A_15 = arith.constant 0 : index
    %get3A_16 = vector.load %arg2[%get3A_14, %get3A_15] : memref<1000x128xf32, #tpu.memory_space<vmem>>, vector<1000x128xf32>
    %add3A_17 = arith.addf %add3A, %get3A_16 : vector<1000x128xf32>
    %mul3A = arith.mulf %get3A_1, %add3A_17 : vector<1000x128xf32>
    %get3A_18 = arith.constant 0 : index
    %get3A_19 = arith.constant 0 : index
    %get3A_20 = vector.load %arg5[%get3A_18, %get3A_19] : memref<1x128xf32, #tpu.memory_space<vmem>>, vector<1x128xf32>
    %add3A_21 = vector.broadcast %get3A_20 : vector<1x128xf32> to vector<1000x128xf32>
    %add3A_22 = arith.addf %mul3A, %add3A_21 : vector<1000x128xf32>
    %reduce_max3A = arith.constant dense<0xFF800000> : vector<1000xf32>
    %reduce_max3A_23 = vector.multi_reduction <maximumf>, %add3A_22, %reduce_max3A [1] : vector<1000x128xf32> to vector<1000xf32>
    %broadcast_in_dim3A = vector.shape_cast %reduce_max3A_23 : vector<1000xf32> to vector<1000x1xf32>
    %sub3A = vector.broadcast %broadcast_in_dim3A : vector<1000x1xf32> to vector<1000x128xf32>
    %sub3A_24 = arith.subf %add3A_22, %sub3A : vector<1000x128xf32>
    %exp3A = math.exp %sub3A_24 : vector<1000x128xf32>
    %reduce_sum3A = arith.constant dense<0.000000e+00> : vector<1000xf32>
    %reduce_sum3A_25 = vector.multi_reduction <add>, %exp3A, %reduce_sum3A [1] : vector<1000x128xf32> to vector<1000xf32>
    %broadcast_in_dim3A_26 = vector.shape_cast %reduce_sum3A_25 : vector<1000xf32> to vector<1000x1xf32>
    %div3A = vector.broadcast %broadcast_in_dim3A_26 : vector<1000x1xf32> to vector<1000x128xf32>
    %div3A_27 = arith.divf %exp3A, %div3A : vector<1000x128xf32>
    %get3A_28 = arith.constant 0 : index
    %get3A_29 = arith.constant 1 : index
    %get3A_30 = arith.constant 0 : index
    %get3A_31 = arith.constant 0 : index
    %get3A_32 = vector.load %arg1[%get3A_28, %get3A_29, %get3A_30, %get3A_31] : memref<2x2x1000x128xf32, #tpu.memory_space<vmem>>, vector<1x1x1000x128xf32>
    %get3A_33 = vector.shape_cast %get3A_32 : vector<1x1x1000x128xf32> to vector<1000x128xf32>
    %get3A_34 = arith.constant 1 : index
    %get3A_35 = arith.constant 1 : index
    %get3A_36 = arith.constant 0 : index
    %get3A_37 = arith.constant 0 : index
    %get3A_38 = vector.load %arg1[%get3A_34, %get3A_35, %get3A_36, %get3A_37] : memref<2x2x1000x128xf32, #tpu.memory_space<vmem>>, vector<1x1x1000x128xf32>
    %get3A_39 = vector.shape_cast %get3A_38 : vector<1x1x1000x128xf32> to vector<1000x128xf32>
    %add3A_40 = arith.addf %get3A_33, %get3A_39 : vector<1000x128xf32>
    %get3A_41 = arith.constant 0 : index
    %get3A_42 = arith.constant 0 : index
    %get3A_43 = vector.load %arg3[%get3A_41, %get3A_42] : memref<1000x128xf32, #tpu.memory_space<vmem>>, vector<1000x128xf32>
    %add3A_44 = arith.addf %add3A_40, %get3A_43 : vector<1000x128xf32>
    %mul3A_45 = arith.mulf %get3A_1, %add3A_44 : vector<1000x128xf32>
    %get3A_46 = arith.constant 0 : index
    %get3A_47 = arith.constant 0 : index
    %get3A_48 = vector.load %arg6[%get3A_46, %get3A_47] : memref<1x128xf32, #tpu.memory_space<vmem>>, vector<1x128xf32>
    %add3A_49 = vector.broadcast %get3A_48 : vector<1x128xf32> to vector<1000x128xf32>
    %add3A_50 = arith.addf %mul3A_45, %add3A_49 : vector<1000x128xf32>
    %neg3A = arith.constant 0.000000e+00 : f32
    %neg3A_51 = vector.broadcast %neg3A : f32 to vector<1000x128xf32>
    %neg3A_52 = arith.subf %neg3A_51, %add3A_50 : vector<1000x128xf32>
    %exp3A_53 = math.exp %neg3A_52 : vector<1000x128xf32>
    %add3A_54 = arith.constant 1.000000e+00 : f32
    %add3A_55 = vector.broadcast %add3A_54 : f32 to vector<1000x128xf32>
    %add3A_56 = arith.addf %add3A_55, %exp3A_53 : vector<1000x128xf32>
    %div3A_57 = arith.constant 1.000000e+00 : f32
    %div3A_58 = vector.broadcast %div3A_57 : f32 to vector<1000x128xf32>
    %div3A_59 = arith.divf %div3A_58, %add3A_56 : vector<1000x128xf32>
    %concatenate3A = tpu.concatenate %div3A_27, %div3A_59 in 1 : vector<1000x128xf32>, vector<1000x128xf32> -> vector<1000x256xf32>
    %swap3A = arith.constant 0 : index
    %swap3A_60 = arith.constant 0 : index
    %swap3A_61 = vector.load %arg7[%swap3A, %swap3A_60] : memref<1000x256xf32, #tpu.memory_space<vmem>>, vector<1000x256xf32>
    tpu.vector_store %arg7[%swap3A, %swap3A_60], %concatenate3A {strides = array<i32>} : memref<1000x256xf32, #tpu.memory_space<vmem>>, vector<1000x256xf32>,
    return
  }
  func.func @transform_0(%arg0: i32) -> (i32, i32, i32, i32) {
    %c0_i32 = arith.constant 0 : i32
    %c0_i32_0 = arith.constant 0 : i32
    %c0_i32_1 = arith.constant 0 : i32
    %c0_i32_2 = arith.constant 0 : i32
    return %c0_i32, %c0_i32_0, %arg0, %c0_i32_1 : i32, i32, i32, i32
  }
  func.func @transform_1(%arg0: i32) -> (i32, i32) {
    %c0_i32 = arith.constant 0 : i32
    %c0_i32_0 = arith.constant 0 : i32
    return %arg0, %c0_i32 : i32, i32
  }
  func.func @transform_2(%arg0: i32) -> (i32, i32) {
    %c0_i32 = arith.constant 0 : i32
    %c0_i32_0 = arith.constant 0 : i32
    return %arg0, %c0_i32 : i32, i32
  }
  func.func @transform_3(%arg0: i32) -> (i32, i32) {
    %c0_i32 = arith.constant 0 : i32
    %c0_i32_0 = arith.constant 0 : i32
    return %arg0, %c0_i32 : i32, i32
  }
  func.func @transform_4(%arg0: i32) -> (i32, i32) {
    %c0_i32 = arith.constant 0 : i32
    %c0_i32_0 = arith.constant 0 : i32
    %c0_i32_1 = arith.constant 0 : i32
    return %c0_i32, %c0_i32_0 : i32, i32
  }
  func.func @transform_5(%arg0: i32) -> (i32, i32) {
    %c0_i32 = arith.constant 0 : i32
    %c0_i32_0 = arith.constant 0 : i32
    %c0_i32_1 = arith.constant 0 : i32
    return %c0_i32, %c0_i32_0 : i32, i32
  }
  func.func @transform_6(%arg0: i32) -> (i32, i32) {
    %c0_i32 = arith.constant 0 : i32
    %c0_i32_0 = arith.constant 0 : i32
    return %arg0, %c0_i32 : i32, i32
  }
}

module attributes {stable_mosaic.version = 14 : i64} {
  func.func @body(%arg0: i32, %arg1: memref<512x256xf32, #tpu.memory_space<vmem>>, %arg2: memref<512x256xf32, #tpu.memory_space<vmem>>, %arg3: memref<1x128xf32, #tpu.memory_space<vmem>>, %arg4: memref<512x128xf32, #tpu.memory_space<vmem>>, %arg5: memref<512x128xf32, #tpu.memory_space<vmem>>, %arg6: memref<1x128xf32, #tpu.memory_space<vmem>>) attributes {dimension_semantics = [#tpu.dimension_semantics<arbitrary>], iteration_bounds = array<i64: 16>, scalar_prefetch = 0 : i64, scratch_operands = 0 : i64, tpu.core_type = #tpu.core_type<tc>, window_params = [{transform_indices = @transform_0, window_bounds = array<i64: 512, 256>}, {transform_indices = @transform_1, window_bounds = array<i64: 512, 256>}, {pipeline_mode = #tpu.pipeline_mode<synchronous>, transform_indices = @transform_2, window_bounds = array<i64: 1, 128>}, {transform_indices = @transform_3, window_bounds = array<i64: 512, 128>}, {transform_indices = @transform_4, window_bounds = array<i64: 512, 128>}, {pipeline_mode = #tpu.pipeline_mode<synchronous>, transform_indices = @transform_5, window_bounds = array<i64: 1, 128>}]} {
    %get3A = arith.constant 0 : index
    %get3A_0 = arith.constant 0 : index
    %get3A_1 = vector.load %arg3[%get3A, %get3A_0] : memref<1x128xf32, #tpu.memory_space<vmem>>, vector<1x128xf32>
    %mul3A = arith.constant 2.000000e+00 : f32
    %mul3A_2 = vector.broadcast %mul3A : f32 to vector<1x128xf32>
    %mul3A_3 = arith.mulf %mul3A_2, %get3A_1 : vector<1x128xf32>
    %exp3A = math.exp %mul3A_3 : vector<1x128xf32>
    %sub3A = arith.constant 1.000000e+00 : f32
    %sub3A_4 = vector.broadcast %sub3A : f32 to vector<1x128xf32>
    %sub3A_5 = arith.subf %exp3A, %sub3A_4 : vector<1x128xf32>
    %add3A = arith.constant 1.000000e+00 : f32
    %add3A_6 = vector.broadcast %add3A : f32 to vector<1x128xf32>
    %add3A_7 = arith.addf %exp3A, %add3A_6 : vector<1x128xf32>
    %div3A = arith.divf %sub3A_5, %add3A_7 : vector<1x128xf32>
    %abs3A = math.absf %div3A : vector<1x128xf32>
    %get3A_8 = arith.constant 0 : index
    %get3A_9 = arith.constant 0 : index
    %get3A_10 = vector.load %arg1[%get3A_8, %get3A_9] : memref<512x256xf32, #tpu.memory_space<vmem>>, vector<512x128xf32>
    %get3A_11 = arith.constant 0 : index
    %get3A_12 = arith.constant 128 : index
    %get3A_13 = vector.load %arg1[%get3A_11, %get3A_12] : memref<512x256xf32, #tpu.memory_space<vmem>>, vector<512x128xf32>
    %get3A_14 = arith.constant 0 : index
    %get3A_15 = arith.constant 0 : index
    %get3A_16 = vector.load %arg2[%get3A_14, %get3A_15] : memref<512x256xf32, #tpu.memory_space<vmem>>, vector<512x128xf32>
    %get3A_17 = arith.constant 0 : index
    %get3A_18 = arith.constant 128 : index
    %get3A_19 = vector.load %arg2[%get3A_17, %get3A_18] : memref<512x256xf32, #tpu.memory_space<vmem>>, vector<512x128xf32>
    %mul3A_20 = vector.broadcast %abs3A : vector<1x128xf32> to vector<512x128xf32>
    %mul3A_21 = arith.mulf %mul3A_20, %get3A_10 : vector<512x128xf32>
    %mul3A_22 = arith.mulf %mul3A_21, %get3A_16 : vector<512x128xf32>
    %sub3A_23 = arith.constant 1.000000e+00 : f32
    %sub3A_24 = vector.broadcast %sub3A_23 : f32 to vector<1x128xf32>
    %sub3A_25 = arith.subf %sub3A_24, %abs3A : vector<1x128xf32>
    %mul3A_26 = vector.broadcast %sub3A_25 : vector<1x128xf32> to vector<512x128xf32>
    %mul3A_27 = arith.mulf %mul3A_26, %get3A_13 : vector<512x128xf32>
    %mul3A_28 = arith.mulf %mul3A_27, %get3A_19 : vector<512x128xf32>
    %add3A_29 = arith.addf %mul3A_22, %mul3A_28 : vector<512x128xf32>
    %add3A_30 = arith.constant 1.000000e-10 : f32
    %add3A_31 = vector.broadcast %add3A_30 : f32 to vector<512x128xf32>
    %add3A_32 = arith.addf %add3A_29, %add3A_31 : vector<512x128xf32>
    %add3A_33 = arith.constant 1.000000e+00 : f32
    %add3A_34 = vector.broadcast %add3A_33 : f32 to vector<1x128xf32>
    %add3A_35 = arith.addf %add3A_34, %abs3A : vector<1x128xf32>
    %reduce_sum3A = vector.shape_cast %add3A_35 : vector<1x128xf32> to vector<1x1x128xf32>
    %reduce_sum3A_36 = arith.constant dense<0.000000e+00> : vector<1xf32>
    %reduce_sum3A_37 = vector.multi_reduction <add>, %reduce_sum3A, %reduce_sum3A_36 [1, 2] : vector<1x1x128xf32> to vector<1xf32>
    %reduce_sum3A_38 = vector.shape_cast %reduce_sum3A_37 : vector<1xf32> to vector<1x1x1xf32>
    %reduce_sum3A_39 = vector.extract %reduce_sum3A_38[0, 0, 0] : f32 from vector<1x1x1xf32>
    %div3A_40 = vector.broadcast %reduce_sum3A_39 : f32 to vector<1x128xf32>
    %div3A_41 = arith.divf %add3A_35, %div3A_40 : vector<1x128xf32>
    %mul3A_42 = vector.broadcast %div3A_41 : vector<1x128xf32> to vector<512x128xf32>
    %mul3A_43 = arith.mulf %add3A_32, %mul3A_42 : vector<512x128xf32>
    %reduce_sum3A_44 = arith.constant dense<0.000000e+00> : vector<512xf32>
    %reduce_sum3A_45 = vector.multi_reduction <add>, %mul3A_43, %reduce_sum3A_44 [1] : vector<512x128xf32> to vector<512xf32>
    %broadcast_in_dim3A = vector.shape_cast %reduce_sum3A_45 : vector<512xf32> to vector<512x1xf32>
    %div3A_46 = vector.broadcast %broadcast_in_dim3A : vector<512x1xf32> to vector<512x128xf32>
    %div3A_47 = arith.divf %mul3A_43, %div3A_46 : vector<512x128xf32>
    %swap3A = arith.constant 0 : index
    %swap3A_48 = arith.constant 0 : index
    %swap3A_49 = vector.load %arg4[%swap3A, %swap3A_48] : memref<512x128xf32, #tpu.memory_space<vmem>>, vector<512x128xf32>
    tpu.vector_store %arg4[%swap3A, %swap3A_48], %div3A_47 {strides = array<i32>} : memref<512x128xf32, #tpu.memory_space<vmem>>, vector<512x128xf32>,
    %swap3A_50 = arith.constant 0 : index
    %swap3A_51 = arith.constant 0 : index
    %swap3A_52 = vector.load %arg5[%swap3A_50, %swap3A_51] : memref<512x128xf32, #tpu.memory_space<vmem>>, vector<512x128xf32>
    tpu.vector_store %arg5[%swap3A_50, %swap3A_51], %add3A_32 {strides = array<i32>} : memref<512x128xf32, #tpu.memory_space<vmem>>, vector<512x128xf32>,
    %swap3A_53 = arith.constant 0 : index
    %swap3A_54 = arith.constant 0 : index
    %swap3A_55 = vector.load %arg6[%swap3A_53, %swap3A_54] : memref<1x128xf32, #tpu.memory_space<vmem>>, vector<1x128xf32>
    tpu.vector_store %arg6[%swap3A_53, %swap3A_54], %div3A {strides = array<i32>} : memref<1x128xf32, #tpu.memory_space<vmem>>, vector<1x128xf32>,
    return
  }
  func.func @transform_0(%arg0: i32) -> (i32, i32) {
    %c0_i32 = arith.constant 0 : i32
    %c0_i32_0 = arith.constant 0 : i32
    return %arg0, %c0_i32 : i32, i32
  }
  func.func @transform_1(%arg0: i32) -> (i32, i32) {
    %c0_i32 = arith.constant 0 : i32
    %c0_i32_0 = arith.constant 0 : i32
    return %arg0, %c0_i32 : i32, i32
  }
  func.func @transform_2(%arg0: i32) -> (i32, i32) {
    %c0_i32 = arith.constant 0 : i32
    %c0_i32_0 = arith.constant 0 : i32
    %c0_i32_1 = arith.constant 0 : i32
    return %c0_i32, %c0_i32_0 : i32, i32
  }
  func.func @transform_3(%arg0: i32) -> (i32, i32) {
    %c0_i32 = arith.constant 0 : i32
    %c0_i32_0 = arith.constant 0 : i32
    return %arg0, %c0_i32 : i32, i32
  }
  func.func @transform_4(%arg0: i32) -> (i32, i32) {
    %c0_i32 = arith.constant 0 : i32
    %c0_i32_0 = arith.constant 0 : i32
    return %arg0, %c0_i32 : i32, i32
  }
  func.func @transform_5(%arg0: i32) -> (i32, i32) {
    %c0_i32 = arith.constant 0 : i32
    %c0_i32_0 = arith.constant 0 : i32
    %c0_i32_1 = arith.constant 0 : i32
    return %c0_i32, %c0_i32_0 : i32, i32
  }
}

</mosaic_0001>

<sc_bundles>
// kernel: kernel.10.cloned.1.call-start
scs
__scs_entry_jumppad:
0x0: {  	(pc) =	sbr.rel $0x88, $3  }
0x1: {  	(tag) =	ssettag $0x0;
	lr =	simm.s32 $0x1  }
0x2: {  	[smem:$0x3F94] =	sst lr;
	_ =	strace $0xD0000000  }
0x3: {  	_ = 	snop  }
0x4: {  	_ = 	snop  }
0x5: {  	_ = 	snop  }
0x6: {  	_ = 	snop  }
0x7: {  	_ = 	snop  }
__scs_overlays_trampoline_lowered:
0x8: {  	[smem:$0x3FA3] =	sst s0  }
0x9: {  	[smem:$0x3FA4] =	sst s1  }
0xa: {  	[smem:$0x3FA5] =	sst s2  }
0xb: {  	[smem:$0x3FA6] =	sst s3  }
0xc: {  	[smem:$0x3FA7] =	sst s4  }
0xd: {  	[smem:$0x3FA8] =	sst s5  }
0xe: {  	[smem:$0x3FA9] =	sst s6  }
0xf: {  	[smem:$0x3FAA] =	sst s7  }
0x10: {  	[smem:$0x3FAB] =	sst s8  }
0x11: {  	[smem:$0x3FAC] =	sst s9;
	s0 =	simm.s32 @!p0 $0x0  }
0x12: {  	s1 =	sld [smem:$0x3F92];
	s0 =	simm.s32 @p0 $0x1  }
0x13: {  	[smem:$0x3FAD] =	sst s0;
	s0 =	simm.s32 @!p1 $0x0  }
0x14: {  	s2 =	sld [smem:$0x3F91];
	s0 =	simm.s32 @p1 $0x1  }
0x15: {  	[smem:$0x3FAE] =	sst s0;
	s0 =	simm.s32 @!p2 $0x0  }
0x16: {  	s3 =	sld [smem:$0x3FDB];
	s0 =	simm.s32 @p2 $0x1  }
0x17: {  	s4 =	simm.s32 $0x1BF5;
	[smem:$0x3FB0] =	sst s0  }
0x18: {  	s0 =	sld [smem:$0x3F93];
	_ =	swait.ge [sflag:s4], $0x0  }
0x19: {  	s7 =	sld [smem:$0x3F94]  }
0x1a: {  	s8 =	sadd.s32 $0xFFFFE003, lr  }
0x1b: {  	s9 =	sadd.s32 $0xFFFFFEF7, lr;
	s5 =	simm.s32 $0xFFFFFFFF;
	p2 =	slt.u32 s8, $0xFFFFF086  }
0x1c: {  	p1 =	slt.u32 s9, $0xF7A;
	s5 =	simm.s32 @!p2 $0x0  }
0x1d: {  	s5 =	simm.s32 @p1 $0x1;
	p0 =	seq.s32 s7, s2  }
0x1e: {  	s7 =	smul.u32 @!p0 $0xF7A, s2;
	p2 =	seq.s32 @!p0 s5, $0x0  }
0x1f: {  	s9 =	smul.u32 $0xF7A, s1;
	s8 =	simm.s32 @!p0 $0x1BF5;
	p2 =	por !p2, p0  }
0x20: {  	[sflag:s8] =	ssyncset.s32 @!p0 $0xFFFFF086;
	s6 =	sadd.s32 @!p0 s3, s7;
	s7 =	simm.s32 @!p0 $0x108  }
0x21: {  	s3 =	sadd.s32 s3, s9;
	s6 =	sadd.s32 @!p0 $0x88, s6;
	s7 =	simm.s32 @p2 $0x1082  }
0x22: {  	[simem:s7], [sflag:s8] =	dma.local @!p0 [hbm:s6], $0xF7A  }
0x23: {  	s9 =	sor.u32 $0xD0000000, s2;
	s6 =	simm.s32 $0x108;
	_ =	swait.ge @!p0 [sflag:s8], $0x0  }
0x24: {  	s3 =	sadd.s32 $0x88, s3;
	s6 =	simm.s32 @!p1 $0x1082;
	[sflag:s4] =	ssyncset.s32 $0xFFFFF086  }
0x25: {  	[simem:s6], [sflag:s4] =	dma.local [hbm:s3], $0xF7A  }
0x26: {  	[smem:$0x3F94] =	sst s1;
	(tag) =	ssettag s2;
	_ =	strace s9  }
0x27: {  	s1 =	sld [smem:$0x3FA4]  }
0x28: {  	s2 =	sld [smem:$0x3FA5]  }
0x29: {  	s4 =	sld [smem:$0x3FA7]  }
0x2a: {  	p0 =	seq.s32 s5, $0x0;
	s5 =	sld [smem:$0x3FA8]  }
0x2b: {  	s6 =	sld [smem:$0x3FA9]  }
0x2c: {  	s7 =	sld [smem:$0x3FAA]  }
0x2d: {  	s3 =	simm.s32 $0x108;
	s8 =	sld [smem:$0x3FAB]  }
0x2e: {  	s3 =	simm.s32 @!p0 $0x1082;
	s9 =	sld [smem:$0x3FAC]  }
0x2f: {  	lr =	sadd.s32 s0, s3;
	s0 =	sld [smem:$0x3FA3]  }
0x30: {  	s3 =	sld [smem:$0x3FA6]  }
0x31: {  	[smem:$0x3FAF] =	sst s10  }
0x32: {  	s10 =	sld [smem:$0x3FAD];
	_ =	sdelay $0x3  }
0x33: {  	p0 =	seq.s32 s10, $0x1;
	s10 =	sld [smem:$0x3FAF];
	_ =	sdelay $0x3  }
0x34: {  	[smem:$0x3FAF] =	sst s10  }
0x35: {  	s10 =	sld [smem:$0x3FAE];
	_ =	sdelay $0x3  }
0x36: {  	p1 =	seq.s32 s10, $0x1;
	s10 =	sld [smem:$0x3FAF];
	_ =	sdelay $0x3  }
0x37: {  	[smem:$0x3FAF] =	sst s10  }
0x38: {  	s10 =	sld [smem:$0x3FB0]  }
0x39: {  	_ = 	snop;
	(pc) =	sbr.ind lr, $3  }
0x3a: {  	_ = 	snop  }
0x3b: {  	_ = 	snop  }
0x3c: {  	p2 =	seq.s32 s10, $0x1;
	s10 =	sld [smem:$0x3FAF]  }
0x3d: {  	_ =	shalt  }
0x3e: {  	_ =	shalt  }
0x3f: {  	_ =	shalt  }
0x40: {  	_ =	shalt  }
0x41: {  	_ =	shalt  }
0x42: {  	_ =	shalt  }
0x43: {  	_ =	shalt  }
0x44: {  	_ =	shalt  }
0x45: {  	_ =	shalt  }
0x46: {  	_ =	shalt  }
0x47: {  	_ =	shalt  }
0x48: {  	_ =	shalt  }
0x49: {  	_ =	shalt  }
0x4a: {  	_ =	shalt  }
0x4b: {  	_ =	shalt  }
0x4c: {  	_ =	shalt  }
0x4d: {  	_ =	shalt  }
0x4e: {  	_ =	shalt  }
0x4f: {  	_ =	shalt  }
0x50: {  	_ =	shalt  }
0x51: {  	_ =	shalt  }
0x52: {  	_ =	shalt  }
0x53: {  	_ =	shalt  }
0x54: {  	_ =	shalt  }
0x55: {  	_ =	shalt  }
0x56: {  	_ =	shalt  }
0x57: {  	_ =	shalt  }
0x58: {  	_ =	shalt  }
0x59: {  	_ =	shalt  }
0x5a: {  	_ =	shalt  }
0x5b: {  	_ =	shalt  }
0x5c: {  	_ =	shalt  }
0x5d: {  	_ =	shalt  }
0x5e: {  	_ =	shalt  }
0x5f: {  	_ =	shalt  }
0x60: {  	_ =	shalt  }
0x61: {  	_ =	shalt  }
0x62: {  	_ =	shalt  }
0x63: {  	_ =	shalt  }
0x64: {  	_ =	shalt  }
0x65: {  	_ =	shalt  }
0x66: {  	_ =	shalt  }
0x67: {  	_ =	shalt  }
0x68: {  	_ =	shalt  }
0x69: {  	_ =	shalt  }
0x6a: {  	_ =	shalt  }
0x6b: {  	_ =	shalt  }
0x6c: {  	_ =	shalt  }
0x6d: {  	_ =	shalt  }
0x6e: {  	_ =	shalt  }
0x6f: {  	_ =	shalt  }
0x70: {  	_ =	shalt  }
0x71: {  	_ =	shalt  }
0x72: {  	_ =	shalt  }
0x73: {  	_ =	shalt  }
0x74: {  	_ =	shalt  }
0x75: {  	_ =	shalt  }
0x76: {  	_ =	shalt  }
0x77: {  	_ =	shalt  }
0x78: {  	_ =	shalt  }
0x79: {  	_ =	shalt  }
0x7a: {  	_ =	shalt  }
0x7b: {  	_ =	shalt  }
0x7c: {  	_ =	shalt  }
0x7d: {  	_ =	shalt  }
0x7e: {  	_ =	shalt  }
0x7f: {  	_ =	shalt  }
0x80: {  	_ =	shalt  }
0x81: {  	_ =	shalt  }
0x82: {  	_ =	shalt  }
0x83: {  	_ =	shalt  }
0x84: {  	_ =	shalt  }
0x85: {  	_ =	shalt  }
0x86: {  	_ =	shalt  }
0x87: {  	_ =	shalt  }
.Lfunc_end0:
.L_simem_size_0:
called_computation_lowered:
.L_overlay_start_0:
0x88: {  	s2 =	sld [smem:$0x3FD9]  }
0x89: {  	s3 =	sld [smem:$0x3FFE];
	_ =	sdelay $0x1  }
0x8a: {  	s1 =	srdreg.scid  }
0x8b: {  	s0 =	sand.u32 $0x1, s1  }
0x8c: {  	s14 =	sshll.u32 s0, $0xA;
	s2 =	sadd.s32 s3, s2  }
0x8d: {  	s2 =	sadd.s32 s2, s14  }
0x8e: {  	[smem:$0x3FBB] =	sst s2  }
0x8f: {  	_ = 	snop  }
0x90: {  	s2 =	sld [smem:$0x3FD0];
	_ =	sdelay $0x2  }
0x91: {  	s15 =	simm.s32 $0xA;
	s4 =	simm.s32 $0x10  }
0x92: {  	[smem:s4], [sflag:s15] =	dma.local [hbm:s2], $0x1  }
0x93: {  	_ =	swait.eq [sflag:s15], $0x1  }
0x94: {  	[sflag:s15] =	ssyncset.done $0x0  }
0x95: {  	[sflag:s15] =	ssyncadd.s32 $0xFFFFFFFF  }
0x96: {  	s16 =	sld [smem:$0x11];
	(tm) =	ssettm $0x1  }
0x97: {  	s17 =	sld [smem:$0x3FFB];
	_ =	sdelay $0x3  }
0x98: {  	_ =	strace s17  }
0x99: {  	s3 =	sld [smem:$0x3FFC];
	_ =	sdelay $0x3  }
0x9a: {  	_ =	strace s3  }
0x9b: {  	s3 =	sld [smem:$0x3FFD];
	_ =	sdelay $0x3  }
0x9c: {  	_ =	strace s3  }
0x9d: {  	_ =	strace $0x8FFFFFFF  }
0x9e: {  	s18 =	sld [smem:$0x3FDB];
	_ =	sdelay $0x1  }
0x9f: {  	s19 =	simm.s32 $_scs_section_size  }
0xa0: {  	s5 =	simm.s32 $_size__tile_overlayer_lowered;
	s6 =	simm.s32 $_tile_overlayer_lowered  }
0xa1: {  	s22 =	simm.s32 $0x1BFF;
	s21 =	sshll.u32 s6, $0x1;
	s3 =	sadd.s32 s19, s18  }
0xa2: {  	s7 =	simm.s32 $0x0;
	s20 =	sshll.u32 s5, $0x1;
	s5 =	sadd.s32 s21, s3  }
0xa3: {  	[timem:s7], [sflag:s22] =	dma.local [hbm:s5], s20  }
0xa4: {  	_ =	swait.ge [sflag:s22], s20  }
0xa5: {  	s4 =	ssub.s32 $0x0, s20;
	[sflag:s22] =	ssyncset.done $0x0  }
0xa6: {  	[sflag:s22] =	ssyncadd.s32 s4;
	_ =	sdelay $0x1  }
0xa7: {  	s23 =	simm.s32 $0x1B8B  }
0xa8: {  	_ =	swait.ge [sflag:s23], $0x1  }
0xa9: {  	[sflag:s23] =	ssyncset.done $0x0  }
0xaa: {  	s25 =	simm.s32 $0x1B8E;
	s24 =	sld [smem:$0x3FFE];
	[sflag:s23] =	ssyncadd.s32 $0xFFFFFFFF  }
0xab: {  	s26 =	simm.s32 $execute0_lowered;
	[smem:$0x3FD2] =	sst s25  }
0xac: {  	s5 =	sshll.u32 s26, $0x1;
	_ =	strace $0x80000046;
	[dreg:$0x1] =	wrdreg $0xFFFFFFFF  }
0xad: {  	s28 =	simm.s32 $_size_execute0_lowered;
	s3 =	sadd.s32 s3, s5;
	[dreg:$0x0] =	wrdreg $0x0  }
0xae: {  	s5 =	sshll.u32 s28, $0x1;
	[dreg:$0x2] =	wrdreg s3  }
0xaf: {  	[dreg:$0x3] =	wrdreg s5  }
0xb0: {  	[dreg:$0x4] =	wrdreg $0xC0  }
0xb1: {  	_ =	task [dreg:s7], $0x5FFFF  }
0xb2: {  	[dreg:$0x1] =	wrdreg $0xFFFFFFFF  }
0xb3: {  	[dreg:$0x0] =	wrdreg $0x60  }
0xb4: {  	[dreg:$0x2] =	wrdreg s16  }
0xb5: {  	[dreg:$0x3] =	wrdreg s24  }
0xb6: {  	[dreg:$0x4] =	wrdreg $0x54000  }
0xb7: {  	[dreg:$0x5] =	wrdreg $0x9  }
0xb8: {  	_ =	task.clear_ibuf [dreg:s7], $0x6FFFF;
	_ =	strace $0x90000046  }
0xb9: {  	s29 =	simm.s32 $0x9;
	_ =	strace $0x80000048  }
0xba: {  	_ =	swait.ge [sflag:s29], $0x1  }
0xbb: {  	[sflag:s29] =	ssyncadd.s32 $0xFFFFFFFF  }
0xbc: {  	_ =	strace $0x90000048  }
0xbd: {  	_ =	sfence  }
0xbe: {  	s30 =	sld [smem:$0x0];
	_ =	sdelay $0x2  }
0xbf: {  	s31 =	sshll.u32 s1, $0xD;
	s1 =	sshrl.u32 s1, $0x2  }
0xc0: {  	s3 =	sand.u32 $0x4000, s31;
	s1 =	sadd.s32 s1, s30  }
0xc1: {  	s0 =	sor.u32 s3, s0;
	s1 =	sshll.u32 s1, $0x11  }
0xc2: {  	s0 =	sor.u32 s1, s0  }
0xc3: {  	s0 =	sadd.s32 $0x8F2B, s0  }
0xc4: {  	[sflag:s0] =	ssyncadd.remote.s32 $0x1  }
0xc5: {  	_ =	sfence.sel $0xFFFF  }
0xc6: {  	[dreg:$0x0] =	wrdreg $0xFFFFFFFF;
	(pc) =	sbr.abs _section_cstart, $3  }
0xc7: {  	[dreg:$0x1] =	wrdreg $0xFFFFFFFF  }
0xc8: {  	_ =	task.clear_ibuf [dreg:s7], $0x2FFFF;
	_ =	strace $0x9FFFFFFF  }
0xc9: {  	(tm) =	ssettm $0x7FFFFFFF  }
tec
execute0_lowered:
.L_overlay_start_1:
0x0: {  	(tag) =	ssettag $0x1  }
0x1: {  	s0 =	rddreg [dreg:$0x0]  }
0x2: {  	s2 =	rddreg [dreg:$0x1]  }
0x3: {  	s1 =	rddreg [dreg:$0x2];
	s3 =	simm.s32 $0x0  }
0x4: {  	s4 =	srdreg.scid;
	s11 =	stileid.u32;
	s13 =	simm.s32 $0x80  }
0x5: {  	s17 =	simm.s32 $0xC00;
	s18 =	simm.s32 $0xC80;
	s19 =	simm.s32 $0xD00  }
0x6: {  	s20 =	simm.s32 $0xD80;
	s21 =	simm.s32 $0xE00;
	s28 =	simm.s32 $0x1100  }
0x7: {  	s29 =	simm.s32 $0x1180;
	s30 =	simm.s32 $0x1200;
	s31 =	simm.s32 $0x1280  }
0x8: {  	s14 =	simm.s32 $0x1;
	s15 =	simm.s32 $0x0;
	[smem:$0x7FF] =	sst s3  }
0x9: {  	s6 =	sand.u32 $0x1, s4;
	s8 =	smul.u32 $0x14000, s11;
	s4 =	sadd.s32 $0x4200, s2  }
0xa: {  	s5 =	sadd.s32 $0x4A00, s2;
	s23 =	smul.u32 $0x50000, s11;
	s26 =	sshll.u32 s11, $0x6  }
0xb: {  	s7 =	smul.u32 $0x140000, s6;
	s9 =	sshll.u32 s6, $0x4;
	s6 =	ssub.s32 $0x2, s6  }
0xc: {  	_ =	strace $0x80000047;
	s22 =	sor.u32 s11, s9;
	s24 =	sshrl.u32 s6, $0x1  }
0xd: {  	s9 =	sshrl.u32 s23, $0x2;
	s11 =	sor.u32 $0x1C02, s26;
	s23 =	simm.s32 $0xF00  }
0xe: {  	s26 =	simm.s32 $0x1080;
	s7 =	sadd.s32 s8, s7;
	s8 =	smul.u32 $0x280, s22  }
0xf: {  	s10 =	ssub.s32 s6, s24;
	s25 =	sadd.s32 s9, s1;
	s9 =	simm.s32 $0x2  }
0x10: {  	s22 =	simm.s32 $0xE80;
	s24 =	simm.s32 $0xF80;
	s7 =	sshrl.u32 s7, $0x3  }
0x11: {  	s12 =	sshrl.u32 s25, $0x3;
	s25 =	simm.s32 $0x1000;
	s2 =	sadd.s32 s7, s2  }
0x12: {  	s6 =	sadd.s32 s0, s8;
	s8 =	smax.u32 s10, $0x1;
	s10 =	simm.s32 $0x1400  }
0x13: {  	s0 =	simm.s32 $0x1300;
	s7 =	sadd.s32 $0x7200, s2;
	s2 =	simm.s32 $0x1380  }
.LBB2_1:
0x14: {  	[tilespmem:s3], [sflag:$0x2] =	stream.linear.gather [hbm4b:s6+s3], $0x1400, $0x38;
	[tilespmem:$0x19400] =	vst v63  }
0x15: {  	_ =	swait.ge [sflag:s9], $0x1400  }
0x16: {  	[sflag:s9] =	ssyncset.done $0x0  }
0x17: {  	[sflag:s9] =	ssyncadd.s32 $0xFFFFEC00  }
0x18: {  	[tilespmem:s10], [sflag:$0x2] =	stream.linear.gather [hbm4b:s4+s3], $0x4000, $0x38;
	[tilespmem:$0x19400] =	vst v63  }
0x19: {  	_ =	swait.ge [sflag:s9], $0x4000  }
0x1a: {  	[sflag:s9] =	ssyncset.done $0x0  }
0x1b: {  	[sflag:s9] =	ssyncadd.s32 $0xFFFFC000  }
0x1c: {  	[spmem:s12], [sflag:s11] =	dma.local [hbm:s5], $0x2800  }
0x1d: {  	_ =	swait.ge [sflag:s9], $0x2800  }
0x1e: {  	[sflag:s9] =	ssyncset.done $0x0  }
0x1f: {  	[sflag:s9] =	ssyncadd.s32 $0xFFFFD800  }
0x20: {  	[bflag:$0x0] =	sbarrier.arrive $0xFFFF  }
0x21: {  	[spmem:s1] =	stream.indirect.scatter.add.f32 [tilespmem:s10], [sflag:$0x1], $0x80, s3, s13, $0xb8;
	[tilespmem:$0x19400] =	vst v63  }
0x22: {  	_ = 	snop  }
0x23: {  	[spmem:s1] =	stream.indirect.scatter.add.f32 [tilespmem:s10], [sflag:$0x1], $0x80, s13, s13, $0xb8;
	[tilespmem:$0x19400] =	vst v63  }
0x24: {  	s16 =	simm.s32 $0x100  }
0x25: {  	[spmem:s1] =	stream.indirect.scatter.add.f32 [tilespmem:s10], [sflag:$0x1], $0x80, s16, s13, $0xb8;
	[tilespmem:$0x19400] =	vst v63  }
0x26: {  	s16 =	simm.s32 $0x180  }
0x27: {  	[spmem:s1] =	stream.indirect.scatter.add.f32 [tilespmem:s10], [sflag:$0x1], $0x80, s16, s13, $0xb8;
	[tilespmem:$0x19400] =	vst v63  }
0x28: {  	s16 =	simm.s32 $0x200  }
0x29: {  	[spmem:s1] =	stream.indirect.scatter.add.f32 [tilespmem:s10], [sflag:$0x1], $0x80, s16, s13, $0xb8;
	[tilespmem:$0x19400] =	vst v63  }
0x2a: {  	s16 =	simm.s32 $0x280  }
0x2b: {  	[spmem:s1] =	stream.indirect.scatter.add.f32 [tilespmem:s10], [sflag:$0x1], $0x80, s16, s13, $0xb8;
	[tilespmem:$0x19400] =	vst v63  }
0x2c: {  	s16 =	simm.s32 $0x300  }
0x2d: {  	[spmem:s1] =	stream.indirect.scatter.add.f32 [tilespmem:s10], [sflag:$0x1], $0x80, s16, s13, $0xb8;
	[tilespmem:$0x19400] =	vst v63  }
0x2e: {  	s16 =	simm.s32 $0x380  }
0x2f: {  	[spmem:s1] =	stream.indirect.scatter.add.f32 [tilespmem:s10], [sflag:$0x1], $0x80, s16, s13, $0xb8;
	[tilespmem:$0x19400] =	vst v63  }
0x30: {  	s16 =	simm.s32 $0x400  }
0x31: {  	[spmem:s1] =	stream.indirect.scatter.add.f32 [tilespmem:s10], [sflag:$0x1], $0x80, s16, s13, $0xb8;
	[tilespmem:$0x19400] =	vst v63  }
0x32: {  	s16 =	simm.s32 $0x480  }
0x33: {  	[spmem:s1] =	stream.indirect.scatter.add.f32 [tilespmem:s10], [sflag:$0x1], $0x80, s16, s13, $0xb8;
	[tilespmem:$0x19400] =	vst v63  }
0x34: {  	s16 =	simm.s32 $0x500  }
0x35: {  	[spmem:s1] =	stream.indirect.scatter.add.f32 [tilespmem:s10], [sflag:$0x1], $0x80, s16, s13, $0xb8;
	[tilespmem:$0x19400] =	vst v63  }
0x36: {  	s16 =	simm.s32 $0x580  }
0x37: {  	[spmem:s1] =	stream.indirect.scatter.add.f32 [tilespmem:s10], [sflag:$0x1], $0x80, s16, s13, $0xb8;
	[tilespmem:$0x19400] =	vst v63  }
0x38: {  	s16 =	simm.s32 $0x600  }
0x39: {  	[spmem:s1] =	stream.indirect.scatter.add.f32 [tilespmem:s10], [sflag:$0x1], $0x80, s16, s13, $0xb8;
	[tilespmem:$0x19400] =	vst v63  }
0x3a: {  	s16 =	simm.s32 $0x680  }
0x3b: {  	[spmem:s1] =	stream.indirect.scatter.add.f32 [tilespmem:s10], [sflag:$0x1], $0x80, s16, s13, $0xb8;
	[tilespmem:$0x19400] =	vst v63  }
0x3c: {  	s16 =	simm.s32 $0x700  }
0x3d: {  	[spmem:s1] =	stream.indirect.scatter.add.f32 [tilespmem:s10], [sflag:$0x1], $0x80, s16, s13, $0xb8;
	[tilespmem:$0x19400] =	vst v63  }
0x3e: {  	s16 =	simm.s32 $0x780  }
0x3f: {  	[spmem:s1] =	stream.indirect.scatter.add.f32 [tilespmem:s10], [sflag:$0x1], $0x80, s16, s13, $0xb8;
	[tilespmem:$0x19400] =	vst v63  }
0x40: {  	s16 =	simm.s32 $0x800  }
0x41: {  	[spmem:s1] =	stream.indirect.scatter.add.f32 [tilespmem:s10], [sflag:$0x1], $0x80, s16, s13, $0xb8;
	[tilespmem:$0x19400] =	vst v63  }
0x42: {  	s16 =	simm.s32 $0x880  }
0x43: {  	[spmem:s1] =	stream.indirect.scatter.add.f32 [tilespmem:s10], [sflag:$0x1], $0x80, s16, s13, $0xb8;
	[tilespmem:$0x19400] =	vst v63  }
0x44: {  	s16 =	simm.s32 $0x900  }
0x45: {  	[spmem:s1] =	stream.indirect.scatter.add.f32 [tilespmem:s10], [sflag:$0x1], $0x80, s16, s13, $0xb8;
	[tilespmem:$0x19400] =	vst v63  }
0x46: {  	s16 =	simm.s32 $0x980  }
0x47: {  	[spmem:s1] =	stream.indirect.scatter.add.f32 [tilespmem:s10], [sflag:$0x1], $0x80, s16, s13, $0xb8;
	[tilespmem:$0x19400] =	vst v63  }
0x48: {  	s16 =	simm.s32 $0xA00  }
0x49: {  	[spmem:s1] =	stream.indirect.scatter.add.f32 [tilespmem:s10], [sflag:$0x1], $0x80, s16, s13, $0xb8;
	[tilespmem:$0x19400] =	vst v63  }
0x4a: {  	s16 =	simm.s32 $0xA80  }
0x4b: {  	[spmem:s1] =	stream.indirect.scatter.add.f32 [tilespmem:s10], [sflag:$0x1], $0x80, s16, s13, $0xb8;
	[tilespmem:$0x19400] =	vst v63  }
0x4c: {  	s16 =	simm.s32 $0xB00  }
0x4d: {  	[spmem:s1] =	stream.indirect.scatter.add.f32 [tilespmem:s10], [sflag:$0x1], $0x80, s16, s13, $0xb8;
	[tilespmem:$0x19400] =	vst v63  }
0x4e: {  	s16 =	simm.s32 $0xB80  }
0x4f: {  	[spmem:s1] =	stream.indirect.scatter.add.f32 [tilespmem:s10], [sflag:$0x1], $0x80, s16, s13, $0xb8;
	[tilespmem:$0x19400] =	vst v63  }
0x50: {  	_ = 	snop  }
0x51: {  	[spmem:s1] =	stream.indirect.scatter.add.f32 [tilespmem:s10], [sflag:$0x1], $0x80, s17, s13, $0xb8;
	[tilespmem:$0x19400] =	vst v63  }
0x52: {  	_ = 	snop  }
0x53: {  	[spmem:s1] =	stream.indirect.scatter.add.f32 [tilespmem:s10], [sflag:$0x1], $0x80, s18, s13, $0xb8;
	[tilespmem:$0x19400] =	vst v63  }
0x54: {  	_ = 	snop  }
0x55: {  	[spmem:s1] =	stream.indirect.scatter.add.f32 [tilespmem:s10], [sflag:$0x1], $0x80, s19, s13, $0xb8;
	[tilespmem:$0x19400] =	vst v63  }
0x56: {  	_ = 	snop  }
0x57: {  	[spmem:s1] =	stream.indirect.scatter.add.f32 [tilespmem:s10], [sflag:$0x1], $0x80, s20, s13, $0xb8;
	[tilespmem:$0x19400] =	vst v63  }
0x58: {  	_ = 	snop  }
0x59: {  	[spmem:s1] =	stream.indirect.scatter.add.f32 [tilespmem:s10], [sflag:$0x1], $0x80, s21, s13, $0xb8;
	[tilespmem:$0x19400] =	vst v63  }
0x5a: {  	_ = 	snop  }
0x5b: {  	[spmem:s1] =	stream.indirect.scatter.add.f32 [tilespmem:s10], [sflag:$0x1], $0x80, s22, s13, $0xb8;
	[tilespmem:$0x19400] =	vst v63  }
0x5c: {  	_ = 	snop  }
0x5d: {  	[spmem:s1] =	stream.indirect.scatter.add.f32 [tilespmem:s10], [sflag:$0x1], $0x80, s23, s13, $0xb8;
	[tilespmem:$0x19400] =	vst v63  }
0x5e: {  	_ = 	snop  }
0x5f: {  	[spmem:s1] =	stream.indirect.scatter.add.f32 [tilespmem:s10], [sflag:$0x1], $0x80, s24, s13, $0xb8;
	[tilespmem:$0x19400] =	vst v63  }
0x60: {  	_ = 	snop  }
0x61: {  	[spmem:s1] =	stream.indirect.scatter.add.f32 [tilespmem:s10], [sflag:$0x1], $0x80, s25, s13, $0xb8;
	[tilespmem:$0x19400] =	vst v63  }
0x62: {  	_ = 	snop  }
0x63: {  	[spmem:s1] =	stream.indirect.scatter.add.f32 [tilespmem:s10], [sflag:$0x1], $0x80, s26, s13, $0xb8;
	[tilespmem:$0x19400] =	vst v63  }
0x64: {  	_ = 	snop  }
0x65: {  	[spmem:s1] =	stream.indirect.scatter.add.f32 [tilespmem:s10], [sflag:$0x1], $0x80, s28, s13, $0xb8;
	[tilespmem:$0x19400] =	vst v63  }
0x66: {  	_ = 	snop  }
0x67: {  	[spmem:s1] =	stream.indirect.scatter.add.f32 [tilespmem:s10], [sflag:$0x1], $0x80, s29, s13, $0xb8;
	[tilespmem:$0x19400] =	vst v63  }
0x68: {  	_ = 	snop  }
0x69: {  	[spmem:s1] =	stream.indirect.scatter.add.f32 [tilespmem:s10], [sflag:$0x1], $0x80, s30, s13, $0xb8;
	[tilespmem:$0x19400] =	vst v63  }
0x6a: {  	_ = 	snop  }
0x6b: {  	[spmem:s1] =	stream.indirect.scatter.add.f32 [tilespmem:s10], [sflag:$0x1], $0x80, s31, s13, $0xb8;
	[tilespmem:$0x19400] =	vst v63  }
0x6c: {  	_ = 	snop  }
0x6d: {  	[spmem:s1] =	stream.indirect.scatter.add.f32 [tilespmem:s10], [sflag:$0x1], $0x80, s0, s13, $0xb8;
	[tilespmem:$0x19400] =	vst v63  }
0x6e: {  	_ = 	snop  }
0x6f: {  	[spmem:s1] =	stream.indirect.scatter.add.f32 [tilespmem:s10], [sflag:$0x1], $0x80, s2, s13, $0xb8;
	[tilespmem:$0x19400] =	vst v63  }
0x70: {  	_ =	swait.ge [sflag:s14], $0x4000  }
0x71: {  	s16 =	simm.s32 $0x27;
	[sflag:s14] =	ssyncset.done $0x0  }
.LBB2_2:
0x72: {  	p0 =	sne.s32 s16, $0x1;
	s16 =	sadd.s32 $0xFFFFFFFF, s16;
	[sflag:s14] =	ssyncadd.s32 $0xFFFFC000  }
.Ltmp0:
0x73: {  	(pc) =	sbr.rel @p0 .LBB2_2-.Ltmp0, $3  }
0x74: {  	_ =	sdelay $0x1  }
0x75: {  	_ =	swait.ge [sflag:s14], $0x4000  }
0x76: {  	[sflag:s14] =	ssyncset.done $0x0  }
0x77: {  	s15 =	sadd.s32 $0x1, s15  }
0x78: {  	[sflag:s14] =	ssyncadd.s32 $0xFFFFC000;
	p0 =	sne.s32 s15, s8  }
.Ltmp1:
0x79: {  	[bflag:$0x0] =	sbarrier.arrive $0xFFFF;
	(pc) =	sbr.rel @p0 .LBB2_1-.Ltmp1, $4  }
0x7a: {  	[hbm:s7], [sflag:s11] =	dma.local [spmem:s12], $0x2800  }
0x7b: {  	_ =	swait.ge [sflag:s9], $0x2800  }
0x7c: {  	[sflag:s9] =	ssyncset.done $0x0  }
0x7d: {  	[sflag:s9] =	ssyncadd.s32 $0xFFFFD800  }
0x7e: {  	_ =	sfence.sel $0x180000  }
0x7f: {  	[bflag:$0x0] =	sbarrier.arrive $0xFFFF  }
0x80: {  	_ =	strace $0x90000047  }
0x81: {  	s0 =	stileid.u32;
	[bflag:$0x2] =	sbarrier.arrive $0xFFFF  }
0x82: {  	p0 =	sne.s32 s0, $0x0;
	s0 =	rddreg [dreg:$0x3]  }
0x83: {  	s0 =	sadd.s32 @!p0 $0x100000, s0  }
0x84: {  	[sflag:s0] =	ssyncadd.tile.s32 @!p0 $0x1;
	_ =	shalt  }
.Lfunc_end2:
_tile_overlayer_lowered:
.L_overlay_start_2:
0x85: {  	(tag) =	ssettag $0x2  }
0x86: {  	s0 =	rddreg [dreg:$0x0];
	s2 =	stileid.u32  }
0x87: {  	s1 =	rddreg [dreg:$0x1];
	p0 =	sne.s32 s2, $0x0  }
0x88: {  	s3 =	rddreg [dreg:$0x2];
	[bflag:$0x3] =	sbarrier.arrive $0xFFFF;
	s2 =	simm.s32 @!p0 $0x1C02  }
0x89: {  	[timem:s3], [sflag:s2] =	dma.local @!p0 [hbm:s0], s1  }
0x8a: {  	s0 =	simm.s32 @!p0 $0x2  }
0x8b: {  	_ =	swait.ge @!p0 [sflag:s0], s1  }
0x8c: {  	s1 =	ssub.s32 @!p0 $0x0, s1;
	[sflag:s0] =	ssyncset.done @!p0 $0x0  }
0x8d: {  	[sflag:s0] =	ssyncadd.s32 @!p0 s1  }
0x8e: {  	[bflag:$0x3] =	sbarrier.arrive $0xFFFF  }
0x8f: {  	_ =	shalt  }

// kernel: kernel.13.cloned.1.call-start
scs
__scs_entry_jumppad:
0x0: {  	(pc) =	sbr.rel $0x88, $3  }
0x1: {  	(tag) =	ssettag $0x0;
	lr =	simm.s32 $0x1  }
0x2: {  	[smem:$0x3F94] =	sst lr;
	_ =	strace $0xD0000000  }
0x3: {  	_ = 	snop  }
0x4: {  	_ = 	snop  }
0x5: {  	_ = 	snop  }
0x6: {  	_ = 	snop  }
0x7: {  	_ = 	snop  }
__scs_overlays_trampoline_lowered:
0x8: {  	[smem:$0x3FA3] =	sst s0  }
0x9: {  	[smem:$0x3FA4] =	sst s1  }
0xa: {  	[smem:$0x3FA5] =	sst s2  }
0xb: {  	[smem:$0x3FA6] =	sst s3  }
0xc: {  	[smem:$0x3FA7] =	sst s4  }
0xd: {  	[smem:$0x3FA8] =	sst s5  }
0xe: {  	[smem:$0x3FA9] =	sst s6  }
0xf: {  	[smem:$0x3FAA] =	sst s7  }
0x10: {  	[smem:$0x3FAB] =	sst s8  }
0x11: {  	[smem:$0x3FAC] =	sst s9;
	s0 =	simm.s32 @!p0 $0x0  }
0x12: {  	s1 =	sld [smem:$0x3F92];
	s0 =	simm.s32 @p0 $0x1  }
0x13: {  	[smem:$0x3FAD] =	sst s0;
	s0 =	simm.s32 @!p1 $0x0  }
0x14: {  	s2 =	sld [smem:$0x3F91];
	s0 =	simm.s32 @p1 $0x1  }
0x15: {  	[smem:$0x3FAE] =	sst s0;
	s0 =	simm.s32 @!p2 $0x0  }
0x16: {  	s3 =	sld [smem:$0x3FDB];
	s0 =	simm.s32 @p2 $0x1  }
0x17: {  	s4 =	simm.s32 $0x1BF5;
	[smem:$0x3FB0] =	sst s0  }
0x18: {  	s0 =	sld [smem:$0x3F93];
	_ =	swait.ge [sflag:s4], $0x0  }
0x19: {  	s7 =	sld [smem:$0x3F94]  }
0x1a: {  	s8 =	sadd.s32 $0xFFFFE003, lr  }
0x1b: {  	s9 =	sadd.s32 $0xFFFFFEF7, lr;
	s5 =	simm.s32 $0xFFFFFFFF;
	p2 =	slt.u32 s8, $0xFFFFF086  }
0x1c: {  	p1 =	slt.u32 s9, $0xF7A;
	s5 =	simm.s32 @!p2 $0x0  }
0x1d: {  	s5 =	simm.s32 @p1 $0x1;
	p0 =	seq.s32 s7, s2  }
0x1e: {  	s7 =	smul.u32 @!p0 $0xF7A, s2;
	p2 =	seq.s32 @!p0 s5, $0x0  }
0x1f: {  	s9 =	smul.u32 $0xF7A, s1;
	s8 =	simm.s32 @!p0 $0x1BF5;
	p2 =	por !p2, p0  }
0x20: {  	[sflag:s8] =	ssyncset.s32 @!p0 $0xFFFFF086;
	s6 =	sadd.s32 @!p0 s3, s7;
	s7 =	simm.s32 @!p0 $0x108  }
0x21: {  	s3 =	sadd.s32 s3, s9;
	s6 =	sadd.s32 @!p0 $0x88, s6;
	s7 =	simm.s32 @p2 $0x1082  }
0x22: {  	[simem:s7], [sflag:s8] =	dma.local @!p0 [hbm:s6], $0xF7A  }
0x23: {  	s9 =	sor.u32 $0xD0000000, s2;
	s6 =	simm.s32 $0x108;
	_ =	swait.ge @!p0 [sflag:s8], $0x0  }
0x24: {  	s3 =	sadd.s32 $0x88, s3;
	s6 =	simm.s32 @!p1 $0x1082;
	[sflag:s4] =	ssyncset.s32 $0xFFFFF086  }
0x25: {  	[simem:s6], [sflag:s4] =	dma.local [hbm:s3], $0xF7A  }
0x26: {  	[smem:$0x3F94] =	sst s1;
	(tag) =	ssettag s2;
	_ =	strace s9  }
0x27: {  	s1 =	sld [smem:$0x3FA4]  }
0x28: {  	s2 =	sld [smem:$0x3FA5]  }
0x29: {  	s4 =	sld [smem:$0x3FA7]  }
0x2a: {  	p0 =	seq.s32 s5, $0x0;
	s5 =	sld [smem:$0x3FA8]  }
0x2b: {  	s6 =	sld [smem:$0x3FA9]  }
0x2c: {  	s7 =	sld [smem:$0x3FAA]  }
0x2d: {  	s3 =	simm.s32 $0x108;
	s8 =	sld [smem:$0x3FAB]  }
0x2e: {  	s3 =	simm.s32 @!p0 $0x1082;
	s9 =	sld [smem:$0x3FAC]  }
0x2f: {  	lr =	sadd.s32 s0, s3;
	s0 =	sld [smem:$0x3FA3]  }
0x30: {  	s3 =	sld [smem:$0x3FA6]  }
0x31: {  	[smem:$0x3FAF] =	sst s10  }
0x32: {  	s10 =	sld [smem:$0x3FAD];
	_ =	sdelay $0x3  }
0x33: {  	p0 =	seq.s32 s10, $0x1;
	s10 =	sld [smem:$0x3FAF];
	_ =	sdelay $0x3  }
0x34: {  	[smem:$0x3FAF] =	sst s10  }
0x35: {  	s10 =	sld [smem:$0x3FAE];
	_ =	sdelay $0x3  }
0x36: {  	p1 =	seq.s32 s10, $0x1;
	s10 =	sld [smem:$0x3FAF];
	_ =	sdelay $0x3  }
0x37: {  	[smem:$0x3FAF] =	sst s10  }
0x38: {  	s10 =	sld [smem:$0x3FB0]  }
0x39: {  	_ = 	snop;
	(pc) =	sbr.ind lr, $3  }
0x3a: {  	_ = 	snop  }
0x3b: {  	_ = 	snop  }
0x3c: {  	p2 =	seq.s32 s10, $0x1;
	s10 =	sld [smem:$0x3FAF]  }
0x3d: {  	_ =	shalt  }
0x3e: {  	_ =	shalt  }
0x3f: {  	_ =	shalt  }
0x40: {  	_ =	shalt  }
0x41: {  	_ =	shalt  }
0x42: {  	_ =	shalt  }
0x43: {  	_ =	shalt  }
0x44: {  	_ =	shalt  }
0x45: {  	_ =	shalt  }
0x46: {  	_ =	shalt  }
0x47: {  	_ =	shalt  }
0x48: {  	_ =	shalt  }
0x49: {  	_ =	shalt  }
0x4a: {  	_ =	shalt  }
0x4b: {  	_ =	shalt  }
0x4c: {  	_ =	shalt  }
0x4d: {  	_ =	shalt  }
0x4e: {  	_ =	shalt  }
0x4f: {  	_ =	shalt  }
0x50: {  	_ =	shalt  }
0x51: {  	_ =	shalt  }
0x52: {  	_ =	shalt  }
0x53: {  	_ =	shalt  }
0x54: {  	_ =	shalt  }
0x55: {  	_ =	shalt  }
0x56: {  	_ =	shalt  }
0x57: {  	_ =	shalt  }
0x58: {  	_ =	shalt  }
0x59: {  	_ =	shalt  }
0x5a: {  	_ =	shalt  }
0x5b: {  	_ =	shalt  }
0x5c: {  	_ =	shalt  }
0x5d: {  	_ =	shalt  }
0x5e: {  	_ =	shalt  }
0x5f: {  	_ =	shalt  }
0x60: {  	_ =	shalt  }
0x61: {  	_ =	shalt  }
0x62: {  	_ =	shalt  }
0x63: {  	_ =	shalt  }
0x64: {  	_ =	shalt  }
0x65: {  	_ =	shalt  }
0x66: {  	_ =	shalt  }
0x67: {  	_ =	shalt  }
0x68: {  	_ =	shalt  }
0x69: {  	_ =	shalt  }
0x6a: {  	_ =	shalt  }
0x6b: {  	_ =	shalt  }
0x6c: {  	_ =	shalt  }
0x6d: {  	_ =	shalt  }
0x6e: {  	_ =	shalt  }
0x6f: {  	_ =	shalt  }
0x70: {  	_ =	shalt  }
0x71: {  	_ =	shalt  }
0x72: {  	_ =	shalt  }
0x73: {  	_ =	shalt  }
0x74: {  	_ =	shalt  }
0x75: {  	_ =	shalt  }
0x76: {  	_ =	shalt  }
0x77: {  	_ =	shalt  }
0x78: {  	_ =	shalt  }
0x79: {  	_ =	shalt  }
0x7a: {  	_ =	shalt  }
0x7b: {  	_ =	shalt  }
0x7c: {  	_ =	shalt  }
0x7d: {  	_ =	shalt  }
0x7e: {  	_ =	shalt  }
0x7f: {  	_ =	shalt  }
0x80: {  	_ =	shalt  }
0x81: {  	_ =	shalt  }
0x82: {  	_ =	shalt  }
0x83: {  	_ =	shalt  }
0x84: {  	_ =	shalt  }
0x85: {  	_ =	shalt  }
0x86: {  	_ =	shalt  }
0x87: {  	_ =	shalt  }
.Lfunc_end0:
.L_simem_size_0:
called_computation.1_lowered:
.L_overlay_start_0:
0x88: {  	s2 =	sld [smem:$0x3FD9]  }
0x89: {  	s3 =	sld [smem:$0x3FFE];
	_ =	sdelay $0x1  }
0x8a: {  	s1 =	srdreg.scid  }
0x8b: {  	s0 =	sand.u32 $0x1, s1  }
0x8c: {  	s14 =	sshll.u32 s0, $0xA;
	s2 =	sadd.s32 s3, s2  }
0x8d: {  	s2 =	sadd.s32 s2, s14  }
0x8e: {  	[smem:$0x3FBB] =	sst s2  }
0x8f: {  	_ = 	snop  }
0x90: {  	s2 =	sld [smem:$0x3FD0];
	_ =	sdelay $0x2  }
0x91: {  	s15 =	simm.s32 $0xA;
	s4 =	simm.s32 $0x10  }
0x92: {  	[smem:s4], [sflag:s15] =	dma.local [hbm:s2], $0x1  }
0x93: {  	_ =	swait.eq [sflag:s15], $0x1  }
0x94: {  	[sflag:s15] =	ssyncset.done $0x0  }
0x95: {  	s16 =	sld [smem:$0x10];
	[sflag:s15] =	ssyncadd.s32 $0xFFFFFFFF  }
0x96: {  	s17 =	sld [smem:$0x11];
	(tm) =	ssettm $0x1  }
0x97: {  	s18 =	sld [smem:$0x3FFB];
	_ =	sdelay $0x3  }
0x98: {  	_ =	strace s18  }
0x99: {  	s4 =	sld [smem:$0x3FFC];
	_ =	sdelay $0x3  }
0x9a: {  	_ =	strace s4  }
0x9b: {  	s4 =	sld [smem:$0x3FFD];
	_ =	sdelay $0x3  }
0x9c: {  	_ =	strace s4  }
0x9d: {  	_ =	strace $0x8FFFFFFF  }
0x9e: {  	s19 =	sld [smem:$0x3FDB];
	_ =	sdelay $0x1  }
0x9f: {  	s5 =	simm.s32 $_scs_section_size  }
0xa0: {  	s6 =	simm.s32 $_size__tile_overlayer_lowered;
	s7 =	simm.s32 $_tile_overlayer_lowered  }
0xa1: {  	s22 =	simm.s32 $0x1BFF;
	s21 =	sshll.u32 s7, $0x1;
	s4 =	sadd.s32 s5, s19  }
0xa2: {  	s8 =	simm.s32 $0x0;
	s20 =	sshll.u32 s6, $0x1;
	s6 =	sadd.s32 s21, s4  }
0xa3: {  	[timem:s8], [sflag:s22] =	dma.local [hbm:s6], s20  }
0xa4: {  	_ =	swait.ge [sflag:s22], s20  }
0xa5: {  	s5 =	ssub.s32 $0x0, s20;
	[sflag:s22] =	ssyncset.done $0x0  }
0xa6: {  	[sflag:s22] =	ssyncadd.s32 s5;
	_ =	sdelay $0x1  }
0xa7: {  	s23 =	simm.s32 $0x1B8B  }
0xa8: {  	_ =	swait.ge [sflag:s23], $0x1  }
0xa9: {  	[sflag:s23] =	ssyncset.done $0x0  }
0xaa: {  	s25 =	simm.s32 $0x1B8E;
	s24 =	sld [smem:$0x3FFE];
	[sflag:s23] =	ssyncadd.s32 $0xFFFFFFFF  }
0xab: {  	s26 =	simm.s32 $execute0_lowered;
	[smem:$0x3FD2] =	sst s25  }
0xac: {  	s6 =	sshll.u32 s26, $0x1;
	_ =	strace $0x80000049;
	[dreg:$0x1] =	wrdreg $0xFFFFFFFF  }
0xad: {  	s28 =	simm.s32 $_size_execute0_lowered;
	s4 =	sadd.s32 s4, s6;
	[dreg:$0x0] =	wrdreg $0x0  }
0xae: {  	s6 =	sshll.u32 s28, $0x1;
	[dreg:$0x2] =	wrdreg s4  }
0xaf: {  	[dreg:$0x3] =	wrdreg s6  }
0xb0: {  	[dreg:$0x4] =	wrdreg $0xC0  }
0xb1: {  	_ =	task [dreg:s8], $0x5FFFF  }
0xb2: {  	[dreg:$0x1] =	wrdreg $0xFFFFFFFF  }
0xb3: {  	[dreg:$0x0] =	wrdreg $0x60  }
0xb4: {  	[dreg:$0x2] =	wrdreg s24  }
0xb5: {  	[dreg:$0x3] =	wrdreg s16  }
0xb6: {  	[dreg:$0x4] =	wrdreg s17  }
0xb7: {  	[dreg:$0x5] =	wrdreg $0xA8000  }
0xb8: {  	[dreg:$0x6] =	wrdreg $0x9  }
0xb9: {  	_ =	task.clear_ibuf [dreg:s8], $0x7FFFF;
	_ =	strace $0x90000049  }
0xba: {  	s29 =	simm.s32 $0x9;
	_ =	strace $0x8000004B  }
0xbb: {  	_ =	swait.ge [sflag:s29], $0x1  }
0xbc: {  	[sflag:s29] =	ssyncadd.s32 $0xFFFFFFFF  }
0xbd: {  	_ =	strace $0x9000004B  }
0xbe: {  	_ =	sfence  }
0xbf: {  	s30 =	sld [smem:$0x0];
	_ =	sdelay $0x2  }
0xc0: {  	s31 =	sshll.u32 s1, $0xD;
	s1 =	sshrl.u32 s1, $0x2  }
0xc1: {  	s3 =	sand.u32 $0x4000, s31;
	s1 =	sadd.s32 s1, s30  }
0xc2: {  	s0 =	sor.u32 s3, s0;
	s1 =	sshll.u32 s1, $0x11  }
0xc3: {  	s0 =	sor.u32 s1, s0  }
0xc4: {  	s0 =	sadd.s32 $0x8F2B, s0  }
0xc5: {  	[sflag:s0] =	ssyncadd.remote.s32 $0x1  }
0xc6: {  	_ =	sfence.sel $0xFFFF  }
0xc7: {  	[dreg:$0x0] =	wrdreg $0xFFFFFFFF;
	(pc) =	sbr.abs _section_cstart, $3  }
0xc8: {  	[dreg:$0x1] =	wrdreg $0xFFFFFFFF  }
0xc9: {  	_ =	task.clear_ibuf [dreg:s8], $0x2FFFF;
	_ =	strace $0x9FFFFFFF  }
0xca: {  	(tm) =	ssettm $0x7FFFFFFF  }
0xcb: {  	_ =	shalt  }
tec
execute0_lowered:
.L_overlay_start_1:
0x0: {  	(tag) =	ssettag $0x1  }
0x1: {  	s6 =	rddreg [dreg:$0x0]  }
0x2: {  	s7 =	rddreg [dreg:$0x1]  }
0x3: {  	s8 =	rddreg [dreg:$0x2]  }
0x4: {  	s1 =	rddreg [dreg:$0x3]  }
0x5: {  	s2 =	srdreg.scid;
	s0 =	rddreg [dreg:$0x4];
	s3 =	simm.s32 $0x0  }
0x6: {  	s14 =	simm.s32 $0x80;
	s15 =	simm.s32 $0x2800;
	s16 =	simm.s32 $0x6800  }
0x7: {  	s17 =	simm.s32 $0x1;
	s18 =	simm.s32 $0x2;
	s19 =	simm.s32 $0x1480  }
0x8: {  	s20 =	simm.s32 $0x3;
	s21 =	simm.s32 $0x100;
	s22 =	simm.s32 $0x4  }
0x9: {  	s23 =	simm.s32 $0x2700;
	s24 =	simm.s32 $0x1380;
	s25 =	simm.s32 $0x2780  }
0xa: {  	s26 =	simm.s32 $0x0;
	s5 =	sand.u32 $0x1, s2;
	s2 =	stileid.u32  }
0xb: {  	[smem:$0x7FF] =	sst s3;
	s4 =	sadd.s32 $0x7200, s6;
	s9 =	smul.u32 $0x140000, s5  }
0xc: {  	s10 =	smul.u32 $0x14000, s2;
	s11 =	sshll.u32 s5, $0x4;
	_ =	strace $0x8000004A  }
0xd: {  	s29 =	ssub.s32 $0x2, s5;
	s13 =	smul.u32 $0x50000, s2;
	s5 =	sadd.s32 $0x4A00, s6  }
0xe: {  	s31 =	sshll.u32 s2, $0x6;
	s11 =	sor.u32 s2, s11;
	s12 =	sshrl.u32 s29, $0x1  }
0xf: {  	s9 =	sadd.s32 s10, s9;
	s11 =	smul.u32 $0x280, s11;
	s10 =	ssub.s32 s29, s12  }
0x10: {  	s30 =	sshrl.u32 s13, $0x2;
	s12 =	sor.u32 $0x1C05, s31;
	s9 =	sshrl.u32 s9, $0x3  }
0x11: {  	s13 =	sadd.s32 s30, s1;
	s9 =	sadd.s32 s9, s6;
	s6 =	sadd.s32 s7, s11  }
0x12: {  	s7 =	sadd.s32 s8, s11;
	s11 =	simm.s32 $0x1400;
	s13 =	sshrl.u32 s13, $0x3  }
0x13: {  	s8 =	sadd.s32 $0x2E400, s9;
	s9 =	smax.u32 s10, $0x1;
	s10 =	simm.s32 $0x5  }
.LBB2_1:
0x14: {  	[tilespmem:s3], [sflag:$0x5] =	stream.linear.gather [hbm4b:s6+s3], $0x1400, $0x38;
	[tilespmem:$0x1E800] =	vst v63  }
0x15: {  	_ =	swait.ge [sflag:s10], $0x1400  }
0x16: {  	[sflag:s10] =	ssyncset.done $0x0  }
0x17: {  	[sflag:s10] =	ssyncadd.s32 $0xFFFFEC00  }
0x18: {  	[tilespmem:s11], [sflag:$0x5] =	stream.linear.gather [hbm4b:s7+s3], $0x1400, $0x38;
	[tilespmem:$0x1E800] =	vst v63  }
0x19: {  	_ =	swait.ge [sflag:s10], $0x1400  }
0x1a: {  	[sflag:s10] =	ssyncset.done $0x0  }
0x1b: {  	[sflag:s10] =	ssyncadd.s32 $0xFFFFEC00  }
0x1c: {  	[spmem:s13], [sflag:s12] =	dma.local [hbm:s5], $0x2800  }
0x1d: {  	_ =	swait.ge [sflag:s10], $0x2800  }
0x1e: {  	[sflag:s10] =	ssyncset.done $0x0  }
0x1f: {  	[sflag:s10] =	ssyncadd.s32 $0xFFFFD800  }
0x20: {  	[bflag:$0x0] =	sbarrier.arrive $0xFFFF  }
0x21: {  	[tilespmem:s15], [sflag:$0x1] =	stream.indirect.gather [hbm4b:s4+s14], $0x80, s3, s14, $0xb8;
	[tilespmem:$0x1E800] =	vst v63  }
0x22: {  	_ = 	snop  }
0x23: {  	[tilespmem:s16], [sflag:$0x2] =	stream.indirect.gather [hbm4b:s4+s14], $0x80, s14, s14, $0xb8;
	[tilespmem:$0x1E800] =	vst v63  }
0x24: {  	_ =	swait.ge [sflag:s17], $0x4000  }
0x25: {  	[sflag:s17] =	ssyncset.done $0x0  }
0x26: {  	[sflag:s17] =	ssyncadd.s32 $0xFFFFC000  }
0x27: {  	[spmem:s1] =	stream.indirect.scatter.add.f32 [tilespmem:s15], [sflag:$0x3], $0x80, s11, s14, $0xb8;
	[tilespmem:$0x1E800] =	vst v63  }
0x28: {  	_ =	swait.ge [sflag:s18], $0x4000  }
0x29: {  	[sflag:s18] =	ssyncset.done $0x0  }
0x2a: {  	[sflag:s18] =	ssyncadd.s32 $0xFFFFC000  }
0x2b: {  	[spmem:s1] =	stream.indirect.scatter.add.f32 [tilespmem:s16], [sflag:$0x4], $0x80, s19, s14, $0xb8;
	[tilespmem:$0x1E800] =	vst v63  }
0x2c: {  	_ =	swait.ge [sflag:s20], $0x4000  }
0x2d: {  	[sflag:s20] =	ssyncset.done $0x0  }
0x2e: {  	[sflag:s20] =	ssyncadd.s32 $0xFFFFC000  }
0x2f: {  	[tilespmem:s15], [sflag:$0x1] =	stream.indirect.gather [hbm4b:s4+s14], $0x80, s21, s14, $0xb8;
	[tilespmem:$0x1E800] =	vst v63  }
0x30: {  	_ =	swait.ge [sflag:s17], $0x4000  }
0x31: {  	[sflag:s17] =	ssyncset.done $0x0  }
0x32: {  	s28 =	simm.s32 $0x1500;
	[sflag:s17] =	ssyncadd.s32 $0xFFFFC000  }
0x33: {  	[spmem:s1] =	stream.indirect.scatter.add.f32 [tilespmem:s15], [sflag:$0x3], $0x80, s28, s14, $0xb8;
	[tilespmem:$0x1E800] =	vst v63  }
0x34: {  	_ =	swait.ge [sflag:s22], $0x4000  }
0x35: {  	[sflag:s22] =	ssyncset.done $0x0  }
0x36: {  	s28 =	simm.s32 $0x180;
	[sflag:s22] =	ssyncadd.s32 $0xFFFFC000  }
0x37: {  	[tilespmem:s16], [sflag:$0x2] =	stream.indirect.gather [hbm4b:s4+s14], $0x80, s28, s14, $0xb8;
	[tilespmem:$0x1E800] =	vst v63  }
0x38: {  	_ =	swait.ge [sflag:s18], $0x4000  }
0x39: {  	[sflag:s18] =	ssyncset.done $0x0  }
0x3a: {  	s28 =	simm.s32 $0x1580;
	[sflag:s18] =	ssyncadd.s32 $0xFFFFC000  }
0x3b: {  	[spmem:s1] =	stream.indirect.scatter.add.f32 [tilespmem:s16], [sflag:$0x4], $0x80, s28, s14, $0xb8;
	[tilespmem:$0x1E800] =	vst v63  }
0x3c: {  	_ =	swait.ge [sflag:s20], $0x4000  }
0x3d: {  	[sflag:s20] =	ssyncset.done $0x0  }
0x3e: {  	s29 =	simm.s32 $0x200;
	s28 =	simm.s32 $0xFFFFBC00;
	[sflag:s20] =	ssyncadd.s32 $0xFFFFC000  }
.LBB2_2:
0x3f: {  	[tilespmem:s15], [sflag:$0x1] =	stream.indirect.gather [hbm4b:s4+s14], $0x80, s29, s14, $0xb8;
	[tilespmem:$0x1E800] =	vst v63  }
0x40: {  	s29 =	smov.u32 s28  }
0x41: {  	p0 =	sne.s32 s28, $0xFFFFFC00;
	s28 =	sadd.s32 $0x400, s28;
	_ =	swait.ge [sflag:s17], $0x4000  }
0x42: {  	s29 =	sshra.s32 s29, $0x2;
	[sflag:s17] =	ssyncset.done $0x0  }
0x43: {  	s30 =	sadd.s32 $0x2700, s29;
	[sflag:s17] =	ssyncadd.s32 $0xFFFFC000  }
0x44: {  	[spmem:s1] =	stream.indirect.scatter.add.f32 [tilespmem:s15], [sflag:$0x3], $0x80, s30, s14, $0xb8;
	[tilespmem:$0x1E800] =	vst v63  }
0x45: {  	_ =	swait.ge [sflag:s22], $0x4000  }
0x46: {  	[sflag:s22] =	ssyncset.done $0x0  }
0x47: {  	s30 =	sadd.s32 $0x1380, s29;
	[sflag:s22] =	ssyncadd.s32 $0xFFFFC000  }
0x48: {  	[tilespmem:s16], [sflag:$0x2] =	stream.indirect.gather [hbm4b:s4+s14], $0x80, s30, s14, $0xb8;
	[tilespmem:$0x1E800] =	vst v63  }
0x49: {  	_ =	swait.ge [sflag:s18], $0x4000  }
0x4a: {  	[sflag:s18] =	ssyncset.done $0x0  }
.Ltmp0:
0x4b: {  	s30 =	sadd.s32 $0x2780, s29;
	[sflag:s18] =	ssyncadd.s32 $0xFFFFC000;
	(pc) =	sbr.rel @p0 .LBB2_2-.Ltmp0, $4  }
0x4c: {  	[spmem:s1] =	stream.indirect.scatter.add.f32 [tilespmem:s16], [sflag:$0x4], $0x80, s30, s14, $0xb8;
	[tilespmem:$0x1E800] =	vst v63  }
0x4d: {  	_ =	swait.ge [sflag:s20], $0x4000  }
0x4e: {  	[sflag:s20] =	ssyncset.done $0x0  }
0x4f: {  	s29 =	sadd.s32 $0x1400, s29;
	[sflag:s20] =	ssyncadd.s32 $0xFFFFC000  }
0x50: {  	[tilespmem:s15], [sflag:$0x1] =	stream.indirect.gather [hbm4b:s4+s14], $0x80, s29, s14, $0xb8;
	[tilespmem:$0x1E800] =	vst v63  }
0x51: {  	_ =	swait.ge [sflag:s17], $0x4000  }
0x52: {  	[sflag:s17] =	ssyncset.done $0x0  }
0x53: {  	[sflag:s17] =	ssyncadd.s32 $0xFFFFC000  }
0x54: {  	[spmem:s1] =	stream.indirect.scatter.add.f32 [tilespmem:s15], [sflag:$0x3], $0x80, s23, s14, $0xb8;
	[tilespmem:$0x1E800] =	vst v63  }
0x55: {  	_ =	swait.ge [sflag:s22], $0x4000  }
0x56: {  	[sflag:s22] =	ssyncset.done $0x0  }
0x57: {  	[sflag:s22] =	ssyncadd.s32 $0xFFFFC000  }
0x58: {  	[tilespmem:s16], [sflag:$0x2] =	stream.indirect.gather [hbm4b:s4+s14], $0x80, s24, s14, $0xb8;
	[tilespmem:$0x1E800] =	vst v63  }
0x59: {  	_ =	swait.ge [sflag:s18], $0x4000  }
0x5a: {  	[sflag:s18] =	ssyncset.done $0x0  }
0x5b: {  	[sflag:s18] =	ssyncadd.s32 $0xFFFFC000  }
0x5c: {  	[spmem:s1] =	stream.indirect.scatter.add.f32 [tilespmem:s16], [sflag:$0x4], $0x80, s25, s14, $0xb8;
	[tilespmem:$0x1E800] =	vst v63  }
0x5d: {  	_ =	swait.ge [sflag:s20], $0x4000  }
0x5e: {  	[sflag:s20] =	ssyncset.done $0x0  }
0x5f: {  	[sflag:s20] =	ssyncadd.s32 $0xFFFFC000  }
0x60: {  	_ =	swait.ge [sflag:s22], $0x4000  }
0x61: {  	[sflag:s22] =	ssyncset.done $0x0  }
0x62: {  	s26 =	sadd.s32 $0x1, s26;
	[sflag:s22] =	ssyncadd.s32 $0xFFFFC000  }
0x63: {  	p0 =	sne.s32 s26, s9;
	[bflag:$0x0] =	sbarrier.arrive $0xFFFF  }
0x64: {  	[hbm:s8], [sflag:s12] =	dma.local [spmem:s13], $0x2800  }
.Ltmp1:
0x65: {  	_ =	swait.ge [sflag:s10], $0x2800;
	(pc) =	sbr.rel @p0 .LBB2_1-.Ltmp1, $3  }
0x66: {  	[sflag:s10] =	ssyncset.done $0x0  }
0x67: {  	[sflag:s10] =	ssyncadd.s32 $0xFFFFD800  }
0x68: {  	[bflag:$0x0] =	sbarrier.arrive $0xFFFF;
	_ =	sdelay $0x1  }
0x69: {  	_ =	sfence.sel $0x180000  }
0x6a: {  	[bflag:$0x0] =	sbarrier.arrive $0xFFFF  }
0x6b: {  	p0 =	sne.s32 s2, $0x0;
	_ =	strace $0x9000004A  }
0x6c: {  	s0 =	sadd.s32 @!p0 $0x100000, s0;
	[bflag:$0x2] =	sbarrier.arrive $0xFFFF  }
0x6d: {  	[sflag:s0] =	ssyncadd.tile.s32 @!p0 $0x1;
	_ =	shalt  }
.Lfunc_end2:
_tile_overlayer_lowered:
.L_overlay_start_2:
0x6e: {  	(tag) =	ssettag $0x2  }
0x6f: {  	s0 =	rddreg [dreg:$0x0];
	s2 =	stileid.u32  }
0x70: {  	s1 =	rddreg [dreg:$0x1];
	p0 =	sne.s32 s2, $0x0  }
0x71: {  	s3 =	rddreg [dreg:$0x2];
	[bflag:$0x3] =	sbarrier.arrive $0xFFFF;
	s2 =	simm.s32 @!p0 $0x1C05  }
0x72: {  	[timem:s3], [sflag:s2] =	dma.local @!p0 [hbm:s0], s1  }
0x73: {  	s0 =	simm.s32 @!p0 $0x5  }
0x74: {  	_ =	swait.ge @!p0 [sflag:s0], s1  }
0x75: {  	s1 =	ssub.s32 @!p0 $0x0, s1;
	[sflag:s0] =	ssyncset.done @!p0 $0x0  }
0x76: {  	[sflag:s0] =	ssyncadd.s32 @!p0 s1  }
0x77: {  	[bflag:$0x3] =	sbarrier.arrive $0xFFFF  }
0x78: {  	_ =	shalt  }

// kernel: kernel.16.cloned.1.call-start
scs
__scs_entry_jumppad:
0x0: {  	(pc) =	sbr.rel $0x88, $3  }
0x1: {  	(tag) =	ssettag $0x0;
	lr =	simm.s32 $0x1  }
0x2: {  	[smem:$0x3F94] =	sst lr;
	_ =	strace $0xD0000000  }
0x3: {  	_ = 	snop  }
0x4: {  	_ = 	snop  }
0x5: {  	_ = 	snop  }
0x6: {  	_ = 	snop  }
0x7: {  	_ = 	snop  }
__scs_overlays_trampoline_lowered:
0x8: {  	[smem:$0x3FA3] =	sst s0  }
0x9: {  	[smem:$0x3FA4] =	sst s1  }
0xa: {  	[smem:$0x3FA5] =	sst s2  }
0xb: {  	[smem:$0x3FA6] =	sst s3  }
0xc: {  	[smem:$0x3FA7] =	sst s4  }
0xd: {  	[smem:$0x3FA8] =	sst s5  }
0xe: {  	[smem:$0x3FA9] =	sst s6  }
0xf: {  	[smem:$0x3FAA] =	sst s7  }
0x10: {  	[smem:$0x3FAB] =	sst s8  }
0x11: {  	[smem:$0x3FAC] =	sst s9;
	s0 =	simm.s32 @!p0 $0x0  }
0x12: {  	s1 =	sld [smem:$0x3F92];
	s0 =	simm.s32 @p0 $0x1  }
0x13: {  	[smem:$0x3FAD] =	sst s0;
	s0 =	simm.s32 @!p1 $0x0  }
0x14: {  	s2 =	sld [smem:$0x3F91];
	s0 =	simm.s32 @p1 $0x1  }
0x15: {  	[smem:$0x3FAE] =	sst s0;
	s0 =	simm.s32 @!p2 $0x0  }
0x16: {  	s3 =	sld [smem:$0x3FDB];
	s0 =	simm.s32 @p2 $0x1  }
0x17: {  	s4 =	simm.s32 $0x1BF5;
	[smem:$0x3FB0] =	sst s0  }
0x18: {  	s0 =	sld [smem:$0x3F93];
	_ =	swait.ge [sflag:s4], $0x0  }
0x19: {  	s7 =	sld [smem:$0x3F94]  }
0x1a: {  	s8 =	sadd.s32 $0xFFFFE003, lr  }
0x1b: {  	s9 =	sadd.s32 $0xFFFFFEF7, lr;
	s5 =	simm.s32 $0xFFFFFFFF;
	p2 =	slt.u32 s8, $0xFFFFF086  }
0x1c: {  	p1 =	slt.u32 s9, $0xF7A;
	s5 =	simm.s32 @!p2 $0x0  }
0x1d: {  	s5 =	simm.s32 @p1 $0x1;
	p0 =	seq.s32 s7, s2  }
0x1e: {  	s7 =	smul.u32 @!p0 $0xF7A, s2;
	p2 =	seq.s32 @!p0 s5, $0x0  }
0x1f: {  	s9 =	smul.u32 $0xF7A, s1;
	s8 =	simm.s32 @!p0 $0x1BF5;
	p2 =	por !p2, p0  }
0x20: {  	[sflag:s8] =	ssyncset.s32 @!p0 $0xFFFFF086;
	s6 =	sadd.s32 @!p0 s3, s7;
	s7 =	simm.s32 @!p0 $0x108  }
0x21: {  	s3 =	sadd.s32 s3, s9;
	s6 =	sadd.s32 @!p0 $0x88, s6;
	s7 =	simm.s32 @p2 $0x1082  }
0x22: {  	[simem:s7], [sflag:s8] =	dma.local @!p0 [hbm:s6], $0xF7A  }
0x23: {  	s9 =	sor.u32 $0xD0000000, s2;
	s6 =	simm.s32 $0x108;
	_ =	swait.ge @!p0 [sflag:s8], $0x0  }
0x24: {  	s3 =	sadd.s32 $0x88, s3;
	s6 =	simm.s32 @!p1 $0x1082;
	[sflag:s4] =	ssyncset.s32 $0xFFFFF086  }
0x25: {  	[simem:s6], [sflag:s4] =	dma.local [hbm:s3], $0xF7A  }
0x26: {  	[smem:$0x3F94] =	sst s1;
	(tag) =	ssettag s2;
	_ =	strace s9  }
0x27: {  	s1 =	sld [smem:$0x3FA4]  }
0x28: {  	s2 =	sld [smem:$0x3FA5]  }
0x29: {  	s4 =	sld [smem:$0x3FA7]  }
0x2a: {  	p0 =	seq.s32 s5, $0x0;
	s5 =	sld [smem:$0x3FA8]  }
0x2b: {  	s6 =	sld [smem:$0x3FA9]  }
0x2c: {  	s7 =	sld [smem:$0x3FAA]  }
0x2d: {  	s3 =	simm.s32 $0x108;
	s8 =	sld [smem:$0x3FAB]  }
0x2e: {  	s3 =	simm.s32 @!p0 $0x1082;
	s9 =	sld [smem:$0x3FAC]  }
0x2f: {  	lr =	sadd.s32 s0, s3;
	s0 =	sld [smem:$0x3FA3]  }
0x30: {  	s3 =	sld [smem:$0x3FA6]  }
0x31: {  	[smem:$0x3FAF] =	sst s10  }
0x32: {  	s10 =	sld [smem:$0x3FAD];
	_ =	sdelay $0x3  }
0x33: {  	p0 =	seq.s32 s10, $0x1;
	s10 =	sld [smem:$0x3FAF];
	_ =	sdelay $0x3  }
0x34: {  	[smem:$0x3FAF] =	sst s10  }
0x35: {  	s10 =	sld [smem:$0x3FAE];
	_ =	sdelay $0x3  }
0x36: {  	p1 =	seq.s32 s10, $0x1;
	s10 =	sld [smem:$0x3FAF];
	_ =	sdelay $0x3  }
0x37: {  	[smem:$0x3FAF] =	sst s10  }
0x38: {  	s10 =	sld [smem:$0x3FB0]  }
0x39: {  	_ = 	snop;
	(pc) =	sbr.ind lr, $3  }
0x3a: {  	_ = 	snop  }
0x3b: {  	_ = 	snop  }
0x3c: {  	p2 =	seq.s32 s10, $0x1;
	s10 =	sld [smem:$0x3FAF]  }
0x3d: {  	_ =	shalt  }
0x3e: {  	_ =	shalt  }
0x3f: {  	_ =	shalt  }
0x40: {  	_ =	shalt  }
0x41: {  	_ =	shalt  }
0x42: {  	_ =	shalt  }
0x43: {  	_ =	shalt  }
0x44: {  	_ =	shalt  }
0x45: {  	_ =	shalt  }
0x46: {  	_ =	shalt  }
0x47: {  	_ =	shalt  }
0x48: {  	_ =	shalt  }
0x49: {  	_ =	shalt  }
0x4a: {  	_ =	shalt  }
0x4b: {  	_ =	shalt  }
0x4c: {  	_ =	shalt  }
0x4d: {  	_ =	shalt  }
0x4e: {  	_ =	shalt  }
0x4f: {  	_ =	shalt  }
0x50: {  	_ =	shalt  }
0x51: {  	_ =	shalt  }
0x52: {  	_ =	shalt  }
0x53: {  	_ =	shalt  }
0x54: {  	_ =	shalt  }
0x55: {  	_ =	shalt  }
0x56: {  	_ =	shalt  }
0x57: {  	_ =	shalt  }
0x58: {  	_ =	shalt  }
0x59: {  	_ =	shalt  }
0x5a: {  	_ =	shalt  }
0x5b: {  	_ =	shalt  }
0x5c: {  	_ =	shalt  }
0x5d: {  	_ =	shalt  }
0x5e: {  	_ =	shalt  }
0x5f: {  	_ =	shalt  }
0x60: {  	_ =	shalt  }
0x61: {  	_ =	shalt  }
0x62: {  	_ =	shalt  }
0x63: {  	_ =	shalt  }
0x64: {  	_ =	shalt  }
0x65: {  	_ =	shalt  }
0x66: {  	_ =	shalt  }
0x67: {  	_ =	shalt  }
0x68: {  	_ =	shalt  }
0x69: {  	_ =	shalt  }
0x6a: {  	_ =	shalt  }
0x6b: {  	_ =	shalt  }
0x6c: {  	_ =	shalt  }
0x6d: {  	_ =	shalt  }
0x6e: {  	_ =	shalt  }
0x6f: {  	_ =	shalt  }
0x70: {  	_ =	shalt  }
0x71: {  	_ =	shalt  }
0x72: {  	_ =	shalt  }
0x73: {  	_ =	shalt  }
0x74: {  	_ =	shalt  }
0x75: {  	_ =	shalt  }
0x76: {  	_ =	shalt  }
0x77: {  	_ =	shalt  }
0x78: {  	_ =	shalt  }
0x79: {  	_ =	shalt  }
0x7a: {  	_ =	shalt  }
0x7b: {  	_ =	shalt  }
0x7c: {  	_ =	shalt  }
0x7d: {  	_ =	shalt  }
0x7e: {  	_ =	shalt  }
0x7f: {  	_ =	shalt  }
0x80: {  	_ =	shalt  }
0x81: {  	_ =	shalt  }
0x82: {  	_ =	shalt  }
0x83: {  	_ =	shalt  }
0x84: {  	_ =	shalt  }
0x85: {  	_ =	shalt  }
0x86: {  	_ =	shalt  }
0x87: {  	_ =	shalt  }
.Lfunc_end0:
.L_simem_size_0:
called_computation.2_lowered:
.L_overlay_start_0:
0x88: {  	s2 =	sld [smem:$0x3FD9]  }
0x89: {  	s3 =	sld [smem:$0x3FFE];
	_ =	sdelay $0x1  }
0x8a: {  	s1 =	srdreg.scid  }
0x8b: {  	s0 =	sand.u32 $0x1, s1  }
0x8c: {  	s14 =	sshll.u32 s0, $0xA;
	s2 =	sadd.s32 s3, s2  }
0x8d: {  	s2 =	sadd.s32 s2, s14  }
0x8e: {  	[smem:$0x3FBB] =	sst s2  }
0x8f: {  	_ = 	snop  }
0x90: {  	s2 =	sld [smem:$0x3FD0];
	_ =	sdelay $0x2  }
0x91: {  	s15 =	simm.s32 $0xA;
	s4 =	simm.s32 $0x10  }
0x92: {  	[smem:s4], [sflag:s15] =	dma.local [hbm:s2], $0x1  }
0x93: {  	_ =	swait.eq [sflag:s15], $0x1  }
0x94: {  	[sflag:s15] =	ssyncset.done $0x0  }
0x95: {  	s16 =	sld [smem:$0x10];
	[sflag:s15] =	ssyncadd.s32 $0xFFFFFFFF  }
0x96: {  	s17 =	sld [smem:$0x11];
	(tm) =	ssettm $0x1  }
0x97: {  	s18 =	sld [smem:$0x3FFB];
	_ =	sdelay $0x3  }
0x98: {  	_ =	strace s18  }
0x99: {  	s4 =	sld [smem:$0x3FFC];
	_ =	sdelay $0x3  }
0x9a: {  	_ =	strace s4  }
0x9b: {  	s4 =	sld [smem:$0x3FFD];
	_ =	sdelay $0x3  }
0x9c: {  	_ =	strace s4  }
0x9d: {  	_ =	strace $0x8FFFFFFF  }
0x9e: {  	s19 =	sld [smem:$0x3FDB];
	_ =	sdelay $0x1  }
0x9f: {  	s5 =	simm.s32 $_scs_section_size  }
0xa0: {  	s6 =	simm.s32 $_size__tile_overlayer_lowered;
	s7 =	simm.s32 $_tile_overlayer_lowered  }
0xa1: {  	s22 =	simm.s32 $0x1BFF;
	s21 =	sshll.u32 s7, $0x1;
	s4 =	sadd.s32 s5, s19  }
0xa2: {  	s8 =	simm.s32 $0x0;
	s20 =	sshll.u32 s6, $0x1;
	s6 =	sadd.s32 s21, s4  }
0xa3: {  	[timem:s8], [sflag:s22] =	dma.local [hbm:s6], s20  }
0xa4: {  	_ =	swait.ge [sflag:s22], s20  }
0xa5: {  	s5 =	ssub.s32 $0x0, s20;
	[sflag:s22] =	ssyncset.done $0x0  }
0xa6: {  	[sflag:s22] =	ssyncadd.s32 s5;
	_ =	sdelay $0x1  }
0xa7: {  	s23 =	simm.s32 $0x1B8B  }
0xa8: {  	_ =	swait.ge [sflag:s23], $0x1  }
0xa9: {  	[sflag:s23] =	ssyncset.done $0x0  }
0xaa: {  	s25 =	simm.s32 $0x1B8E;
	s24 =	sld [smem:$0x3FFE];
	[sflag:s23] =	ssyncadd.s32 $0xFFFFFFFF  }
0xab: {  	s26 =	simm.s32 $execute0_lowered;
	[smem:$0x3FD2] =	sst s25  }
0xac: {  	s6 =	sshll.u32 s26, $0x1;
	_ =	strace $0x8000004C;
	[dreg:$0x1] =	wrdreg $0xFFFFFFFF  }
0xad: {  	s28 =	simm.s32 $_size_execute0_lowered;
	s4 =	sadd.s32 s4, s6;
	[dreg:$0x0] =	wrdreg $0x0  }
0xae: {  	s6 =	sshll.u32 s28, $0x1;
	[dreg:$0x2] =	wrdreg s4  }
0xaf: {  	[dreg:$0x3] =	wrdreg s6  }
0xb0: {  	[dreg:$0x4] =	wrdreg $0xC0  }
0xb1: {  	_ =	task [dreg:s8], $0x5FFFF  }
0xb2: {  	[dreg:$0x1] =	wrdreg $0xFFFFFFFF  }
0xb3: {  	[dreg:$0x0] =	wrdreg $0x60  }
0xb4: {  	[dreg:$0x2] =	wrdreg s24  }
0xb5: {  	[dreg:$0x3] =	wrdreg s16  }
0xb6: {  	[dreg:$0x4] =	wrdreg s17  }
0xb7: {  	[dreg:$0x5] =	wrdreg $0xA8000  }
0xb8: {  	[dreg:$0x6] =	wrdreg $0x9  }
0xb9: {  	_ =	task.clear_ibuf [dreg:s8], $0x7FFFF;
	_ =	strace $0x9000004C  }
0xba: {  	s29 =	simm.s32 $0x9;
	_ =	strace $0x8000004E  }
0xbb: {  	_ =	swait.ge [sflag:s29], $0x1  }
0xbc: {  	[sflag:s29] =	ssyncadd.s32 $0xFFFFFFFF  }
0xbd: {  	_ =	strace $0x9000004E  }
0xbe: {  	_ =	sfence  }
0xbf: {  	s30 =	sld [smem:$0x0];
	_ =	sdelay $0x2  }
0xc0: {  	s31 =	sshll.u32 s1, $0xD;
	s1 =	sshrl.u32 s1, $0x2  }
0xc1: {  	s3 =	sand.u32 $0x4000, s31;
	s1 =	sadd.s32 s1, s30  }
0xc2: {  	s0 =	sor.u32 s3, s0;
	s1 =	sshll.u32 s1, $0x11  }
0xc3: {  	s0 =	sor.u32 s1, s0  }
0xc4: {  	s0 =	sadd.s32 $0x8F2B, s0  }
0xc5: {  	[sflag:s0] =	ssyncadd.remote.s32 $0x1  }
0xc6: {  	_ =	sfence.sel $0xFFFF  }
0xc7: {  	[dreg:$0x0] =	wrdreg $0xFFFFFFFF;
	(pc) =	sbr.abs _section_cstart, $3  }
0xc8: {  	[dreg:$0x1] =	wrdreg $0xFFFFFFFF  }
0xc9: {  	_ =	task.clear_ibuf [dreg:s8], $0x2FFFF;
	_ =	strace $0x9FFFFFFF  }
0xca: {  	(tm) =	ssettm $0x7FFFFFFF  }
0xcb: {  	_ =	shalt  }
tec
execute0_lowered:
.L_overlay_start_1:
0x0: {  	(tag) =	ssettag $0x1  }
0x1: {  	s7 =	rddreg [dreg:$0x0]  }
0x2: {  	s8 =	rddreg [dreg:$0x1]  }
0x3: {  	s9 =	rddreg [dreg:$0x2]  }
0x4: {  	s1 =	rddreg [dreg:$0x3];
	s2 =	srdreg.scid  }
0x5: {  	s3 =	simm.s32 $0x0;
	s16 =	simm.s32 $0x80;
	s17 =	simm.s32 $0x2800  }
0x6: {  	s18 =	simm.s32 $0x6800;
	s19 =	simm.s32 $0x1;
	s20 =	simm.s32 $0x2  }
0x7: {  	s21 =	simm.s32 $0x1480;
	s22 =	simm.s32 $0x3;
	s23 =	simm.s32 $0x100  }
0x8: {  	s24 =	simm.s32 $0x4;
	s25 =	simm.s32 $0x2700;
	s28 =	simm.s32 $0x2780  }
0x9: {  	s29 =	simm.s32 $0x0;
	s10 =	sand.u32 $0x1, s2;
	s2 =	stileid.u32  }
0xa: {  	[smem:$0x7FF] =	sst s3;
	s4 =	sadd.s32 $0x7200, s7;
	s11 =	smul.u32 $0x280000, s10  }
0xb: {  	s5 =	sadd.s32 $0x2E400, s7;
	s6 =	sadd.s32 $0x4A00, s7;
	s12 =	smul.u32 $0x14000, s2  }
0xc: {  	_ =	strace $0x8000004D;
	s26 =	sshll.u32 s10, $0x4;
	s10 =	ssub.s32 $0x2, s10  }
0xd: {  	s13 =	smul.u32 $0x50000, s2;
	s31 =	sshll.u32 s2, $0x6;
	s14 =	sshrl.u32 s10, $0x1  }
0xe: {  	s11 =	sadd.s32 s12, s11;
	s12 =	sor.u32 s2, s26;
	s14 =	ssub.s32 s10, s14  }
0xf: {  	s30 =	sshrl.u32 s13, $0x2;
	s13 =	simm.s32 $0x1400;
	s12 =	smul.u32 $0x280, s12  }
0x10: {  	s26 =	simm.s32 $0x1380;
	s11 =	sshrl.u32 s11, $0x3;
	s15 =	sadd.s32 s30, s1  }
0x11: {  	s11 =	sadd.s32 s11, s7;
	s15 =	sshrl.u32 s15, $0x3;
	s7 =	sadd.s32 s8, s12  }
0x12: {  	s8 =	sadd.s32 s9, s12;
	s9 =	sadd.s32 $0x55600, s11;
	s10 =	sadd.s32 $0x7D600, s11  }
0x13: {  	s11 =	smax.u32 s14, $0x1;
	s12 =	simm.s32 $0x5;
	s14 =	sor.u32 $0x1C05, s31  }
.LBB2_1:
0x14: {  	[tilespmem:s3], [sflag:$0x5] =	stream.linear.gather [hbm4b:s7+s3], $0x1400, $0x38;
	[tilespmem:$0x1E800] =	vst v63  }
0x15: {  	_ =	swait.ge [sflag:s12], $0x1400  }
0x16: {  	[sflag:s12] =	ssyncset.done $0x0  }
0x17: {  	[sflag:s12] =	ssyncadd.s32 $0xFFFFEC00  }
0x18: {  	[tilespmem:s13], [sflag:$0x5] =	stream.linear.gather [hbm4b:s8+s3], $0x1400, $0x38;
	[tilespmem:$0x1E800] =	vst v63  }
0x19: {  	_ =	swait.ge [sflag:s12], $0x1400  }
0x1a: {  	[sflag:s12] =	ssyncset.done $0x0  }
0x1b: {  	[sflag:s12] =	ssyncadd.s32 $0xFFFFEC00  }
0x1c: {  	[spmem:s15], [sflag:s14] =	dma.local [hbm:s6], $0x2800  }
0x1d: {  	_ =	swait.ge [sflag:s12], $0x2800  }
0x1e: {  	[sflag:s12] =	ssyncset.done $0x0  }
0x1f: {  	[sflag:s12] =	ssyncadd.s32 $0xFFFFD800  }
0x20: {  	[bflag:$0x0] =	sbarrier.arrive $0xFFFF  }
0x21: {  	[tilespmem:s17], [sflag:$0x1] =	stream.indirect.gather [hbm4b:s4+s16], $0x80, s3, s16, $0xb8;
	[tilespmem:$0x1E800] =	vst v63  }
0x22: {  	_ = 	snop  }
0x23: {  	[tilespmem:s18], [sflag:$0x2] =	stream.indirect.gather [hbm4b:s4+s16], $0x80, s16, s16, $0xb8;
	[tilespmem:$0x1E800] =	vst v63  }
0x24: {  	_ =	swait.ge [sflag:s19], $0x4000  }
0x25: {  	[sflag:s19] =	ssyncset.done $0x0  }
0x26: {  	[sflag:s19] =	ssyncadd.s32 $0xFFFFC000  }
0x27: {  	[spmem:s1] =	stream.indirect.scatter.add.f32 [tilespmem:s17], [sflag:$0x3], $0x80, s13, s16, $0xb8;
	[tilespmem:$0x1E800] =	vst v63  }
0x28: {  	_ =	swait.ge [sflag:s20], $0x4000  }
0x29: {  	[sflag:s20] =	ssyncset.done $0x0  }
0x2a: {  	[sflag:s20] =	ssyncadd.s32 $0xFFFFC000  }
0x2b: {  	[spmem:s1] =	stream.indirect.scatter.add.f32 [tilespmem:s18], [sflag:$0x4], $0x80, s21, s16, $0xb8;
	[tilespmem:$0x1E800] =	vst v63  }
0x2c: {  	_ =	swait.ge [sflag:s22], $0x4000  }
0x2d: {  	[sflag:s22] =	ssyncset.done $0x0  }
0x2e: {  	[sflag:s22] =	ssyncadd.s32 $0xFFFFC000  }
0x2f: {  	[tilespmem:s17], [sflag:$0x1] =	stream.indirect.gather [hbm4b:s4+s16], $0x80, s23, s16, $0xb8;
	[tilespmem:$0x1E800] =	vst v63  }
0x30: {  	_ =	swait.ge [sflag:s19], $0x4000  }
0x31: {  	[sflag:s19] =	ssyncset.done $0x0  }
0x32: {  	s30 =	simm.s32 $0x1500;
	[sflag:s19] =	ssyncadd.s32 $0xFFFFC000  }
0x33: {  	[spmem:s1] =	stream.indirect.scatter.add.f32 [tilespmem:s17], [sflag:$0x3], $0x80, s30, s16, $0xb8;
	[tilespmem:$0x1E800] =	vst v63  }
0x34: {  	_ =	swait.ge [sflag:s24], $0x4000  }
0x35: {  	[sflag:s24] =	ssyncset.done $0x0  }
0x36: {  	s30 =	simm.s32 $0x180;
	[sflag:s24] =	ssyncadd.s32 $0xFFFFC000  }
0x37: {  	[tilespmem:s18], [sflag:$0x2] =	stream.indirect.gather [hbm4b:s4+s16], $0x80, s30, s16, $0xb8;
	[tilespmem:$0x1E800] =	vst v63  }
0x38: {  	_ =	swait.ge [sflag:s20], $0x4000  }
0x39: {  	[sflag:s20] =	ssyncset.done $0x0  }
0x3a: {  	s30 =	simm.s32 $0x1580;
	[sflag:s20] =	ssyncadd.s32 $0xFFFFC000  }
0x3b: {  	[spmem:s1] =	stream.indirect.scatter.add.f32 [tilespmem:s18], [sflag:$0x4], $0x80, s30, s16, $0xb8;
	[tilespmem:$0x1E800] =	vst v63  }
0x3c: {  	_ =	swait.ge [sflag:s22], $0x4000  }
0x3d: {  	[sflag:s22] =	ssyncset.done $0x0  }
0x3e: {  	s31 =	simm.s32 $0x200;
	s30 =	simm.s32 $0xFFFFBC00;
	[sflag:s22] =	ssyncadd.s32 $0xFFFFC000  }
.LBB2_2:
0x3f: {  	[tilespmem:s17], [sflag:$0x1] =	stream.indirect.gather [hbm4b:s4+s16], $0x80, s31, s16, $0xb8;
	[tilespmem:$0x1E800] =	vst v63  }
0x40: {  	s31 =	smov.u32 s30  }
0x41: {  	p0 =	sne.s32 s30, $0xFFFFFC00;
	s30 =	sadd.s32 $0x400, s30;
	_ =	swait.ge [sflag:s19], $0x4000  }
0x42: {  	s31 =	sshra.s32 s31, $0x2;
	[sflag:s19] =	ssyncset.done $0x0  }
0x43: {  	s0 =	sadd.s32 $0x2700, s31;
	[sflag:s19] =	ssyncadd.s32 $0xFFFFC000  }
0x44: {  	[spmem:s1] =	stream.indirect.scatter.add.f32 [tilespmem:s17], [sflag:$0x3], $0x80, s0, s16, $0xb8;
	[tilespmem:$0x1E800] =	vst v63  }
0x45: {  	_ =	swait.ge [sflag:s24], $0x4000  }
0x46: {  	[sflag:s24] =	ssyncset.done $0x0  }
0x47: {  	s0 =	sadd.s32 $0x1380, s31;
	[sflag:s24] =	ssyncadd.s32 $0xFFFFC000  }
0x48: {  	[tilespmem:s18], [sflag:$0x2] =	stream.indirect.gather [hbm4b:s4+s16], $0x80, s0, s16, $0xb8;
	[tilespmem:$0x1E800] =	vst v63  }
0x49: {  	_ =	swait.ge [sflag:s20], $0x4000  }
0x4a: {  	[sflag:s20] =	ssyncset.done $0x0  }
.Ltmp0:
0x4b: {  	s0 =	sadd.s32 $0x2780, s31;
	[sflag:s20] =	ssyncadd.s32 $0xFFFFC000;
	(pc) =	sbr.rel @p0 .LBB2_2-.Ltmp0, $4  }
0x4c: {  	[spmem:s1] =	stream.indirect.scatter.add.f32 [tilespmem:s18], [sflag:$0x4], $0x80, s0, s16, $0xb8;
	[tilespmem:$0x1E800] =	vst v63  }
0x4d: {  	_ =	swait.ge [sflag:s22], $0x4000  }
0x4e: {  	[sflag:s22] =	ssyncset.done $0x0  }
0x4f: {  	s31 =	sadd.s32 $0x1400, s31;
	[sflag:s22] =	ssyncadd.s32 $0xFFFFC000  }
0x50: {  	[tilespmem:s17], [sflag:$0x1] =	stream.indirect.gather [hbm4b:s4+s16], $0x80, s31, s16, $0xb8;
	[tilespmem:$0x1E800] =	vst v63  }
0x51: {  	_ =	swait.ge [sflag:s19], $0x4000  }
0x52: {  	[sflag:s19] =	ssyncset.done $0x0  }
0x53: {  	[sflag:s19] =	ssyncadd.s32 $0xFFFFC000  }
0x54: {  	[spmem:s1] =	stream.indirect.scatter.add.f32 [tilespmem:s17], [sflag:$0x3], $0x80, s25, s16, $0xb8;
	[tilespmem:$0x1E800] =	vst v63  }
0x55: {  	_ =	swait.ge [sflag:s24], $0x4000  }
0x56: {  	[sflag:s24] =	ssyncset.done $0x0  }
0x57: {  	[sflag:s24] =	ssyncadd.s32 $0xFFFFC000  }
0x58: {  	[tilespmem:s18], [sflag:$0x2] =	stream.indirect.gather [hbm4b:s4+s16], $0x80, s26, s16, $0xb8;
	[tilespmem:$0x1E800] =	vst v63  }
0x59: {  	_ =	swait.ge [sflag:s20], $0x4000  }
0x5a: {  	[sflag:s20] =	ssyncset.done $0x0  }
0x5b: {  	[sflag:s20] =	ssyncadd.s32 $0xFFFFC000  }
0x5c: {  	[spmem:s1] =	stream.indirect.scatter.add.f32 [tilespmem:s18], [sflag:$0x4], $0x80, s28, s16, $0xb8;
	[tilespmem:$0x1E800] =	vst v63  }
0x5d: {  	_ =	swait.ge [sflag:s22], $0x4000  }
0x5e: {  	[sflag:s22] =	ssyncset.done $0x0  }
0x5f: {  	[sflag:s22] =	ssyncadd.s32 $0xFFFFC000  }
0x60: {  	_ =	swait.ge [sflag:s24], $0x4000  }
0x61: {  	[sflag:s24] =	ssyncset.done $0x0  }
0x62: {  	[sflag:s24] =	ssyncadd.s32 $0xFFFFC000  }
0x63: {  	[bflag:$0x0] =	sbarrier.arrive $0xFFFF  }
0x64: {  	[hbm:s9], [sflag:s14] =	dma.local [spmem:s15], $0x2800  }
0x65: {  	_ =	swait.ge [sflag:s12], $0x2800  }
0x66: {  	[sflag:s12] =	ssyncset.done $0x0  }
0x67: {  	[sflag:s12] =	ssyncadd.s32 $0xFFFFD800  }
0x68: {  	[bflag:$0x0] =	sbarrier.arrive $0xFFFF  }
0x69: {  	[spmem:s15], [sflag:s14] =	dma.local [hbm:s6], $0x2800  }
0x6a: {  	_ =	swait.ge [sflag:s12], $0x2800  }
0x6b: {  	[sflag:s12] =	ssyncset.done $0x0  }
0x6c: {  	[sflag:s12] =	ssyncadd.s32 $0xFFFFD800  }
0x6d: {  	[bflag:$0x0] =	sbarrier.arrive $0xFFFF  }
0x6e: {  	[tilespmem:s17], [sflag:$0x1] =	stream.indirect.gather [hbm4b:s5+s16], $0x80, s3, s16, $0xb8;
	[tilespmem:$0x1E800] =	vst v63  }
0x6f: {  	_ = 	snop  }
0x70: {  	[tilespmem:s18], [sflag:$0x2] =	stream.indirect.gather [hbm4b:s5+s16], $0x80, s16, s16, $0xb8;
	[tilespmem:$0x1E800] =	vst v63  }
0x71: {  	_ =	swait.ge [sflag:s19], $0x4000  }
0x72: {  	[sflag:s19] =	ssyncset.done $0x0  }
0x73: {  	[sflag:s19] =	ssyncadd.s32 $0xFFFFC000  }
0x74: {  	[spmem:s1] =	stream.indirect.scatter.add.f32 [tilespmem:s17], [sflag:$0x3], $0x80, s13, s16, $0xb8;
	[tilespmem:$0x1E800] =	vst v63  }
0x75: {  	_ =	swait.ge [sflag:s20], $0x4000  }
0x76: {  	[sflag:s20] =	ssyncset.done $0x0  }
0x77: {  	[sflag:s20] =	ssyncadd.s32 $0xFFFFC000  }
0x78: {  	[spmem:s1] =	stream.indirect.scatter.add.f32 [tilespmem:s18], [sflag:$0x4], $0x80, s21, s16, $0xb8;
	[tilespmem:$0x1E800] =	vst v63  }
0x79: {  	_ =	swait.ge [sflag:s22], $0x4000  }
0x7a: {  	[sflag:s22] =	ssyncset.done $0x0  }
0x7b: {  	[sflag:s22] =	ssyncadd.s32 $0xFFFFC000  }
0x7c: {  	[tilespmem:s17], [sflag:$0x1] =	stream.indirect.gather [hbm4b:s5+s16], $0x80, s23, s16, $0xb8;
	[tilespmem:$0x1E800] =	vst v63  }
0x7d: {  	_ =	swait.ge [sflag:s19], $0x4000  }
0x7e: {  	[sflag:s19] =	ssyncset.done $0x0  }
0x7f: {  	s0 =	simm.s32 $0x1500;
	[sflag:s19] =	ssyncadd.s32 $0xFFFFC000  }
0x80: {  	[spmem:s1] =	stream.indirect.scatter.add.f32 [tilespmem:s17], [sflag:$0x3], $0x80, s0, s16, $0xb8;
	[tilespmem:$0x1E800] =	vst v63  }
0x81: {  	_ =	swait.ge [sflag:s24], $0x4000  }
0x82: {  	[sflag:s24] =	ssyncset.done $0x0  }
0x83: {  	s0 =	simm.s32 $0x180;
	[sflag:s24] =	ssyncadd.s32 $0xFFFFC000  }
0x84: {  	[tilespmem:s18], [sflag:$0x2] =	stream.indirect.gather [hbm4b:s5+s16], $0x80, s0, s16, $0xb8;
	[tilespmem:$0x1E800] =	vst v63  }
0x85: {  	_ =	swait.ge [sflag:s20], $0x4000  }
0x86: {  	[sflag:s20] =	ssyncset.done $0x0  }
0x87: {  	s0 =	simm.s32 $0x1580;
	[sflag:s20] =	ssyncadd.s32 $0xFFFFC000  }
0x88: {  	[spmem:s1] =	stream.indirect.scatter.add.f32 [tilespmem:s18], [sflag:$0x4], $0x80, s0, s16, $0xb8;
	[tilespmem:$0x1E800] =	vst v63  }
0x89: {  	_ =	swait.ge [sflag:s22], $0x4000  }
0x8a: {  	[sflag:s22] =	ssyncset.done $0x0  }
0x8b: {  	s30 =	simm.s32 $0xFFFFBC00;
	s31 =	simm.s32 $0x200;
	[sflag:s22] =	ssyncadd.s32 $0xFFFFC000  }
.LBB2_4:
0x8c: {  	[tilespmem:s17], [sflag:$0x1] =	stream.indirect.gather [hbm4b:s5+s16], $0x80, s31, s16, $0xb8;
	[tilespmem:$0x1E800] =	vst v63  }
0x8d: {  	s0 =	smov.u32 s30  }
0x8e: {  	p0 =	sne.s32 s30, $0xFFFFFC00;
	s30 =	sadd.s32 $0x400, s30;
	_ =	swait.ge [sflag:s19], $0x4000  }
0x8f: {  	s0 =	sshra.s32 s0, $0x2;
	[sflag:s19] =	ssyncset.done $0x0  }
0x90: {  	s31 =	sadd.s32 $0x2700, s0;
	[sflag:s19] =	ssyncadd.s32 $0xFFFFC000  }
0x91: {  	[spmem:s1] =	stream.indirect.scatter.add.f32 [tilespmem:s17], [sflag:$0x3], $0x80, s31, s16, $0xb8;
	[tilespmem:$0x1E800] =	vst v63  }
0x92: {  	_ =	swait.ge [sflag:s24], $0x4000  }
0x93: {  	[sflag:s24] =	ssyncset.done $0x0  }
0x94: {  	s31 =	sadd.s32 $0x1380, s0;
	[sflag:s24] =	ssyncadd.s32 $0xFFFFC000  }
0x95: {  	[tilespmem:s18], [sflag:$0x2] =	stream.indirect.gather [hbm4b:s5+s16], $0x80, s31, s16, $0xb8;
	[tilespmem:$0x1E800] =	vst v63  }
0x96: {  	_ =	swait.ge [sflag:s20], $0x4000  }
0x97: {  	[sflag:s20] =	ssyncset.done $0x0  }
.Ltmp1:
0x98: {  	s31 =	sadd.s32 $0x2780, s0;
	[sflag:s20] =	ssyncadd.s32 $0xFFFFC000;
	(pc) =	sbr.rel @p0 .LBB2_4-.Ltmp1, $4  }
0x99: {  	[spmem:s1] =	stream.indirect.scatter.add.f32 [tilespmem:s18], [sflag:$0x4], $0x80, s31, s16, $0xb8;
	[tilespmem:$0x1E800] =	vst v63  }
0x9a: {  	_ =	swait.ge [sflag:s22], $0x4000  }
0x9b: {  	[sflag:s22] =	ssyncset.done $0x0  }
0x9c: {  	s31 =	sadd.s32 $0x1400, s0;
	[sflag:s22] =	ssyncadd.s32 $0xFFFFC000  }
0x9d: {  	[tilespmem:s17], [sflag:$0x1] =	stream.indirect.gather [hbm4b:s5+s16], $0x80, s31, s16, $0xb8;
	[tilespmem:$0x1E800] =	vst v63  }
0x9e: {  	_ =	swait.ge [sflag:s19], $0x4000  }
0x9f: {  	[sflag:s19] =	ssyncset.done $0x0  }
0xa0: {  	[sflag:s19] =	ssyncadd.s32 $0xFFFFC000  }
0xa1: {  	[spmem:s1] =	stream.indirect.scatter.add.f32 [tilespmem:s17], [sflag:$0x3], $0x80, s25, s16, $0xb8;
	[tilespmem:$0x1E800] =	vst v63  }
0xa2: {  	_ =	swait.ge [sflag:s24], $0x4000  }
0xa3: {  	[sflag:s24] =	ssyncset.done $0x0  }
0xa4: {  	[sflag:s24] =	ssyncadd.s32 $0xFFFFC000  }
0xa5: {  	[tilespmem:s18], [sflag:$0x2] =	stream.indirect.gather [hbm4b:s5+s16], $0x80, s26, s16, $0xb8;
	[tilespmem:$0x1E800] =	vst v63  }
0xa6: {  	_ =	swait.ge [sflag:s20], $0x4000  }
0xa7: {  	[sflag:s20] =	ssyncset.done $0x0  }
0xa8: {  	[sflag:s20] =	ssyncadd.s32 $0xFFFFC000  }
0xa9: {  	[spmem:s1] =	stream.indirect.scatter.add.f32 [tilespmem:s18], [sflag:$0x4], $0x80, s28, s16, $0xb8;
	[tilespmem:$0x1E800] =	vst v63  }
0xaa: {  	_ =	swait.ge [sflag:s22], $0x4000  }
0xab: {  	[sflag:s22] =	ssyncset.done $0x0  }
0xac: {  	[sflag:s22] =	ssyncadd.s32 $0xFFFFC000  }
0xad: {  	_ =	swait.ge [sflag:s24], $0x4000  }
0xae: {  	[sflag:s24] =	ssyncset.done $0x0  }
0xaf: {  	s29 =	sadd.s32 $0x1, s29;
	[sflag:s24] =	ssyncadd.s32 $0xFFFFC000  }
0xb0: {  	p0 =	sne.s32 s29, s11;
	[bflag:$0x0] =	sbarrier.arrive $0xFFFF  }
0xb1: {  	[hbm:s10], [sflag:s14] =	dma.local [spmem:s15], $0x2800  }
.Ltmp2:
0xb2: {  	_ =	swait.ge [sflag:s12], $0x2800;
	(pc) =	sbr.rel @p0 .LBB2_1-.Ltmp2, $3  }
0xb3: {  	[sflag:s12] =	ssyncset.done $0x0  }
0xb4: {  	[sflag:s12] =	ssyncadd.s32 $0xFFFFD800  }
0xb5: {  	[bflag:$0x0] =	sbarrier.arrive $0xFFFF;
	_ =	sdelay $0x1  }
0xb6: {  	_ =	sfence.sel $0x180000  }
0xb7: {  	[bflag:$0x0] =	sbarrier.arrive $0xFFFF  }
0xb8: {  	_ =	strace $0x9000004D  }
0xb9: {  	[bflag:$0x2] =	sbarrier.arrive $0xFFFF  }
0xba: {  	p0 =	sne.s32 s2, $0x0;
	s0 =	rddreg [dreg:$0x4]  }
0xbb: {  	s0 =	sadd.s32 @!p0 $0x100000, s0  }
0xbc: {  	[sflag:s0] =	ssyncadd.tile.s32 @!p0 $0x1;
	_ =	shalt  }
.Lfunc_end2:
_tile_overlayer_lowered:
.L_overlay_start_2:
0xbd: {  	(tag) =	ssettag $0x2  }
0xbe: {  	s0 =	rddreg [dreg:$0x0];
	s2 =	stileid.u32  }
0xbf: {  	s1 =	rddreg [dreg:$0x1];
	p0 =	sne.s32 s2, $0x0  }
0xc0: {  	s3 =	rddreg [dreg:$0x2];
	[bflag:$0x3] =	sbarrier.arrive $0xFFFF;
	s2 =	simm.s32 @!p0 $0x1C05  }
0xc1: {  	[timem:s3], [sflag:s2] =	dma.local @!p0 [hbm:s0], s1  }
0xc2: {  	s0 =	simm.s32 @!p0 $0x5  }
0xc3: {  	_ =	swait.ge @!p0 [sflag:s0], s1  }
0xc4: {  	s1 =	ssub.s32 @!p0 $0x0, s1;
	[sflag:s0] =	ssyncset.done @!p0 $0x0  }
0xc5: {  	[sflag:s0] =	ssyncadd.s32 @!p0 s1  }
0xc6: {  	[bflag:$0x3] =	sbarrier.arrive $0xFFFF  }
0xc7: {  	_ =	shalt  }

// kernel: kernel.19.cloned.1.call-start
scs
__scs_entry_jumppad:
0x0: {  	(pc) =	sbr.rel $0x88, $3  }
0x1: {  	(tag) =	ssettag $0x0;
	lr =	simm.s32 $0x1  }
0x2: {  	[smem:$0x3F94] =	sst lr;
	_ =	strace $0xD0000000  }
0x3: {  	_ = 	snop  }
0x4: {  	_ = 	snop  }
0x5: {  	_ = 	snop  }
0x6: {  	_ = 	snop  }
0x7: {  	_ = 	snop  }
__scs_overlays_trampoline_lowered:
0x8: {  	[smem:$0x3FA3] =	sst s0  }
0x9: {  	[smem:$0x3FA4] =	sst s1  }
0xa: {  	[smem:$0x3FA5] =	sst s2  }
0xb: {  	[smem:$0x3FA6] =	sst s3  }
0xc: {  	[smem:$0x3FA7] =	sst s4  }
0xd: {  	[smem:$0x3FA8] =	sst s5  }
0xe: {  	[smem:$0x3FA9] =	sst s6  }
0xf: {  	[smem:$0x3FAA] =	sst s7  }
0x10: {  	[smem:$0x3FAB] =	sst s8  }
0x11: {  	[smem:$0x3FAC] =	sst s9;
	s0 =	simm.s32 @!p0 $0x0  }
0x12: {  	s1 =	sld [smem:$0x3F92];
	s0 =	simm.s32 @p0 $0x1  }
0x13: {  	[smem:$0x3FAD] =	sst s0;
	s0 =	simm.s32 @!p1 $0x0  }
0x14: {  	s2 =	sld [smem:$0x3F91];
	s0 =	simm.s32 @p1 $0x1  }
0x15: {  	[smem:$0x3FAE] =	sst s0;
	s0 =	simm.s32 @!p2 $0x0  }
0x16: {  	s3 =	sld [smem:$0x3FDB];
	s0 =	simm.s32 @p2 $0x1  }
0x17: {  	s4 =	simm.s32 $0x1BF5;
	[smem:$0x3FB0] =	sst s0  }
0x18: {  	s0 =	sld [smem:$0x3F93];
	_ =	swait.ge [sflag:s4], $0x0  }
0x19: {  	s7 =	sld [smem:$0x3F94]  }
0x1a: {  	s8 =	sadd.s32 $0xFFFFE003, lr  }
0x1b: {  	s9 =	sadd.s32 $0xFFFFFEF7, lr;
	s5 =	simm.s32 $0xFFFFFFFF;
	p2 =	slt.u32 s8, $0xFFFFF086  }
0x1c: {  	p1 =	slt.u32 s9, $0xF7A;
	s5 =	simm.s32 @!p2 $0x0  }
0x1d: {  	s5 =	simm.s32 @p1 $0x1;
	p0 =	seq.s32 s7, s2  }
0x1e: {  	s7 =	smul.u32 @!p0 $0xF7A, s2;
	p2 =	seq.s32 @!p0 s5, $0x0  }
0x1f: {  	s9 =	smul.u32 $0xF7A, s1;
	s8 =	simm.s32 @!p0 $0x1BF5;
	p2 =	por !p2, p0  }
0x20: {  	[sflag:s8] =	ssyncset.s32 @!p0 $0xFFFFF086;
	s6 =	sadd.s32 @!p0 s3, s7;
	s7 =	simm.s32 @!p0 $0x108  }
0x21: {  	s3 =	sadd.s32 s3, s9;
	s6 =	sadd.s32 @!p0 $0x88, s6;
	s7 =	simm.s32 @p2 $0x1082  }
0x22: {  	[simem:s7], [sflag:s8] =	dma.local @!p0 [hbm:s6], $0xF7A  }
0x23: {  	s9 =	sor.u32 $0xD0000000, s2;
	s6 =	simm.s32 $0x108;
	_ =	swait.ge @!p0 [sflag:s8], $0x0  }
0x24: {  	s3 =	sadd.s32 $0x88, s3;
	s6 =	simm.s32 @!p1 $0x1082;
	[sflag:s4] =	ssyncset.s32 $0xFFFFF086  }
0x25: {  	[simem:s6], [sflag:s4] =	dma.local [hbm:s3], $0xF7A  }
0x26: {  	[smem:$0x3F94] =	sst s1;
	(tag) =	ssettag s2;
	_ =	strace s9  }
0x27: {  	s1 =	sld [smem:$0x3FA4]  }
0x28: {  	s2 =	sld [smem:$0x3FA5]  }
0x29: {  	s4 =	sld [smem:$0x3FA7]  }
0x2a: {  	p0 =	seq.s32 s5, $0x0;
	s5 =	sld [smem:$0x3FA8]  }
0x2b: {  	s6 =	sld [smem:$0x3FA9]  }
0x2c: {  	s7 =	sld [smem:$0x3FAA]  }
0x2d: {  	s3 =	simm.s32 $0x108;
	s8 =	sld [smem:$0x3FAB]  }
0x2e: {  	s3 =	simm.s32 @!p0 $0x1082;
	s9 =	sld [smem:$0x3FAC]  }
0x2f: {  	lr =	sadd.s32 s0, s3;
	s0 =	sld [smem:$0x3FA3]  }
0x30: {  	s3 =	sld [smem:$0x3FA6]  }
0x31: {  	[smem:$0x3FAF] =	sst s10  }
0x32: {  	s10 =	sld [smem:$0x3FAD];
	_ =	sdelay $0x3  }
0x33: {  	p0 =	seq.s32 s10, $0x1;
	s10 =	sld [smem:$0x3FAF];
	_ =	sdelay $0x3  }
0x34: {  	[smem:$0x3FAF] =	sst s10  }
0x35: {  	s10 =	sld [smem:$0x3FAE];
	_ =	sdelay $0x3  }
0x36: {  	p1 =	seq.s32 s10, $0x1;
	s10 =	sld [smem:$0x3FAF];
	_ =	sdelay $0x3  }
0x37: {  	[smem:$0x3FAF] =	sst s10  }
0x38: {  	s10 =	sld [smem:$0x3FB0]  }
0x39: {  	_ = 	snop;
	(pc) =	sbr.ind lr, $3  }
0x3a: {  	_ = 	snop  }
0x3b: {  	_ = 	snop  }
0x3c: {  	p2 =	seq.s32 s10, $0x1;
	s10 =	sld [smem:$0x3FAF]  }
0x3d: {  	_ =	shalt  }
0x3e: {  	_ =	shalt  }
0x3f: {  	_ =	shalt  }
0x40: {  	_ =	shalt  }
0x41: {  	_ =	shalt  }
0x42: {  	_ =	shalt  }
0x43: {  	_ =	shalt  }
0x44: {  	_ =	shalt  }
0x45: {  	_ =	shalt  }
0x46: {  	_ =	shalt  }
0x47: {  	_ =	shalt  }
0x48: {  	_ =	shalt  }
0x49: {  	_ =	shalt  }
0x4a: {  	_ =	shalt  }
0x4b: {  	_ =	shalt  }
0x4c: {  	_ =	shalt  }
0x4d: {  	_ =	shalt  }
0x4e: {  	_ =	shalt  }
0x4f: {  	_ =	shalt  }
0x50: {  	_ =	shalt  }
0x51: {  	_ =	shalt  }
0x52: {  	_ =	shalt  }
0x53: {  	_ =	shalt  }
0x54: {  	_ =	shalt  }
0x55: {  	_ =	shalt  }
0x56: {  	_ =	shalt  }
0x57: {  	_ =	shalt  }
0x58: {  	_ =	shalt  }
0x59: {  	_ =	shalt  }
0x5a: {  	_ =	shalt  }
0x5b: {  	_ =	shalt  }
0x5c: {  	_ =	shalt  }
0x5d: {  	_ =	shalt  }
0x5e: {  	_ =	shalt  }
0x5f: {  	_ =	shalt  }
0x60: {  	_ =	shalt  }
0x61: {  	_ =	shalt  }
0x62: {  	_ =	shalt  }
0x63: {  	_ =	shalt  }
0x64: {  	_ =	shalt  }
0x65: {  	_ =	shalt  }
0x66: {  	_ =	shalt  }
0x67: {  	_ =	shalt  }
0x68: {  	_ =	shalt  }
0x69: {  	_ =	shalt  }
0x6a: {  	_ =	shalt  }
0x6b: {  	_ =	shalt  }
0x6c: {  	_ =	shalt  }
0x6d: {  	_ =	shalt  }
0x6e: {  	_ =	shalt  }
0x6f: {  	_ =	shalt  }
0x70: {  	_ =	shalt  }
0x71: {  	_ =	shalt  }
0x72: {  	_ =	shalt  }
0x73: {  	_ =	shalt  }
0x74: {  	_ =	shalt  }
0x75: {  	_ =	shalt  }
0x76: {  	_ =	shalt  }
0x77: {  	_ =	shalt  }
0x78: {  	_ =	shalt  }
0x79: {  	_ =	shalt  }
0x7a: {  	_ =	shalt  }
0x7b: {  	_ =	shalt  }
0x7c: {  	_ =	shalt  }
0x7d: {  	_ =	shalt  }
0x7e: {  	_ =	shalt  }
0x7f: {  	_ =	shalt  }
0x80: {  	_ =	shalt  }
0x81: {  	_ =	shalt  }
0x82: {  	_ =	shalt  }
0x83: {  	_ =	shalt  }
0x84: {  	_ =	shalt  }
0x85: {  	_ =	shalt  }
0x86: {  	_ =	shalt  }
0x87: {  	_ =	shalt  }
.Lfunc_end0:
.L_simem_size_0:
called_computation.3_lowered:
.L_overlay_start_0:
0x88: {  	s2 =	sld [smem:$0x3FD9]  }
0x89: {  	s3 =	sld [smem:$0x3FFE];
	_ =	sdelay $0x1  }
0x8a: {  	s1 =	srdreg.scid  }
0x8b: {  	s0 =	sand.u32 $0x1, s1  }
0x8c: {  	s17 =	sshll.u32 s0, $0xA;
	s2 =	sadd.s32 s3, s2  }
0x8d: {  	s2 =	sadd.s32 s2, s17  }
0x8e: {  	[smem:$0x3FBB] =	sst s2  }
0x8f: {  	_ = 	snop  }
0x90: {  	s2 =	sld [smem:$0x3FC7]  }
0x91: {  	s18 =	sld [smem:$0x3FC6];
	(tm) =	ssettm $0x1  }
0x92: {  	s4 =	sld [smem:$0x3FFB];
	_ =	sdelay $0x3  }
0x93: {  	_ =	strace s4  }
0x94: {  	s4 =	sld [smem:$0x3FFC];
	_ =	sdelay $0x3  }
0x95: {  	_ =	strace s4  }
0x96: {  	s4 =	sld [smem:$0x3FFD];
	_ =	sdelay $0x3  }
0x97: {  	_ =	strace s4  }
0x98: {  	_ =	strace $0x8FFFFFFF  }
0x99: {  	s19 =	sld [smem:$0x3FDB];
	_ =	sdelay $0x1  }
0x9a: {  	s5 =	simm.s32 $_scs_section_size  }
0x9b: {  	s6 =	simm.s32 $_size__tile_overlayer_lowered;
	s7 =	simm.s32 $_tile_overlayer_lowered  }
0x9c: {  	s22 =	simm.s32 $0x1BFF;
	s21 =	sshll.u32 s7, $0x1;
	s4 =	sadd.s32 s5, s19  }
0x9d: {  	s8 =	simm.s32 $0x0;
	s20 =	sshll.u32 s6, $0x1;
	s6 =	sadd.s32 s21, s4  }
0x9e: {  	[timem:s8], [sflag:s22] =	dma.local [hbm:s6], s20  }
0x9f: {  	_ =	swait.ge [sflag:s22], s20  }
0xa0: {  	s5 =	ssub.s32 $0x0, s20;
	[sflag:s22] =	ssyncset.done $0x0  }
0xa1: {  	[sflag:s22] =	ssyncadd.s32 s5;
	_ =	sdelay $0x1  }
0xa2: {  	s23 =	simm.s32 $0x1B8B  }
0xa3: {  	_ =	swait.ge [sflag:s23], $0x1  }
0xa4: {  	[sflag:s23] =	ssyncset.done $0x0  }
0xa5: {  	s25 =	simm.s32 $0x1B8E;
	s24 =	sld [smem:$0x3FFE];
	[sflag:s23] =	ssyncadd.s32 $0xFFFFFFFF  }
0xa6: {  	s26 =	simm.s32 $execute0_lowered;
	[smem:$0x3FD2] =	sst s25  }
0xa7: {  	s6 =	sshll.u32 s26, $0x1;
	_ =	strace $0x8000004F;
	[dreg:$0x1] =	wrdreg $0xFFFFFFFF  }
0xa8: {  	s28 =	simm.s32 $_size_execute0_lowered;
	s4 =	sadd.s32 s4, s6;
	[dreg:$0x0] =	wrdreg $0x0  }
0xa9: {  	s6 =	sshll.u32 s28, $0x1;
	[dreg:$0x2] =	wrdreg s4  }
0xaa: {  	[dreg:$0x3] =	wrdreg s6  }
0xab: {  	[dreg:$0x4] =	wrdreg $0xC0  }
0xac: {  	_ =	task [dreg:s8], $0x5FFFF  }
0xad: {  	[dreg:$0x1] =	wrdreg $0xFFFFFFFF  }
0xae: {  	[dreg:$0x0] =	wrdreg $0x60  }
0xaf: {  	[dreg:$0x2] =	wrdreg s24  }
0xb0: {  	[dreg:$0x3] =	wrdreg s2  }
0xb1: {  	[dreg:$0x4] =	wrdreg s18  }
0xb2: {  	[dreg:$0x5] =	wrdreg $0x9  }
0xb3: {  	_ =	task.clear_ibuf [dreg:s8], $0x6FFFF;
	_ =	strace $0x9000004F  }
0xb4: {  	s29 =	simm.s32 $0x9;
	_ =	strace $0x80000051  }
0xb5: {  	_ =	swait.ge [sflag:s29], $0x1  }
0xb6: {  	[sflag:s29] =	ssyncadd.s32 $0xFFFFFFFF  }
0xb7: {  	_ =	strace $0x90000051  }
0xb8: {  	_ =	sfence  }
0xb9: {  	s30 =	sld [smem:$0x0];
	_ =	sdelay $0x2  }
0xba: {  	s31 =	sshll.u32 s1, $0xD;
	s1 =	sshrl.u32 s1, $0x2  }
0xbb: {  	s3 =	sand.u32 $0x4000, s31;
	s1 =	sadd.s32 s1, s30  }
0xbc: {  	s0 =	sor.u32 s3, s0;
	s1 =	sshll.u32 s1, $0x11  }
0xbd: {  	s0 =	sor.u32 s1, s0  }
0xbe: {  	s0 =	sadd.s32 $0x8F2B, s0  }
0xbf: {  	[sflag:s0] =	ssyncadd.remote.s32 $0x1  }
0xc0: {  	_ =	sfence.sel $0xFFFF  }
0xc1: {  	[dreg:$0x0] =	wrdreg $0xFFFFFFFF;
	(pc) =	sbr.abs _section_cstart, $3  }
0xc2: {  	[dreg:$0x1] =	wrdreg $0xFFFFFFFF  }
0xc3: {  	_ =	task.clear_ibuf [dreg:s8], $0x2FFFF;
	_ =	strace $0x9FFFFFFF  }
0xc4: {  	(tm) =	ssettm $0x7FFFFFFF  }
0xc5: {  	_ =	shalt  }
tec
execute0_lowered:
.L_overlay_start_1:
0x0: {  	(tag) =	ssettag $0x1  }
0x1: {  	s4 =	rddreg [dreg:$0x0]  }
0x2: {  	s5 =	rddreg [dreg:$0x1]  }
0x3: {  	s7 =	rddreg [dreg:$0x2]  }
0x4: {  	s0 =	rddreg [dreg:$0x3];
	s1 =	simm.s32 $0x0  }
0x5: {  	s6 =	srdreg.scid;
	s2 =	stileid.u32;
	s14 =	simm.s32 $0x1100  }
0x6: {  	s15 =	simm.s32 $0x1900;
	s16 =	simm.s32 $0x2100;
	s17 =	simm.s32 $0x2900  }
0x7: {  	s18 =	simm.s32 $0x3100;
	s19 =	simm.s32 $0x3900;
	s20 =	simm.s32 $0x4100  }
0x8: {  	s21 =	simm.s32 $0x4900;
	s22 =	simm.s32 $0x5100;
	s23 =	simm.s32 $0x5900  }
0x9: {  	s24 =	simm.s32 $0x6100;
	s28 =	simm.s32 $0x7900;
	s29 =	simm.s32 $0x1  }
0xa: {  	[smem:$0x7FF] =	sst s1;
	s3 =	sadd.s32 $0x4200, s4;
	s6 =	sand.u32 $0x1, s6  }
0xb: {  	s8 =	sadd.s32 $0x52400, s4;
	s10 =	sshll.u32 s2, $0x8;
	s9 =	sshll.u32 s6, $0xC  }
0xc: {  	s11 =	sadd.s32 $0x92400, s4;
	s25 =	ssub.s32 $0x2, s6;
	s26 =	sor.u32 s10, s9  }
0xd: {  	_ =	strace $0x80000050;
	s30 =	sshrl.u32 s25, $0x1;
	s10 =	sshrl.u32 s26, $0x3  }
0xe: {  	s12 =	sshll.u32 s26, $0x5;
	s13 =	ssub.s32 s25, s30;
	s25 =	simm.s32 $0x6900  }
0xf: {  	s26 =	simm.s32 $0x7100;
	s4 =	sadd.s32 s5, s10;
	s31 =	sor.u32 $0x1000, s12  }
0x10: {  	v2 =	vlaneseq.u32;
	s5 =	sadd.s32 s8, s12;
	s7 =	sadd.s32 s7, s10;
	s10 =	smax.u32 s13, $0x1  }
0x11: {  	vm0 =	vmmov $0xffff;
	v1 =	vshrl.u32 v2, $0x3;
	s13 =	simm.s32 $0x900;
	s6 =	sadd.s32 s8, s31;
	s8 =	sadd.s32 s11, s12  }
0x12: {  	v0 =	vand.u32 $0x7, v2;
	v2 =	vor.u32 $0x8, v2;
	v1 =	vmul.u32 $0x8, v1;
	s9 =	sadd.s32 s11, s31;
	s11 =	simm.s32 $0x2;
	s12 =	simm.s32 $0x100  }
.LBB2_1:
0x13: {  	[tilespmem:s1], [sflag:$0x2] =	stream.linear.gather [hbm4b:s4+s1], $0x100, $0x38;
	[tilespmem:$0x8100] =	vst v63  }
0x14: {  	_ =	swait.ge [sflag:s11], $0x100  }
0x15: {  	[sflag:s11] =	ssyncset.done $0x0  }
0x16: {  	[sflag:s11] =	ssyncadd.s32 $0xFFFFFF00  }
0x17: {  	v3 =	vld [tilespmem:$0x0];
	_ =	sdelay $0x4  }
0x18: {  	v4 =	vshll.u32 v3, $0x1  }
0x19: {  	v3 =	vand.u32 $0x7, v3;
	v4 =	vand.u32 $0xFFFFFFF0, v4  }
0x1a: {  	v3 =	vor.u32 v3, v4  }
0x1b: {  	v4 =	vperm.xlane v3, v0;
	_ =	sdelay $0x1  }
0x1c: {  	v3 =	vperm.xlane v3, v2;
	v4 =	vadd.s32 v1, v4;
	_ =	sdelay $0x1  }
0x1d: {  	v3 =	vadd.s32 v1, v3;
	_ =	sdelay $0x2  }
0x1e: {  	[tilespmem:s12], [sflag:$0x1] =	stream.indirect_vreg.gather [hbm4b:s3+s1], $0x80, v4, vm0, $0xb8;
	[tilespmem:$0x8100] =	vst v63  }
0x1f: {  	_ = 	snop  }
0x20: {  	[tilespmem:s13], [sflag:$0x1] =	stream.indirect_vreg.gather [hbm4b:s3+s1], $0x80, v3, vm0, $0xb8;
	[tilespmem:$0x8100] =	vst v63  }
0x21: {  	v3 =	vld [tilespmem:$0x10];
	_ =	sdelay $0x4  }
0x22: {  	v33 =	vshll.u32 v3, $0x1  }
0x23: {  	v3 =	vand.u32 $0x7, v3;
	v4 =	vand.u32 $0xFFFFFFF0, v33  }
0x24: {  	v3 =	vor.u32 v3, v4  }
0x25: {  	v4 =	vperm.xlane v3, v0;
	_ =	sdelay $0x1  }
0x26: {  	v3 =	vperm.xlane v3, v2;
	v4 =	vadd.s32 v1, v4;
	_ =	sdelay $0x1  }
0x27: {  	v3 =	vadd.s32 v1, v3;
	_ =	sdelay $0x2  }
0x28: {  	[tilespmem:s14], [sflag:$0x1] =	stream.indirect_vreg.gather [hbm4b:s3+s1], $0x80, v4, vm0, $0xb8;
	[tilespmem:$0x8100] =	vst v63  }
0x29: {  	_ = 	snop  }
0x2a: {  	[tilespmem:s15], [sflag:$0x1] =	stream.indirect_vreg.gather [hbm4b:s3+s1], $0x80, v3, vm0, $0xb8;
	[tilespmem:$0x8100] =	vst v63  }
0x2b: {  	v3 =	vld [tilespmem:$0x20];
	_ =	sdelay $0x4  }
0x2c: {  	v34 =	vshll.u32 v3, $0x1  }
0x2d: {  	v3 =	vand.u32 $0x7, v3;
	v4 =	vand.u32 $0xFFFFFFF0, v34  }
0x2e: {  	v3 =	vor.u32 v3, v4  }
0x2f: {  	v4 =	vperm.xlane v3, v0;
	_ =	sdelay $0x1  }
0x30: {  	v3 =	vperm.xlane v3, v2;
	v4 =	vadd.s32 v1, v4;
	_ =	sdelay $0x1  }
0x31: {  	v3 =	vadd.s32 v1, v3;
	_ =	sdelay $0x2  }
0x32: {  	[tilespmem:s16], [sflag:$0x1] =	stream.indirect_vreg.gather [hbm4b:s3+s1], $0x80, v4, vm0, $0xb8;
	[tilespmem:$0x8100] =	vst v63  }
0x33: {  	_ = 	snop  }
0x34: {  	[tilespmem:s17], [sflag:$0x1] =	stream.indirect_vreg.gather [hbm4b:s3+s1], $0x80, v3, vm0, $0xb8;
	[tilespmem:$0x8100] =	vst v63  }
0x35: {  	v3 =	vld [tilespmem:$0x30];
	_ =	sdelay $0x4  }
0x36: {  	v35 =	vshll.u32 v3, $0x1  }
0x37: {  	v3 =	vand.u32 $0x7, v3;
	v4 =	vand.u32 $0xFFFFFFF0, v35  }
0x38: {  	v3 =	vor.u32 v3, v4  }
0x39: {  	v4 =	vperm.xlane v3, v0;
	_ =	sdelay $0x1  }
0x3a: {  	v3 =	vperm.xlane v3, v2;
	v4 =	vadd.s32 v1, v4;
	_ =	sdelay $0x1  }
0x3b: {  	v3 =	vadd.s32 v1, v3;
	_ =	sdelay $0x2  }
0x3c: {  	[tilespmem:s18], [sflag:$0x1] =	stream.indirect_vreg.gather [hbm4b:s3+s1], $0x80, v4, vm0, $0xb8;
	[tilespmem:$0x8100] =	vst v63  }
0x3d: {  	_ = 	snop  }
0x3e: {  	[tilespmem:s19], [sflag:$0x1] =	stream.indirect_vreg.gather [hbm4b:s3+s1], $0x80, v3, vm0, $0xb8;
	[tilespmem:$0x8100] =	vst v63  }
0x3f: {  	v3 =	vld [tilespmem:$0x40];
	_ =	sdelay $0x4  }
0x40: {  	v36 =	vshll.u32 v3, $0x1  }
0x41: {  	v3 =	vand.u32 $0x7, v3;
	v4 =	vand.u32 $0xFFFFFFF0, v36  }
0x42: {  	v3 =	vor.u32 v3, v4  }
0x43: {  	v4 =	vperm.xlane v3, v0;
	_ =	sdelay $0x1  }
0x44: {  	v3 =	vperm.xlane v3, v2;
	v4 =	vadd.s32 v1, v4;
	_ =	sdelay $0x1  }
0x45: {  	v3 =	vadd.s32 v1, v3;
	_ =	sdelay $0x2  }
0x46: {  	[tilespmem:s20], [sflag:$0x1] =	stream.indirect_vreg.gather [hbm4b:s3+s1], $0x80, v4, vm0, $0xb8;
	[tilespmem:$0x8100] =	vst v63  }
0x47: {  	_ = 	snop  }
0x48: {  	[tilespmem:s21], [sflag:$0x1] =	stream.indirect_vreg.gather [hbm4b:s3+s1], $0x80, v3, vm0, $0xb8;
	[tilespmem:$0x8100] =	vst v63  }
0x49: {  	v3 =	vld [tilespmem:$0x50];
	_ =	sdelay $0x4  }
0x4a: {  	v37 =	vshll.u32 v3, $0x1  }
0x4b: {  	v3 =	vand.u32 $0x7, v3;
	v4 =	vand.u32 $0xFFFFFFF0, v37  }
0x4c: {  	v3 =	vor.u32 v3, v4  }
0x4d: {  	v4 =	vperm.xlane v3, v0;
	_ =	sdelay $0x1  }
0x4e: {  	v3 =	vperm.xlane v3, v2;
	v4 =	vadd.s32 v1, v4;
	_ =	sdelay $0x1  }
0x4f: {  	v3 =	vadd.s32 v1, v3;
	_ =	sdelay $0x2  }
0x50: {  	[tilespmem:s22], [sflag:$0x1] =	stream.indirect_vreg.gather [hbm4b:s3+s1], $0x80, v4, vm0, $0xb8;
	[tilespmem:$0x8100] =	vst v63  }
0x51: {  	_ = 	snop  }
0x52: {  	[tilespmem:s23], [sflag:$0x1] =	stream.indirect_vreg.gather [hbm4b:s3+s1], $0x80, v3, vm0, $0xb8;
	[tilespmem:$0x8100] =	vst v63  }
0x53: {  	v3 =	vld [tilespmem:$0x60];
	_ =	sdelay $0x4  }
0x54: {  	v38 =	vshll.u32 v3, $0x1  }
0x55: {  	v3 =	vand.u32 $0x7, v3;
	v4 =	vand.u32 $0xFFFFFFF0, v38  }
0x56: {  	v3 =	vor.u32 v3, v4  }
0x57: {  	v4 =	vperm.xlane v3, v0;
	_ =	sdelay $0x1  }
0x58: {  	v3 =	vperm.xlane v3, v2;
	v4 =	vadd.s32 v1, v4;
	_ =	sdelay $0x1  }
0x59: {  	v3 =	vadd.s32 v1, v3;
	_ =	sdelay $0x2  }
0x5a: {  	[tilespmem:s24], [sflag:$0x1] =	stream.indirect_vreg.gather [hbm4b:s3+s1], $0x80, v4, vm0, $0xb8;
	[tilespmem:$0x8100] =	vst v63  }
0x5b: {  	_ = 	snop  }
0x5c: {  	[tilespmem:s25], [sflag:$0x1] =	stream.indirect_vreg.gather [hbm4b:s3+s1], $0x80, v3, vm0, $0xb8;
	[tilespmem:$0x8100] =	vst v63  }
0x5d: {  	v3 =	vld [tilespmem:$0x70];
	_ =	sdelay $0x4  }
0x5e: {  	v39 =	vshll.u32 v3, $0x1  }
0x5f: {  	v3 =	vand.u32 $0x7, v3;
	v4 =	vand.u32 $0xFFFFFFF0, v39  }
0x60: {  	v3 =	vor.u32 v3, v4  }
0x61: {  	v4 =	vperm.xlane v3, v0;
	_ =	sdelay $0x1  }
0x62: {  	v3 =	vperm.xlane v3, v2;
	v4 =	vadd.s32 v1, v4;
	_ =	sdelay $0x1  }
0x63: {  	v3 =	vadd.s32 v1, v3;
	_ =	sdelay $0x2  }
0x64: {  	[tilespmem:s26], [sflag:$0x1] =	stream.indirect_vreg.gather [hbm4b:s3+s1], $0x80, v4, vm0, $0xb8;
	[tilespmem:$0x8100] =	vst v63  }
0x65: {  	_ = 	snop  }
0x66: {  	[tilespmem:s28], [sflag:$0x1] =	stream.indirect_vreg.gather [hbm4b:s3+s1], $0x80, v3, vm0, $0xb8;
	[tilespmem:$0x8100] =	vst v63  }
0x67: {  	_ =	swait.ge [sflag:s29], $0x8000  }
0x68: {  	[sflag:s29] =	ssyncset.done $0x0  }
0x69: {  	[sflag:s29] =	ssyncadd.s32 $0xFFFF8000  }
0x6a: {  	[hbm4b:s5+s1] =	stream.linear.scatter [tilespmem:s12], [sflag:$0x2], $0x8000, $0x38;
	[tilespmem:$0x8100] =	vst v63  }
0x6b: {  	_ =	swait.ge [sflag:s11], $0x8000  }
0x6c: {  	[sflag:s11] =	ssyncset.done $0x0  }
0x6d: {  	[sflag:s11] =	ssyncadd.s32 $0xFFFF8000  }
0x6e: {  	v3 =	vld [tilespmem:$0x80];
	_ =	sdelay $0x4  }
0x6f: {  	v40 =	vshll.u32 v3, $0x1  }
0x70: {  	v3 =	vand.u32 $0x7, v3;
	v4 =	vand.u32 $0xFFFFFFF0, v40  }
0x71: {  	v3 =	vor.u32 v3, v4  }
0x72: {  	v4 =	vperm.xlane v3, v0;
	_ =	sdelay $0x1  }
0x73: {  	v3 =	vperm.xlane v3, v2;
	v4 =	vadd.s32 v1, v4;
	_ =	sdelay $0x1  }
0x74: {  	v3 =	vadd.s32 v1, v3;
	_ =	sdelay $0x2  }
0x75: {  	[tilespmem:s12], [sflag:$0x1] =	stream.indirect_vreg.gather [hbm4b:s3+s1], $0x80, v4, vm0, $0xb8;
	[tilespmem:$0x8100] =	vst v63  }
0x76: {  	_ = 	snop  }
0x77: {  	[tilespmem:s13], [sflag:$0x1] =	stream.indirect_vreg.gather [hbm4b:s3+s1], $0x80, v3, vm0, $0xb8;
	[tilespmem:$0x8100] =	vst v63  }
0x78: {  	v3 =	vld [tilespmem:$0x90];
	_ =	sdelay $0x4  }
0x79: {  	v41 =	vshll.u32 v3, $0x1  }
0x7a: {  	v3 =	vand.u32 $0x7, v3;
	v4 =	vand.u32 $0xFFFFFFF0, v41  }
0x7b: {  	v3 =	vor.u32 v3, v4  }
0x7c: {  	v4 =	vperm.xlane v3, v0;
	_ =	sdelay $0x1  }
0x7d: {  	v3 =	vperm.xlane v3, v2;
	v4 =	vadd.s32 v1, v4;
	_ =	sdelay $0x1  }
0x7e: {  	v3 =	vadd.s32 v1, v3;
	_ =	sdelay $0x2  }
0x7f: {  	[tilespmem:s14], [sflag:$0x1] =	stream.indirect_vreg.gather [hbm4b:s3+s1], $0x80, v4, vm0, $0xb8;
	[tilespmem:$0x8100] =	vst v63  }
0x80: {  	_ = 	snop  }
0x81: {  	[tilespmem:s15], [sflag:$0x1] =	stream.indirect_vreg.gather [hbm4b:s3+s1], $0x80, v3, vm0, $0xb8;
	[tilespmem:$0x8100] =	vst v63  }
0x82: {  	v3 =	vld [tilespmem:$0xA0];
	_ =	sdelay $0x4  }
0x83: {  	v42 =	vshll.u32 v3, $0x1  }
0x84: {  	v3 =	vand.u32 $0x7, v3;
	v4 =	vand.u32 $0xFFFFFFF0, v42  }
0x85: {  	v3 =	vor.u32 v3, v4  }
0x86: {  	v4 =	vperm.xlane v3, v0;
	_ =	sdelay $0x1  }
0x87: {  	v3 =	vperm.xlane v3, v2;
	v4 =	vadd.s32 v1, v4;
	_ =	sdelay $0x1  }
0x88: {  	v3 =	vadd.s32 v1, v3;
	_ =	sdelay $0x2  }
0x89: {  	[tilespmem:s16], [sflag:$0x1] =	stream.indirect_vreg.gather [hbm4b:s3+s1], $0x80, v4, vm0, $0xb8;
	[tilespmem:$0x8100] =	vst v63  }
0x8a: {  	_ = 	snop  }
0x8b: {  	[tilespmem:s17], [sflag:$0x1] =	stream.indirect_vreg.gather [hbm4b:s3+s1], $0x80, v3, vm0, $0xb8;
	[tilespmem:$0x8100] =	vst v63  }
0x8c: {  	v3 =	vld [tilespmem:$0xB0];
	_ =	sdelay $0x4  }
0x8d: {  	v43 =	vshll.u32 v3, $0x1  }
0x8e: {  	v3 =	vand.u32 $0x7, v3;
	v4 =	vand.u32 $0xFFFFFFF0, v43  }
0x8f: {  	v3 =	vor.u32 v3, v4  }
0x90: {  	v4 =	vperm.xlane v3, v0;
	_ =	sdelay $0x1  }
0x91: {  	v3 =	vperm.xlane v3, v2;
	v4 =	vadd.s32 v1, v4;
	_ =	sdelay $0x1  }
0x92: {  	v3 =	vadd.s32 v1, v3;
	_ =	sdelay $0x2  }
0x93: {  	[tilespmem:s18], [sflag:$0x1] =	stream.indirect_vreg.gather [hbm4b:s3+s1], $0x80, v4, vm0, $0xb8;
	[tilespmem:$0x8100] =	vst v63  }
0x94: {  	_ = 	snop  }
0x95: {  	[tilespmem:s19], [sflag:$0x1] =	stream.indirect_vreg.gather [hbm4b:s3+s1], $0x80, v3, vm0, $0xb8;
	[tilespmem:$0x8100] =	vst v63  }
0x96: {  	v3 =	vld [tilespmem:$0xC0];
	_ =	sdelay $0x4  }
0x97: {  	v44 =	vshll.u32 v3, $0x1  }
0x98: {  	v3 =	vand.u32 $0x7, v3;
	v4 =	vand.u32 $0xFFFFFFF0, v44  }
0x99: {  	v3 =	vor.u32 v3, v4  }
0x9a: {  	v4 =	vperm.xlane v3, v0;
	_ =	sdelay $0x1  }
0x9b: {  	v3 =	vperm.xlane v3, v2;
	v4 =	vadd.s32 v1, v4;
	_ =	sdelay $0x1  }
0x9c: {  	v3 =	vadd.s32 v1, v3;
	_ =	sdelay $0x2  }
0x9d: {  	[tilespmem:s20], [sflag:$0x1] =	stream.indirect_vreg.gather [hbm4b:s3+s1], $0x80, v4, vm0, $0xb8;
	[tilespmem:$0x8100] =	vst v63  }
0x9e: {  	_ = 	snop  }
0x9f: {  	[tilespmem:s21], [sflag:$0x1] =	stream.indirect_vreg.gather [hbm4b:s3+s1], $0x80, v3, vm0, $0xb8;
	[tilespmem:$0x8100] =	vst v63  }
0xa0: {  	v3 =	vld [tilespmem:$0xD0];
	_ =	sdelay $0x4  }
0xa1: {  	v45 =	vshll.u32 v3, $0x1  }
0xa2: {  	v3 =	vand.u32 $0x7, v3;
	v4 =	vand.u32 $0xFFFFFFF0, v45  }
0xa3: {  	v3 =	vor.u32 v3, v4  }
0xa4: {  	v4 =	vperm.xlane v3, v0;
	_ =	sdelay $0x1  }
0xa5: {  	v3 =	vperm.xlane v3, v2;
	v4 =	vadd.s32 v1, v4;
	_ =	sdelay $0x1  }
0xa6: {  	v3 =	vadd.s32 v1, v3;
	_ =	sdelay $0x2  }
0xa7: {  	[tilespmem:s22], [sflag:$0x1] =	stream.indirect_vreg.gather [hbm4b:s3+s1], $0x80, v4, vm0, $0xb8;
	[tilespmem:$0x8100] =	vst v63  }
0xa8: {  	_ = 	snop  }
0xa9: {  	[tilespmem:s23], [sflag:$0x1] =	stream.indirect_vreg.gather [hbm4b:s3+s1], $0x80, v3, vm0, $0xb8;
	[tilespmem:$0x8100] =	vst v63  }
0xaa: {  	v3 =	vld [tilespmem:$0xE0];
	_ =	sdelay $0x4  }
0xab: {  	v46 =	vshll.u32 v3, $0x1  }
0xac: {  	v3 =	vand.u32 $0x7, v3;
	v4 =	vand.u32 $0xFFFFFFF0, v46  }
0xad: {  	v3 =	vor.u32 v3, v4  }
0xae: {  	v4 =	vperm.xlane v3, v0;
	_ =	sdelay $0x1  }
0xaf: {  	v3 =	vperm.xlane v3, v2;
	v4 =	vadd.s32 v1, v4;
	_ =	sdelay $0x1  }
0xb0: {  	v3 =	vadd.s32 v1, v3;
	_ =	sdelay $0x2  }
0xb1: {  	[tilespmem:s24], [sflag:$0x1] =	stream.indirect_vreg.gather [hbm4b:s3+s1], $0x80, v4, vm0, $0xb8;
	[tilespmem:$0x8100] =	vst v63  }
0xb2: {  	_ = 	snop  }
0xb3: {  	[tilespmem:s25], [sflag:$0x1] =	stream.indirect_vreg.gather [hbm4b:s3+s1], $0x80, v3, vm0, $0xb8;
	[tilespmem:$0x8100] =	vst v63  }
0xb4: {  	v3 =	vld [tilespmem:$0xF0];
	_ =	sdelay $0x4  }
0xb5: {  	v47 =	vshll.u32 v3, $0x1  }
0xb6: {  	v3 =	vand.u32 $0x7, v3;
	v4 =	vand.u32 $0xFFFFFFF0, v47  }
0xb7: {  	v3 =	vor.u32 v3, v4  }
0xb8: {  	v4 =	vperm.xlane v3, v0;
	_ =	sdelay $0x1  }
0xb9: {  	v3 =	vperm.xlane v3, v2;
	v4 =	vadd.s32 v1, v4;
	_ =	sdelay $0x1  }
0xba: {  	v3 =	vadd.s32 v1, v3;
	_ =	sdelay $0x2  }
0xbb: {  	[tilespmem:s26], [sflag:$0x1] =	stream.indirect_vreg.gather [hbm4b:s3+s1], $0x80, v4, vm0, $0xb8;
	[tilespmem:$0x8100] =	vst v63  }
0xbc: {  	_ = 	snop  }
0xbd: {  	[tilespmem:s28], [sflag:$0x1] =	stream.indirect_vreg.gather [hbm4b:s3+s1], $0x80, v3, vm0, $0xb8;
	[tilespmem:$0x8100] =	vst v63  }
0xbe: {  	_ =	swait.ge [sflag:s29], $0x8000  }
0xbf: {  	[sflag:s29] =	ssyncset.done $0x0  }
0xc0: {  	[sflag:s29] =	ssyncadd.s32 $0xFFFF8000  }
0xc1: {  	[hbm4b:s6+s1] =	stream.linear.scatter [tilespmem:s12], [sflag:$0x2], $0x8000, $0x38;
	[tilespmem:$0x8100] =	vst v63  }
0xc2: {  	_ =	swait.ge [sflag:s11], $0x8000  }
0xc3: {  	[sflag:s11] =	ssyncset.done $0x0  }
0xc4: {  	[sflag:s11] =	ssyncadd.s32 $0xFFFF8000  }
0xc5: {  	[tilespmem:s1], [sflag:$0x2] =	stream.linear.gather [hbm4b:s7+s1], $0x100, $0x38;
	[tilespmem:$0x8100] =	vst v63  }
0xc6: {  	_ =	swait.ge [sflag:s11], $0x100  }
0xc7: {  	[sflag:s11] =	ssyncset.done $0x0  }
0xc8: {  	[sflag:s11] =	ssyncadd.s32 $0xFFFFFF00  }
0xc9: {  	v3 =	vld [tilespmem:$0x0];
	_ =	sdelay $0x4  }
0xca: {  	v48 =	vshll.u32 v3, $0x1  }
0xcb: {  	v3 =	vand.u32 $0x7, v3;
	v4 =	vand.u32 $0xFFFFFFF0, v48  }
0xcc: {  	v3 =	vor.u32 v3, v4  }
0xcd: {  	v4 =	vperm.xlane v3, v0;
	_ =	sdelay $0x1  }
0xce: {  	v3 =	vperm.xlane v3, v2;
	v4 =	vadd.s32 v1, v4;
	_ =	sdelay $0x1  }
0xcf: {  	v3 =	vadd.s32 v1, v3;
	_ =	sdelay $0x2  }
0xd0: {  	[tilespmem:s12], [sflag:$0x1] =	stream.indirect_vreg.gather [hbm4b:s3+s1], $0x80, v4, vm0, $0xb8;
	[tilespmem:$0x8100] =	vst v63  }
0xd1: {  	_ = 	snop  }
0xd2: {  	[tilespmem:s13], [sflag:$0x1] =	stream.indirect_vreg.gather [hbm4b:s3+s1], $0x80, v3, vm0, $0xb8;
	[tilespmem:$0x8100] =	vst v63  }
0xd3: {  	v3 =	vld [tilespmem:$0x10];
	_ =	sdelay $0x4  }
0xd4: {  	v49 =	vshll.u32 v3, $0x1  }
0xd5: {  	v3 =	vand.u32 $0x7, v3;
	v4 =	vand.u32 $0xFFFFFFF0, v49  }
0xd6: {  	v3 =	vor.u32 v3, v4  }
0xd7: {  	v4 =	vperm.xlane v3, v0;
	_ =	sdelay $0x1  }
0xd8: {  	v3 =	vperm.xlane v3, v2;
	v4 =	vadd.s32 v1, v4;
	_ =	sdelay $0x1  }
0xd9: {  	v3 =	vadd.s32 v1, v3;
	_ =	sdelay $0x2  }
0xda: {  	[tilespmem:s14], [sflag:$0x1] =	stream.indirect_vreg.gather [hbm4b:s3+s1], $0x80, v4, vm0, $0xb8;
	[tilespmem:$0x8100] =	vst v63  }
0xdb: {  	_ = 	snop  }
0xdc: {  	[tilespmem:s15], [sflag:$0x1] =	stream.indirect_vreg.gather [hbm4b:s3+s1], $0x80, v3, vm0, $0xb8;
	[tilespmem:$0x8100] =	vst v63  }
0xdd: {  	v3 =	vld [tilespmem:$0x20];
	_ =	sdelay $0x4  }
0xde: {  	v50 =	vshll.u32 v3, $0x1  }
0xdf: {  	v3 =	vand.u32 $0x7, v3;
	v4 =	vand.u32 $0xFFFFFFF0, v50  }
0xe0: {  	v3 =	vor.u32 v3, v4  }
0xe1: {  	v4 =	vperm.xlane v3, v0;
	_ =	sdelay $0x1  }
0xe2: {  	v3 =	vperm.xlane v3, v2;
	v4 =	vadd.s32 v1, v4;
	_ =	sdelay $0x1  }
0xe3: {  	v3 =	vadd.s32 v1, v3;
	_ =	sdelay $0x2  }
0xe4: {  	[tilespmem:s16], [sflag:$0x1] =	stream.indirect_vreg.gather [hbm4b:s3+s1], $0x80, v4, vm0, $0xb8;
	[tilespmem:$0x8100] =	vst v63  }
0xe5: {  	_ = 	snop  }
0xe6: {  	[tilespmem:s17], [sflag:$0x1] =	stream.indirect_vreg.gather [hbm4b:s3+s1], $0x80, v3, vm0, $0xb8;
	[tilespmem:$0x8100] =	vst v63  }
0xe7: {  	v3 =	vld [tilespmem:$0x30];
	_ =	sdelay $0x4  }
0xe8: {  	v51 =	vshll.u32 v3, $0x1  }
0xe9: {  	v3 =	vand.u32 $0x7, v3;
	v4 =	vand.u32 $0xFFFFFFF0, v51  }
0xea: {  	v3 =	vor.u32 v3, v4  }
0xeb: {  	v4 =	vperm.xlane v3, v0;
	_ =	sdelay $0x1  }
0xec: {  	v3 =	vperm.xlane v3, v2;
	v4 =	vadd.s32 v1, v4;
	_ =	sdelay $0x1  }
0xed: {  	v3 =	vadd.s32 v1, v3;
	_ =	sdelay $0x2  }
0xee: {  	[tilespmem:s18], [sflag:$0x1] =	stream.indirect_vreg.gather [hbm4b:s3+s1], $0x80, v4, vm0, $0xb8;
	[tilespmem:$0x8100] =	vst v63  }
0xef: {  	_ = 	snop  }
0xf0: {  	[tilespmem:s19], [sflag:$0x1] =	stream.indirect_vreg.gather [hbm4b:s3+s1], $0x80, v3, vm0, $0xb8;
	[tilespmem:$0x8100] =	vst v63  }
0xf1: {  	v3 =	vld [tilespmem:$0x40];
	_ =	sdelay $0x4  }
0xf2: {  	v52 =	vshll.u32 v3, $0x1  }
0xf3: {  	v3 =	vand.u32 $0x7, v3;
	v4 =	vand.u32 $0xFFFFFFF0, v52  }
0xf4: {  	v3 =	vor.u32 v3, v4  }
0xf5: {  	v4 =	vperm.xlane v3, v0;
	_ =	sdelay $0x1  }
0xf6: {  	v3 =	vperm.xlane v3, v2;
	v4 =	vadd.s32 v1, v4;
	_ =	sdelay $0x1  }
0xf7: {  	v3 =	vadd.s32 v1, v3;
	_ =	sdelay $0x2  }
0xf8: {  	[tilespmem:s20], [sflag:$0x1] =	stream.indirect_vreg.gather [hbm4b:s3+s1], $0x80, v4, vm0, $0xb8;
	[tilespmem:$0x8100] =	vst v63  }
0xf9: {  	_ = 	snop  }
0xfa: {  	[tilespmem:s21], [sflag:$0x1] =	stream.indirect_vreg.gather [hbm4b:s3+s1], $0x80, v3, vm0, $0xb8;
	[tilespmem:$0x8100] =	vst v63  }
0xfb: {  	v3 =	vld [tilespmem:$0x50];
	_ =	sdelay $0x4  }
0xfc: {  	v53 =	vshll.u32 v3, $0x1  }
0xfd: {  	v3 =	vand.u32 $0x7, v3;
	v4 =	vand.u32 $0xFFFFFFF0, v53  }
0xfe: {  	v3 =	vor.u32 v3, v4  }
0xff: {  	v4 =	vperm.xlane v3, v0;
	_ =	sdelay $0x1  }
0x100: {  	v3 =	vperm.xlane v3, v2;
	v4 =	vadd.s32 v1, v4;
	_ =	sdelay $0x1  }
0x101: {  	v3 =	vadd.s32 v1, v3;
	_ =	sdelay $0x2  }
0x102: {  	[tilespmem:s22], [sflag:$0x1] =	stream.indirect_vreg.gather [hbm4b:s3+s1], $0x80, v4, vm0, $0xb8;
	[tilespmem:$0x8100] =	vst v63  }
0x103: {  	_ = 	snop  }
0x104: {  	[tilespmem:s23], [sflag:$0x1] =	stream.indirect_vreg.gather [hbm4b:s3+s1], $0x80, v3, vm0, $0xb8;
	[tilespmem:$0x8100] =	vst v63  }
0x105: {  	v3 =	vld [tilespmem:$0x60];
	_ =	sdelay $0x4  }
0x106: {  	v54 =	vshll.u32 v3, $0x1  }
0x107: {  	v3 =	vand.u32 $0x7, v3;
	v4 =	vand.u32 $0xFFFFFFF0, v54  }
0x108: {  	v3 =	vor.u32 v3, v4  }
0x109: {  	v4 =	vperm.xlane v3, v0;
	_ =	sdelay $0x1  }
0x10a: {  	v3 =	vperm.xlane v3, v2;
	v4 =	vadd.s32 v1, v4;
	_ =	sdelay $0x1  }
0x10b: {  	v3 =	vadd.s32 v1, v3;
	_ =	sdelay $0x2  }
0x10c: {  	[tilespmem:s24], [sflag:$0x1] =	stream.indirect_vreg.gather [hbm4b:s3+s1], $0x80, v4, vm0, $0xb8;
	[tilespmem:$0x8100] =	vst v63  }
0x10d: {  	_ = 	snop  }
0x10e: {  	[tilespmem:s25], [sflag:$0x1] =	stream.indirect_vreg.gather [hbm4b:s3+s1], $0x80, v3, vm0, $0xb8;
	[tilespmem:$0x8100] =	vst v63  }
0x10f: {  	v3 =	vld [tilespmem:$0x70];
	_ =	sdelay $0x4  }
0x110: {  	v55 =	vshll.u32 v3, $0x1  }
0x111: {  	v3 =	vand.u32 $0x7, v3;
	v4 =	vand.u32 $0xFFFFFFF0, v55  }
0x112: {  	v3 =	vor.u32 v3, v4  }
0x113: {  	v4 =	vperm.xlane v3, v0;
	_ =	sdelay $0x1  }
0x114: {  	v3 =	vperm.xlane v3, v2;
	v4 =	vadd.s32 v1, v4;
	_ =	sdelay $0x1  }
0x115: {  	v3 =	vadd.s32 v1, v3;
	_ =	sdelay $0x2  }
0x116: {  	[tilespmem:s26], [sflag:$0x1] =	stream.indirect_vreg.gather [hbm4b:s3+s1], $0x80, v4, vm0, $0xb8;
	[tilespmem:$0x8100] =	vst v63  }
0x117: {  	_ = 	snop  }
0x118: {  	[tilespmem:s28], [sflag:$0x1] =	stream.indirect_vreg.gather [hbm4b:s3+s1], $0x80, v3, vm0, $0xb8;
	[tilespmem:$0x8100] =	vst v63  }
0x119: {  	_ =	swait.ge [sflag:s29], $0x8000  }
0x11a: {  	[sflag:s29] =	ssyncset.done $0x0  }
0x11b: {  	[sflag:s29] =	ssyncadd.s32 $0xFFFF8000  }
0x11c: {  	[hbm4b:s8+s1] =	stream.linear.scatter [tilespmem:s12], [sflag:$0x2], $0x8000, $0x38;
	[tilespmem:$0x8100] =	vst v63  }
0x11d: {  	_ =	swait.ge [sflag:s11], $0x8000  }
0x11e: {  	[sflag:s11] =	ssyncset.done $0x0  }
0x11f: {  	[sflag:s11] =	ssyncadd.s32 $0xFFFF8000  }
0x120: {  	v3 =	vld [tilespmem:$0x80];
	_ =	sdelay $0x4  }
0x121: {  	v56 =	vshll.u32 v3, $0x1  }
0x122: {  	v3 =	vand.u32 $0x7, v3;
	v4 =	vand.u32 $0xFFFFFFF0, v56  }
0x123: {  	v3 =	vor.u32 v3, v4  }
0x124: {  	v4 =	vperm.xlane v3, v0;
	_ =	sdelay $0x1  }
0x125: {  	v3 =	vperm.xlane v3, v2;
	v4 =	vadd.s32 v1, v4;
	_ =	sdelay $0x1  }
0x126: {  	v3 =	vadd.s32 v1, v3;
	_ =	sdelay $0x2  }
0x127: {  	[tilespmem:s12], [sflag:$0x1] =	stream.indirect_vreg.gather [hbm4b:s3+s1], $0x80, v4, vm0, $0xb8;
	[tilespmem:$0x8100] =	vst v63  }
0x128: {  	_ = 	snop  }
0x129: {  	[tilespmem:s13], [sflag:$0x1] =	stream.indirect_vreg.gather [hbm4b:s3+s1], $0x80, v3, vm0, $0xb8;
	[tilespmem:$0x8100] =	vst v63  }
0x12a: {  	v3 =	vld [tilespmem:$0x90];
	_ =	sdelay $0x4  }
0x12b: {  	v57 =	vshll.u32 v3, $0x1  }
0x12c: {  	v3 =	vand.u32 $0x7, v3;
	v4 =	vand.u32 $0xFFFFFFF0, v57  }
0x12d: {  	v3 =	vor.u32 v3, v4  }
0x12e: {  	v4 =	vperm.xlane v3, v0;
	_ =	sdelay $0x1  }
0x12f: {  	v3 =	vperm.xlane v3, v2;
	v4 =	vadd.s32 v1, v4;
	_ =	sdelay $0x1  }
0x130: {  	v3 =	vadd.s32 v1, v3;
	_ =	sdelay $0x2  }
0x131: {  	[tilespmem:s14], [sflag:$0x1] =	stream.indirect_vreg.gather [hbm4b:s3+s1], $0x80, v4, vm0, $0xb8;
	[tilespmem:$0x8100] =	vst v63  }
0x132: {  	_ = 	snop  }
0x133: {  	[tilespmem:s15], [sflag:$0x1] =	stream.indirect_vreg.gather [hbm4b:s3+s1], $0x80, v3, vm0, $0xb8;
	[tilespmem:$0x8100] =	vst v63  }
0x134: {  	v3 =	vld [tilespmem:$0xA0];
	_ =	sdelay $0x4  }
0x135: {  	v58 =	vshll.u32 v3, $0x1  }
0x136: {  	v3 =	vand.u32 $0x7, v3;
	v4 =	vand.u32 $0xFFFFFFF0, v58  }
0x137: {  	v3 =	vor.u32 v3, v4  }
0x138: {  	v4 =	vperm.xlane v3, v0;
	_ =	sdelay $0x1  }
0x139: {  	v3 =	vperm.xlane v3, v2;
	v4 =	vadd.s32 v1, v4;
	_ =	sdelay $0x1  }
0x13a: {  	v3 =	vadd.s32 v1, v3;
	_ =	sdelay $0x2  }
0x13b: {  	[tilespmem:s16], [sflag:$0x1] =	stream.indirect_vreg.gather [hbm4b:s3+s1], $0x80, v4, vm0, $0xb8;
	[tilespmem:$0x8100] =	vst v63  }
0x13c: {  	_ = 	snop  }
0x13d: {  	[tilespmem:s17], [sflag:$0x1] =	stream.indirect_vreg.gather [hbm4b:s3+s1], $0x80, v3, vm0, $0xb8;
	[tilespmem:$0x8100] =	vst v63  }
0x13e: {  	v3 =	vld [tilespmem:$0xB0];
	_ =	sdelay $0x4  }
0x13f: {  	v59 =	vshll.u32 v3, $0x1  }
0x140: {  	v3 =	vand.u32 $0x7, v3;
	v4 =	vand.u32 $0xFFFFFFF0, v59  }
0x141: {  	v3 =	vor.u32 v3, v4  }
0x142: {  	v4 =	vperm.xlane v3, v0;
	_ =	sdelay $0x1  }
0x143: {  	v3 =	vperm.xlane v3, v2;
	v4 =	vadd.s32 v1, v4;
	_ =	sdelay $0x1  }
0x144: {  	v3 =	vadd.s32 v1, v3;
	_ =	sdelay $0x2  }
0x145: {  	[tilespmem:s18], [sflag:$0x1] =	stream.indirect_vreg.gather [hbm4b:s3+s1], $0x80, v4, vm0, $0xb8;
	[tilespmem:$0x8100] =	vst v63  }
0x146: {  	_ = 	snop  }
0x147: {  	[tilespmem:s19], [sflag:$0x1] =	stream.indirect_vreg.gather [hbm4b:s3+s1], $0x80, v3, vm0, $0xb8;
	[tilespmem:$0x8100] =	vst v63  }
0x148: {  	v3 =	vld [tilespmem:$0xC0];
	_ =	sdelay $0x4  }
0x149: {  	v60 =	vshll.u32 v3, $0x1  }
0x14a: {  	v3 =	vand.u32 $0x7, v3;
	v4 =	vand.u32 $0xFFFFFFF0, v60  }
0x14b: {  	v3 =	vor.u32 v3, v4  }
0x14c: {  	v4 =	vperm.xlane v3, v0;
	_ =	sdelay $0x1  }
0x14d: {  	v3 =	vperm.xlane v3, v2;
	v4 =	vadd.s32 v1, v4;
	_ =	sdelay $0x1  }
0x14e: {  	v3 =	vadd.s32 v1, v3;
	_ =	sdelay $0x2  }
0x14f: {  	[tilespmem:s20], [sflag:$0x1] =	stream.indirect_vreg.gather [hbm4b:s3+s1], $0x80, v4, vm0, $0xb8;
	[tilespmem:$0x8100] =	vst v63  }
0x150: {  	_ = 	snop  }
0x151: {  	[tilespmem:s21], [sflag:$0x1] =	stream.indirect_vreg.gather [hbm4b:s3+s1], $0x80, v3, vm0, $0xb8;
	[tilespmem:$0x8100] =	vst v63  }
0x152: {  	v3 =	vld [tilespmem:$0xD0];
	_ =	sdelay $0x4  }
0x153: {  	v61 =	vshll.u32 v3, $0x1  }
0x154: {  	v3 =	vand.u32 $0x7, v3;
	v4 =	vand.u32 $0xFFFFFFF0, v61  }
0x155: {  	v3 =	vor.u32 v3, v4  }
0x156: {  	v4 =	vperm.xlane v3, v0;
	_ =	sdelay $0x1  }
0x157: {  	v3 =	vperm.xlane v3, v2;
	v4 =	vadd.s32 v1, v4;
	_ =	sdelay $0x1  }
0x158: {  	v3 =	vadd.s32 v1, v3;
	_ =	sdelay $0x2  }
0x159: {  	[tilespmem:s22], [sflag:$0x1] =	stream.indirect_vreg.gather [hbm4b:s3+s1], $0x80, v4, vm0, $0xb8;
	[tilespmem:$0x8100] =	vst v63  }
0x15a: {  	_ = 	snop  }
0x15b: {  	[tilespmem:s23], [sflag:$0x1] =	stream.indirect_vreg.gather [hbm4b:s3+s1], $0x80, v3, vm0, $0xb8;
	[tilespmem:$0x8100] =	vst v63  }
0x15c: {  	v3 =	vld [tilespmem:$0xE0];
	_ =	sdelay $0x4  }
0x15d: {  	v62 =	vshll.u32 v3, $0x1  }
0x15e: {  	v3 =	vand.u32 $0x7, v3;
	v4 =	vand.u32 $0xFFFFFFF0, v62  }
0x15f: {  	v3 =	vor.u32 v3, v4  }
0x160: {  	v4 =	vperm.xlane v3, v0;
	_ =	sdelay $0x1  }
0x161: {  	v3 =	vperm.xlane v3, v2;
	v4 =	vadd.s32 v1, v4;
	_ =	sdelay $0x1  }
0x162: {  	v3 =	vadd.s32 v1, v3;
	_ =	sdelay $0x2  }
0x163: {  	[tilespmem:s24], [sflag:$0x1] =	stream.indirect_vreg.gather [hbm4b:s3+s1], $0x80, v4, vm0, $0xb8;
	[tilespmem:$0x8100] =	vst v63  }
0x164: {  	_ = 	snop  }
0x165: {  	[tilespmem:s25], [sflag:$0x1] =	stream.indirect_vreg.gather [hbm4b:s3+s1], $0x80, v3, vm0, $0xb8;
	[tilespmem:$0x8100] =	vst v63  }
0x166: {  	v3 =	vld [tilespmem:$0xF0];
	_ =	sdelay $0x4  }
0x167: {  	v63 =	vshll.u32 v3, $0x1  }
0x168: {  	v3 =	vand.u32 $0x7, v3;
	v4 =	vand.u32 $0xFFFFFFF0, v63  }
0x169: {  	v3 =	vor.u32 v3, v4  }
0x16a: {  	v4 =	vperm.xlane v3, v0;
	_ =	sdelay $0x1  }
0x16b: {  	v3 =	vperm.xlane v3, v2;
	v4 =	vadd.s32 v1, v4;
	_ =	sdelay $0x1  }
0x16c: {  	v3 =	vadd.s32 v1, v3;
	_ =	sdelay $0x2  }
0x16d: {  	[tilespmem:s26], [sflag:$0x1] =	stream.indirect_vreg.gather [hbm4b:s3+s1], $0x80, v4, vm0, $0xb8;
	[tilespmem:$0x8100] =	vst v63  }
0x16e: {  	_ = 	snop  }
0x16f: {  	[tilespmem:s28], [sflag:$0x1] =	stream.indirect_vreg.gather [hbm4b:s3+s1], $0x80, v3, vm0, $0xb8;
	[tilespmem:$0x8100] =	vst v63  }
0x170: {  	_ =	swait.ge [sflag:s29], $0x8000  }
0x171: {  	p0 =	sne.s32 s10, $0x1;
	[sflag:s29] =	ssyncset.done $0x0  }
.Ltmp0:
0x172: {  	[sflag:s29] =	ssyncadd.s32 $0xFFFF8000;
	(pc) =	sbr.rel @p0 .LBB2_1-.Ltmp0, $4  }
0x173: {  	[hbm4b:s9+s1] =	stream.linear.scatter [tilespmem:s12], [sflag:$0x2], $0x8000, $0x38;
	[tilespmem:$0x8100] =	vst v63  }
0x174: {  	_ =	swait.ge [sflag:s11], $0x8000  }
0x175: {  	[sflag:s11] =	ssyncset.done $0x0  }
0x176: {  	s10 =	sadd.s32 $0xFFFFFFFF, s10;
	[sflag:s11] =	ssyncadd.s32 $0xFFFF8000  }
0x177: {  	_ =	sfence.sel $0x180000  }
0x178: {  	[bflag:$0x0] =	sbarrier.arrive $0xFFFF  }
0x179: {  	p0 =	sne.s32 s2, $0x0;
	_ =	strace $0x90000050  }
0x17a: {  	s0 =	sadd.s32 @!p0 $0x100000, s0;
	[bflag:$0x2] =	sbarrier.arrive $0xFFFF  }
0x17b: {  	[sflag:s0] =	ssyncadd.tile.s32 @!p0 $0x1;
	_ =	shalt  }
.Lfunc_end2:
_tile_overlayer_lowered:
.L_overlay_start_2:
0x17c: {  	(tag) =	ssettag $0x2  }
0x17d: {  	s0 =	rddreg [dreg:$0x0];
	s2 =	stileid.u32  }
0x17e: {  	s1 =	rddreg [dreg:$0x1];
	p0 =	sne.s32 s2, $0x0  }
0x17f: {  	s3 =	rddreg [dreg:$0x2];
	[bflag:$0x3] =	sbarrier.arrive $0xFFFF;
	s2 =	simm.s32 @!p0 $0x1C02  }
0x180: {  	[timem:s3], [sflag:s2] =	dma.local @!p0 [hbm:s0], s1  }
0x181: {  	s0 =	simm.s32 @!p0 $0x2  }
0x182: {  	_ =	swait.ge @!p0 [sflag:s0], s1  }
0x183: {  	s1 =	ssub.s32 @!p0 $0x0, s1;
	[sflag:s0] =	ssyncset.done @!p0 $0x0  }
0x184: {  	[sflag:s0] =	ssyncadd.s32 @!p0 s1  }
0x185: {  	[bflag:$0x3] =	sbarrier.arrive $0xFFFF  }
0x186: {  	_ =	shalt  }

</sc_bundles>
